<compile_context>
chip_gen: v7x
topology: tpu7x:2x2x1
jax: 0.10.2.dev20260603
libtpu: 0.0.44.dev20260713+nightly
codegen_flags: <defaults>
</compile_context>

<pallas_src>
import functools

import jax
import jax.numpy as jnp
from jax import lax
from jax.experimental import pallas as pl
from jax.experimental.pallas import tpu as pltpu
from jax.experimental.pallas import tpu_sc as plsc

B_, H_, W_, C_ = 8, 112, 112, 96
N = B_ * H_ * W_ * C_
M = 8 * 224 * 224 * 96
NWORK = 32
NT = N // NWORK
BIN_SHIFT = 20
SLICE = 1 << BIN_SHIFT
NBIN = (M + SLICE - 1) // SLICE
LAST_LEN = M - (NBIN - 1) * SLICE
RCAP = NT + 100352
TOT = NBIN * NWORK * RCAP

W1 = 14336
NW1 = NT // W1
W2 = 2048
CSTRIDE = 64
Q = 128
SLOTS = W1 + NBIN * Q


def _phase1_body(idx_hbm, val_hbm, idxb_hbm, valb_hbm, cnt_hbm,
                 widx, wval, sidx, sval, binb, rankb,
                 wcur, start, pcnt, gcur, s_in1, s_in2, s_out):
    c = lax.axis_index("c")
    s = lax.axis_index("s")
    w = s * 2 + c
    base = w * NT
    wbase = w * RCAP
    iota = lax.iota(jnp.int32, 16)

    zero16 = jnp.zeros((16,), jnp.int32)
    for k in range(CSTRIDE // 16):
        gcur[pl.ds(k * 16, 16)] = zero16
        wcur[pl.ds(k * 16, 16)] = zero16

    def _scalar_at(ref, j):
        vst = pl.multiple_of(lax.shift_right_logical(j, 4) * 16, 16)
        v = ref[pl.ds(vst, 16)]
        return jnp.sum(jnp.where(iota == jnp.bitwise_and(j, 15), v, 0))

    def win_body(g, carry):
        off0 = base + g * W1
        d1 = pltpu.async_copy(idx_hbm.at[pl.ds(off0, W1)], widx, s_in1)
        d2 = pltpu.async_copy(val_hbm.at[pl.ds(off0, W1)], wval, s_in2)

        def zs_body(i, carry2):
            sval[pl.ds(pl.multiple_of(i * 16, 16), 16)] = jnp.zeros(
                (16,), jnp.float32)
            return carry2

        lax.fori_loop(0, SLOTS // 16, zs_body, 0, unroll=4)
        d1.wait()
        d2.wait()

        def rank_body(i, carry2):
            st = pl.multiple_of(i * 16, 16)
            iv = widx[pl.ds(st, 16)]
            b = lax.shift_right_logical(iv, BIN_SHIFT)
            cnt, last = plsc.scan_count(b)
            cu = plsc.load_gather(wcur, [b])
            newc = cu + cnt
            binb[pl.ds(st, 16)] = b
            rankb[pl.ds(st, 16)] = newc - 1
            plsc.store_scatter(wcur, [b], newc, mask=last)
            return carry2

        lax.fori_loop(0, W1 // 16, rank_body, 0, unroll=2)

        tot = jnp.int32(0)
        for k in range(CSTRIDE // 16):
            st = pl.ds(k * 16, 16)
            v = wcur[st]
            p = jnp.bitwise_and(v + (Q - 1), -Q)
            inc = plsc.cumsum(p)
            start[st] = inc - p + tot
            pcnt[st] = p
            gcur[st] = gcur[st] + p
            wcur[st] = zero16
            tot = tot + jnp.sum(p)

        def place_body(i, carry2):
            st = pl.multiple_of(i * 16, 16)
            b = binb[pl.ds(st, 16)]
            r = rankb[pl.ds(st, 16)]
            loc = plsc.load_gather(start, [b]) + r
            plsc.store_scatter(sidx, [loc], widx[pl.ds(st, 16)])
            plsc.store_scatter(sval, [loc], wval[pl.ds(st, 16)])
            return carry2

        lax.fori_loop(0, W1 // 16, place_body, 0, unroll=2)

        def fire_body(b, carry2):
            st_b = _scalar_at(start, b)
            pc_b = _scalar_at(pcnt, b)
            gc_b = _scalar_at(gcur, b) - pc_b
            gb = b * (NWORK * RCAP) + wbase + gc_b

            def q_body(q, carry3):
                so = pl.multiple_of(st_b + q * Q, Q)
                do = pl.multiple_of(gb + q * Q, Q)
                pltpu.async_copy(sval.at[pl.ds(so, Q)],
                                 valb_hbm.at[pl.ds(do, Q)], s_out)
                pltpu.async_copy(sidx.at[pl.ds(so, Q)],
                                 idxb_hbm.at[pl.ds(do, Q)], s_out)
                return carry3

            nq = lax.shift_right_logical(pc_b, 7)
            lax.fori_loop(0, nq, q_body, 0)
            return carry2

        lax.fori_loop(0, NBIN, fire_body, 0)

        def drain_body(q, carry2):
            pltpu.make_async_copy(sval.at[pl.ds(0, Q)],
                                  valb_hbm.at[pl.ds(wbase, Q)], s_out).wait()
            pltpu.make_async_copy(sidx.at[pl.ds(0, Q)],
                                  idxb_hbm.at[pl.ds(wbase, Q)], s_out).wait()
            return carry2

        lax.fori_loop(0, lax.shift_right_logical(tot, 7), drain_body, 0)
        return carry

    lax.fori_loop(0, NW1, win_body, 0)
    pltpu.sync_copy(gcur, cnt_hbm.at[pl.ds(pl.multiple_of(w * CSTRIDE, CSTRIDE),
                                           CSTRIDE)])


def _phase2_body(idxb_hbm, valb_hbm, cnt_hbm, out_hbm,
                 widx, wval, wloc, cntv, zbuf, acc, s_add, s_z):
    c = lax.axis_index("c")
    s = lax.axis_index("s")
    iota = lax.iota(jnp.int32, 16)

    pltpu.sync_copy(cnt_hbm.at[pl.ds(2 * s * CSTRIDE, 2 * CSTRIDE)], cntv)

    def zb_body(k, carry):
        zbuf[pl.ds(pl.multiple_of(k * 16, 16), 16)] = jnp.zeros((16,), jnp.float32)
        return carry

    lax.fori_loop(0, 16384 // 16, zb_body, 0)

    def round_body(r, carry):
        b = 2 * r + c
        zds = [pltpu.async_copy(
            zbuf, acc.at[pl.ds(s * 65536 + k * 16384, 16384)], s_z)
            for k in range(4)]
        for d in zds:
            d.wait()
        plsc.subcore_barrier()

        for src in range(2):
            wsrc = 2 * s + src
            j = src * CSTRIDE + b
            vst = pl.multiple_of(lax.shift_right_logical(j, 4) * 16, 16)
            cv = cntv[pl.ds(vst, 16)]
            lane = jnp.bitwise_and(j, 15)
            cnt = jnp.sum(jnp.where(iota == lane, cv, 0))
            nwin = lax.shift_right_logical(cnt + (W2 - 1), 11)
            rbase = (b * NWORK + wsrc) * RCAP

            def win_body(g, carry2):
                pltpu.sync_copy(idxb_hbm.at[pl.ds(rbase + g * W2, W2)], widx)
                pltpu.sync_copy(valb_hbm.at[pl.ds(rbase + g * W2, W2)], wval)

                def vec_body(i, carry3):
                    st = pl.multiple_of(i * 16, 16)
                    iv = widx[pl.ds(st, 16)]
                    vv = wval[pl.ds(st, 16)]
                    gpos = g * W2 + i * 16 + iota
                    valid = gpos < cnt
                    wloc[pl.ds(st, 16)] = jnp.bitwise_and(iv, SLICE - 1)
                    wval[pl.ds(st, 16)] = jnp.where(valid, vv, 0.0)
                    return carry3

                lax.fori_loop(0, W2 // 16, vec_body, 0, unroll=2)
                pltpu.async_copy(wval, acc.at[wloc], s_add, add=True).wait()
                return carry2

            lax.fori_loop(0, nwin, win_body, 0)

        plsc.subcore_barrier()

        @pl.when(b < NBIN - 1)
        def _():
            pltpu.sync_copy(acc.at[pl.ds(s * 65536, 65536)],
                            out_hbm.at[pl.ds(b * SLICE + s * 65536, 65536)])

        @pl.when(b == NBIN - 1)
        def _():
            pltpu.sync_copy(
                acc.at[pl.ds(s * (LAST_LEN // 16), LAST_LEN // 16)],
                out_hbm.at[pl.ds(b * SLICE + s * (LAST_LEN // 16),
                                 LAST_LEN // 16)])
        return carry

    lax.fori_loop(0, 19 - c, round_body, 0)


@jax.jit
def kernel(inputs_values, unpool_mat):
    idx = unpool_mat.reshape(-1).astype(jnp.int32)
    val = inputs_values.reshape(-1)

    mesh = plsc.VectorSubcoreMesh(core_axis_name="c", subcore_axis_name="s")

    phase1 = functools.partial(
        pl.kernel,
        compiler_params=pltpu.CompilerParams(needs_layout_passes=False),
        out_type=(
            jax.ShapeDtypeStruct((TOT,), jnp.int32),
            jax.ShapeDtypeStruct((TOT,), jnp.float32),
            jax.ShapeDtypeStruct((NWORK * CSTRIDE,), jnp.int32),
        ),
        mesh=mesh,
        scratch_types=[
            pltpu.VMEM((W1,), jnp.int32),
            pltpu.VMEM((W1,), jnp.float32),
            pltpu.VMEM((SLOTS,), jnp.int32),
            pltpu.VMEM((SLOTS,), jnp.float32),
            pltpu.VMEM((W1,), jnp.int32),
            pltpu.VMEM((W1,), jnp.int32),
            pltpu.VMEM((CSTRIDE,), jnp.int32),
            pltpu.VMEM((CSTRIDE,), jnp.int32),
            pltpu.VMEM((CSTRIDE,), jnp.int32),
            pltpu.VMEM((CSTRIDE,), jnp.int32),
            pltpu.SemaphoreType.DMA,
            pltpu.SemaphoreType.DMA,
            pltpu.SemaphoreType.DMA,
        ],
    )(_phase1_body)
    idxb, valb, cnts = phase1(idx, val)

    phase2 = functools.partial(
        pl.kernel,
        compiler_params=pltpu.CompilerParams(needs_layout_passes=False),
        out_type=jax.ShapeDtypeStruct((M,), jnp.float32),
        mesh=mesh,
        scratch_types=[
            pltpu.VMEM((W2,), jnp.int32),
            pltpu.VMEM((W2,), jnp.float32),
            pltpu.VMEM((W2,), jnp.int32),
            pltpu.VMEM((2 * CSTRIDE,), jnp.int32),
            pltpu.VMEM((16384,), jnp.float32),
            pltpu.VMEM_SHARED((SLICE,), jnp.float32),
            pltpu.SemaphoreType.DMA,
            pltpu.SemaphoreType.DMA,
        ],
    )(_phase2_body)
    out = phase2(idxb, valb, cnts)

    return out.reshape(B_, 224, 224, C_)

# --- scband reference (transcript-rebuilt; emitter-appended) ---
"""Pipeline reference for scband-complex-un-pooling2-d-43336220016982 (READ-ONLY COPY).

The authoritative reference and input builder live on the scoring server;
editing this copy changes nothing except your own understanding.
"""

import jax, jax.numpy as jnp
import numpy as np

B, H_IN, W_IN, C = 8, 112, 112, 96
OUT_SHAPE = (224, 224, 96)
FLAT_OUT = OUT_SHAPE[0] * OUT_SHAPE[1] * OUT_SHAPE[2]

def setup_inputs(seed: int = 0) -> dict:
    key = jax.random.key(seed)
    k1, k2 = jax.random.split(key)
    inputs_values = jax.random.normal(k1, (B, H_IN, W_IN, C), dtype=jnp.float32)
    unpool_mat = jax.random.randint(k2, (B, H_IN, W_IN, C), 0, B * FLAT_OUT, dtype=jnp.int64)
    return {"inputs_values": inputs_values, "unpool_mat": unpool_mat}

def reference(inputs_values, unpool_mat):
    # Faithful translation of ComplexUnPooling2D.call with inputs=[inputs_values, unpool_mat]
    # output_shape = desired_output_shape = (224, 224, 96)
    batch = inputs_values.shape[0]
    flat_output_shape = FLAT_OUT
    shape = batch * flat_output_shape
    updates = inputs_values.reshape(-1)
    indices = unpool_mat.reshape(-1)
    # tf.scatter_nd sums duplicate indices -> .at[idx].add
    ret = jnp.zeros((shape,), dtype=updates.dtype).at[indices].add(updates)
    ret = ret.reshape((batch,) + OUT_SHAPE)
    return ret

if __name__ == "__main__":
    import jax
    _d = setup_inputs()
    print(jax.jit(kernel)(*tuple(_d.values())))

</pallas_src>

<mosaic_0001>
#map = affine_map<(d0, d1) -> (0)>
module attributes {stable_mosaic.version = 14 : i64} {
  func.func @_phase1_body(%arg0: i32, %arg1: i32, %arg2: memref<9633792xi32, #tpu.memory_space<hbm>>, %arg3: memref<9633792xf32, #tpu.memory_space<hbm>>, %arg4: memref<475267072xi32, #tpu.memory_space<hbm>>, %arg5: memref<475267072xf32, #tpu.memory_space<hbm>>, %arg6: memref<2048xi32, #tpu.memory_space<hbm>>, %arg7: memref<14336xi32, #tpu.memory_space<vmem>>, %arg8: memref<14336xf32, #tpu.memory_space<vmem>>, %arg9: memref<19072xi32, #tpu.memory_space<vmem>>, %arg10: memref<19072xf32, #tpu.memory_space<vmem>>, %arg11: memref<14336xi32, #tpu.memory_space<vmem>>, %arg12: memref<14336xi32, #tpu.memory_space<vmem>>, %arg13: memref<64xi32, #tpu.memory_space<vmem>>, %arg14: memref<64xi32, #tpu.memory_space<vmem>>, %arg15: memref<64xi32, #tpu.memory_space<vmem>>, %arg16: memref<64xi32, #tpu.memory_space<vmem>>, %arg17: memref<!tpu.dma_semaphore, #tpu.memory_space<semaphore_mem>>, %arg18: memref<!tpu.dma_semaphore, #tpu.memory_space<semaphore_mem>>, %arg19: memref<!tpu.dma_semaphore, #tpu.memory_space<semaphore_mem>>) attributes {dimension_semantics = [#tpu.dimension_semantics<core_parallel>, #tpu.dimension_semantics<subcore_parallel>], iteration_bounds = array<i64: 2, 16>, scalar_prefetch = 0 : i64, scratch_operands = 13 : i64, tpu.core_type = #tpu.core_type<sc_vector_subcore>, window_params = [{transform_indices = #map}, {transform_indices = #map}, {transform_indices = #map}, {transform_indices = #map}, {transform_indices = #map}]} {
    %mul3A = arith.constant 2 : i32
    %mul3A_0 = arith.muli %arg1, %mul3A : i32
    %add3A = arith.addi %mul3A_0, %arg0 : i32
    %mul3A_1 = arith.constant 301056 : i32
    %mul3A_2 = arith.muli %add3A, %mul3A_1 : i32
    %mul3A_3 = arith.constant 401408 : i32
    %mul3A_4 = arith.muli %add3A, %mul3A_3 : i32
    %iota3A = tpu.iota {dimensions = array<i32: 0>} : vector<16xi32>
    %broadcast_in_dim3A = arith.constant 0 : i32
    %broadcast_in_dim3A_5 = vector.broadcast %broadcast_in_dim3A : i32 to vector<16xi32>
    %swap3A = arith.constant 0 : index
    %swap3A_6 = tpu.vector_load %arg16[%swap3A] {strides = array<i32>} : memref<64xi32, #tpu.memory_space<vmem>>, vector<16xi32>,
    tpu.vector_store %arg16[%swap3A], %broadcast_in_dim3A_5 {strides = array<i32>} : memref<64xi32, #tpu.memory_space<vmem>>, vector<16xi32>,
    %swap3A_7 = arith.constant 0 : index
    %swap3A_8 = tpu.vector_load %arg13[%swap3A_7] {strides = array<i32>} : memref<64xi32, #tpu.memory_space<vmem>>, vector<16xi32>,
    tpu.vector_store %arg13[%swap3A_7], %broadcast_in_dim3A_5 {strides = array<i32>} : memref<64xi32, #tpu.memory_space<vmem>>, vector<16xi32>,
    %swap3A_9 = arith.constant 16 : index
    %swap3A_10 = tpu.vector_load %arg16[%swap3A_9] {strides = array<i32>} : memref<64xi32, #tpu.memory_space<vmem>>, vector<16xi32>,
    tpu.vector_store %arg16[%swap3A_9], %broadcast_in_dim3A_5 {strides = array<i32>} : memref<64xi32, #tpu.memory_space<vmem>>, vector<16xi32>,
    %swap3A_11 = arith.constant 16 : index
    %swap3A_12 = tpu.vector_load %arg13[%swap3A_11] {strides = array<i32>} : memref<64xi32, #tpu.memory_space<vmem>>, vector<16xi32>,
    tpu.vector_store %arg13[%swap3A_11], %broadcast_in_dim3A_5 {strides = array<i32>} : memref<64xi32, #tpu.memory_space<vmem>>, vector<16xi32>,
    %swap3A_13 = arith.constant 32 : index
    %swap3A_14 = tpu.vector_load %arg16[%swap3A_13] {strides = array<i32>} : memref<64xi32, #tpu.memory_space<vmem>>, vector<16xi32>,
    tpu.vector_store %arg16[%swap3A_13], %broadcast_in_dim3A_5 {strides = array<i32>} : memref<64xi32, #tpu.memory_space<vmem>>, vector<16xi32>,
    %swap3A_15 = arith.constant 32 : index
    %swap3A_16 = tpu.vector_load %arg13[%swap3A_15] {strides = array<i32>} : memref<64xi32, #tpu.memory_space<vmem>>, vector<16xi32>,
    tpu.vector_store %arg13[%swap3A_15], %broadcast_in_dim3A_5 {strides = array<i32>} : memref<64xi32, #tpu.memory_space<vmem>>, vector<16xi32>,
    %swap3A_17 = arith.constant 48 : index
    %swap3A_18 = tpu.vector_load %arg16[%swap3A_17] {strides = array<i32>} : memref<64xi32, #tpu.memory_space<vmem>>, vector<16xi32>,
    tpu.vector_store %arg16[%swap3A_17], %broadcast_in_dim3A_5 {strides = array<i32>} : memref<64xi32, #tpu.memory_space<vmem>>, vector<16xi32>,
    %swap3A_19 = arith.constant 48 : index
    %swap3A_20 = tpu.vector_load %arg13[%swap3A_19] {strides = array<i32>} : memref<64xi32, #tpu.memory_space<vmem>>, vector<16xi32>,
    tpu.vector_store %arg13[%swap3A_19], %broadcast_in_dim3A_5 {strides = array<i32>} : memref<64xi32, #tpu.memory_space<vmem>>, vector<16xi32>,
    %scan3A = arith.constant 0 : i32
    %scan3A_21 = arith.constant 0 : i32
    %scan3A_22 = arith.constant 21 : i32
    %scan3A_23 = arith.addi %scan3A_21, %scan3A_22 : i32
    %scan3A_24 = arith.constant 1 : i32
    scf.for %scan3A_28 = %scan3A_21 to %scan3A_23 step %scan3A_24  : i32 {
      %mul3A_29 = arith.constant 14336 : i32
      %mul3A_30 = arith.muli %scan3A_28, %mul3A_29 : i32
      %add3A_31 = arith.addi %mul3A_2, %mul3A_30 : i32
      %dma_start3A = tpu.memref_slice %arg2[%add3A_31] : memref<9633792xi32, #tpu.memory_space<hbm>> -> memref<14336xi32, #tpu.memory_space<hbm>>
      %dma_start3A_32 = tpu.memref_slice %arg2[%add3A_31] : memref<9633792xi32, #tpu.memory_space<hbm>> -> memref<14336xi32, #tpu.memory_space<hbm>>
      tpu.enqueue_dma source(%dma_start3A_32 : memref<14336xi32, #tpu.memory_space<hbm>>) target(%arg7 : memref<14336xi32, #tpu.memory_space<vmem>>) target_semaphore(%arg17 : memref<!tpu.dma_semaphore, #tpu.memory_space<semaphore_mem>>)
      %dma_start3A_33 = tpu.memref_slice %arg3[%add3A_31] : memref<9633792xf32, #tpu.memory_space<hbm>> -> memref<14336xf32, #tpu.memory_space<hbm>>
      %dma_start3A_34 = tpu.memref_slice %arg3[%add3A_31] : memref<9633792xf32, #tpu.memory_space<hbm>> -> memref<14336xf32, #tpu.memory_space<hbm>>
      tpu.enqueue_dma source(%dma_start3A_34 : memref<14336xf32, #tpu.memory_space<hbm>>) target(%arg8 : memref<14336xf32, #tpu.memory_space<vmem>>) target_semaphore(%arg18 : memref<!tpu.dma_semaphore, #tpu.memory_space<semaphore_mem>>)
      %scan3A_35 = arith.constant 0 : i32
      %scan3A_36 = arith.constant 0 : i32
      %scan3A_37 = arith.constant 1192 : i32
      %scan3A_38 = arith.addi %scan3A_36, %scan3A_37 : i32
      %scan3A_39 = arith.constant 4 : i32
      scf.for %scan3A_189 = %scan3A_36 to %scan3A_38 step %scan3A_39  : i32 {
        %broadcast_in_dim3A_190 = arith.constant 0.000000e+00 : f32
        %broadcast_in_dim3A_191 = vector.broadcast %broadcast_in_dim3A_190 : f32 to vector<16xf32>
        %mul3A_192 = arith.constant 16 : i32
        %mul3A_193 = arith.muli %scan3A_189, %mul3A_192 : i32
        %multiple_of3A_194 = tpu.assume_multiple %mul3A_193, 16 : i32
        %swap3A_195 = arith.index_cast %multiple_of3A_194 : i32 to index
        %swap3A_196 = tpu.vector_load %arg10[%swap3A_195] {strides = array<i32>} : memref<19072xf32, #tpu.memory_space<vmem>>, vector<16xf32>,
        tpu.vector_store %arg10[%swap3A_195], %broadcast_in_dim3A_191 {strides = array<i32>} : memref<19072xf32, #tpu.memory_space<vmem>>, vector<16xf32>,
        %scan3A_197 = arith.constant 1 : i32
        %scan3A_198 = arith.addi %scan3A_189, %scan3A_197 : i32
        %broadcast_in_dim3A_199 = arith.constant 0.000000e+00 : f32
        %broadcast_in_dim3A_200 = vector.broadcast %broadcast_in_dim3A_199 : f32 to vector<16xf32>
        %mul3A_201 = arith.constant 16 : i32
        %mul3A_202 = arith.muli %scan3A_198, %mul3A_201 : i32
        %multiple_of3A_203 = tpu.assume_multiple %mul3A_202, 16 : i32
        %swap3A_204 = arith.index_cast %multiple_of3A_203 : i32 to index
        %swap3A_205 = tpu.vector_load %arg10[%swap3A_204] {strides = array<i32>} : memref<19072xf32, #tpu.memory_space<vmem>>, vector<16xf32>,
        tpu.vector_store %arg10[%swap3A_204], %broadcast_in_dim3A_200 {strides = array<i32>} : memref<19072xf32, #tpu.memory_space<vmem>>, vector<16xf32>,
        %scan3A_206 = arith.constant 2 : i32
        %scan3A_207 = arith.addi %scan3A_189, %scan3A_206 : i32
        %broadcast_in_dim3A_208 = arith.constant 0.000000e+00 : f32
        %broadcast_in_dim3A_209 = vector.broadcast %broadcast_in_dim3A_208 : f32 to vector<16xf32>
        %mul3A_210 = arith.constant 16 : i32
        %mul3A_211 = arith.muli %scan3A_207, %mul3A_210 : i32
        %multiple_of3A_212 = tpu.assume_multiple %mul3A_211, 16 : i32
        %swap3A_213 = arith.index_cast %multiple_of3A_212 : i32 to index
        %swap3A_214 = tpu.vector_load %arg10[%swap3A_213] {strides = array<i32>} : memref<19072xf32, #tpu.memory_space<vmem>>, vector<16xf32>,
        tpu.vector_store %arg10[%swap3A_213], %broadcast_in_dim3A_209 {strides = array<i32>} : memref<19072xf32, #tpu.memory_space<vmem>>, vector<16xf32>,
        %scan3A_215 = arith.constant 3 : i32
        %scan3A_216 = arith.addi %scan3A_189, %scan3A_215 : i32
        %broadcast_in_dim3A_217 = arith.constant 0.000000e+00 : f32
        %broadcast_in_dim3A_218 = vector.broadcast %broadcast_in_dim3A_217 : f32 to vector<16xf32>
        %mul3A_219 = arith.constant 16 : i32
        %mul3A_220 = arith.muli %scan3A_216, %mul3A_219 : i32
        %multiple_of3A_221 = tpu.assume_multiple %mul3A_220, 16 : i32
        %swap3A_222 = arith.index_cast %multiple_of3A_221 : i32 to index
        %swap3A_223 = tpu.vector_load %arg10[%swap3A_222] {strides = array<i32>} : memref<19072xf32, #tpu.memory_space<vmem>>, vector<16xf32>,
        tpu.vector_store %arg10[%swap3A_222], %broadcast_in_dim3A_218 {strides = array<i32>} : memref<19072xf32, #tpu.memory_space<vmem>>, vector<16xf32>,
      }
      %scan3A_40 = arith.constant 1192 : i32
      %dma_wait3A = tpu.memref_slice %arg2[%add3A_31] : memref<9633792xi32, #tpu.memory_space<hbm>> -> memref<14336xi32, #tpu.memory_space<hbm>>
      %dma_wait3A_41 = tpu.memref_slice %arg2[%add3A_31] : memref<9633792xi32, #tpu.memory_space<hbm>> -> memref<14336xi32, #tpu.memory_space<hbm>>
      tpu.wait_dma2 semaphore(%arg17 : memref<!tpu.dma_semaphore, #tpu.memory_space<semaphore_mem>>) src(%dma_wait3A_41 : memref<14336xi32, #tpu.memory_space<hbm>>) dst(%arg7 : memref<14336xi32, #tpu.memory_space<vmem>>)
      %dma_wait3A_42 = tpu.memref_slice %arg3[%add3A_31] : memref<9633792xf32, #tpu.memory_space<hbm>> -> memref<14336xf32, #tpu.memory_space<hbm>>
      %dma_wait3A_43 = tpu.memref_slice %arg3[%add3A_31] : memref<9633792xf32, #tpu.memory_space<hbm>> -> memref<14336xf32, #tpu.memory_space<hbm>>
      tpu.wait_dma2 semaphore(%arg18 : memref<!tpu.dma_semaphore, #tpu.memory_space<semaphore_mem>>) src(%dma_wait3A_43 : memref<14336xf32, #tpu.memory_space<hbm>>) dst(%arg8 : memref<14336xf32, #tpu.memory_space<vmem>>)
      %scan3A_44 = arith.constant 0 : i32
      %scan3A_45 = arith.constant 0 : i32
      %scan3A_46 = arith.constant 896 : i32
      %scan3A_47 = arith.addi %scan3A_45, %scan3A_46 : i32
      %scan3A_48 = arith.constant 2 : i32
      scf.for %scan3A_189 = %scan3A_45 to %scan3A_47 step %scan3A_48  : i32 {
        %mul3A_190 = arith.constant 16 : i32
        %mul3A_191 = arith.muli %scan3A_189, %mul3A_190 : i32
        %multiple_of3A_192 = tpu.assume_multiple %mul3A_191, 16 : i32
        %get3A_193 = arith.index_cast %multiple_of3A_192 : i32 to index
        %get3A_194 = tpu.vector_load %arg7[%get3A_193] {strides = array<i32>} : memref<14336xi32, #tpu.memory_space<vmem>>, vector<16xi32>,
        %shift_right_logical3A_195 = arith.constant 20 : i32
        %shift_right_logical3A_196 = vector.broadcast %shift_right_logical3A_195 : i32 to vector<16xi32>
        %shift_right_logical3A_197 = arith.shrui %get3A_194, %shift_right_logical3A_196 : vector<16xi32>
        %broadcast_in_dim3A_198 = arith.constant true
        %broadcast_in_dim3A_199 = vector.broadcast %broadcast_in_dim3A_198 : i1 to vector<16xi1>
        %unique3A, %unique3A_200 = tpu.scan_count mask(%broadcast_in_dim3A_199 : vector<16xi1>) value(%shift_right_logical3A_197 : vector<16xi32>) : vector<16xi1>, vector<16xi32>
        %gather3A = tpu.vector_load_idx %arg13[%shift_right_logical3A_197] : memref<64xi32, #tpu.memory_space<vmem>>[vector<16xi32>], vector<16xi32>,
        %add3A_201 = arith.addi %gather3A, %unique3A_200 : vector<16xi32>
        %swap3A_202 = arith.index_cast %multiple_of3A_192 : i32 to index
        %swap3A_203 = tpu.vector_load %arg11[%swap3A_202] {strides = array<i32>} : memref<14336xi32, #tpu.memory_space<vmem>>, vector<16xi32>,
        tpu.vector_store %arg11[%swap3A_202], %shift_right_logical3A_197 {strides = array<i32>} : memref<14336xi32, #tpu.memory_space<vmem>>, vector<16xi32>,
        %sub3A_204 = arith.constant 1 : i32
        %sub3A_205 = vector.broadcast %sub3A_204 : i32 to vector<16xi32>
        %sub3A_206 = arith.subi %add3A_201, %sub3A_205 : vector<16xi32>
        %swap3A_207 = arith.index_cast %multiple_of3A_192 : i32 to index
        %swap3A_208 = tpu.vector_load %arg12[%swap3A_207] {strides = array<i32>} : memref<14336xi32, #tpu.memory_space<vmem>>, vector<16xi32>,
        tpu.vector_store %arg12[%swap3A_207], %sub3A_206 {strides = array<i32>} : memref<14336xi32, #tpu.memory_space<vmem>>, vector<16xi32>,
        tpu.vector_store_idx %arg13[%shift_right_logical3A_197], %add3A_201 masked %unique3A : memref<64xi32, #tpu.memory_space<vmem>>[vector<16xi32>], vector<16xi32>, vector<16xi1>
        %scan3A_209 = arith.constant 1 : i32
        %scan3A_210 = arith.addi %scan3A_189, %scan3A_209 : i32
        %mul3A_211 = arith.constant 16 : i32
        %mul3A_212 = arith.muli %scan3A_210, %mul3A_211 : i32
        %multiple_of3A_213 = tpu.assume_multiple %mul3A_212, 16 : i32
        %get3A_214 = arith.index_cast %multiple_of3A_213 : i32 to index
        %get3A_215 = tpu.vector_load %arg7[%get3A_214] {strides = array<i32>} : memref<14336xi32, #tpu.memory_space<vmem>>, vector<16xi32>,
        %shift_right_logical3A_216 = arith.constant 20 : i32
        %shift_right_logical3A_217 = vector.broadcast %shift_right_logical3A_216 : i32 to vector<16xi32>
        %shift_right_logical3A_218 = arith.shrui %get3A_215, %shift_right_logical3A_217 : vector<16xi32>
        %broadcast_in_dim3A_219 = arith.constant true
        %broadcast_in_dim3A_220 = vector.broadcast %broadcast_in_dim3A_219 : i1 to vector<16xi1>
        %unique3A_221, %unique3A_222 = tpu.scan_count mask(%broadcast_in_dim3A_220 : vector<16xi1>) value(%shift_right_logical3A_218 : vector<16xi32>) : vector<16xi1>, vector<16xi32>
        %gather3A_223 = tpu.vector_load_idx %arg13[%shift_right_logical3A_218] : memref<64xi32, #tpu.memory_space<vmem>>[vector<16xi32>], vector<16xi32>,
        %add3A_224 = arith.addi %gather3A_223, %unique3A_222 : vector<16xi32>
        %swap3A_225 = arith.index_cast %multiple_of3A_213 : i32 to index
        %swap3A_226 = tpu.vector_load %arg11[%swap3A_225] {strides = array<i32>} : memref<14336xi32, #tpu.memory_space<vmem>>, vector<16xi32>,
        tpu.vector_store %arg11[%swap3A_225], %shift_right_logical3A_218 {strides = array<i32>} : memref<14336xi32, #tpu.memory_space<vmem>>, vector<16xi32>,
        %sub3A_227 = arith.constant 1 : i32
        %sub3A_228 = vector.broadcast %sub3A_227 : i32 to vector<16xi32>
        %sub3A_229 = arith.subi %add3A_224, %sub3A_228 : vector<16xi32>
        %swap3A_230 = arith.index_cast %multiple_of3A_213 : i32 to index
        %swap3A_231 = tpu.vector_load %arg12[%swap3A_230] {strides = array<i32>} : memref<14336xi32, #tpu.memory_space<vmem>>, vector<16xi32>,
        tpu.vector_store %arg12[%swap3A_230], %sub3A_229 {strides = array<i32>} : memref<14336xi32, #tpu.memory_space<vmem>>, vector<16xi32>,
        tpu.vector_store_idx %arg13[%shift_right_logical3A_218], %add3A_224 masked %unique3A_221 : memref<64xi32, #tpu.memory_space<vmem>>[vector<16xi32>], vector<16xi32>, vector<16xi1>
      }
      %scan3A_49 = arith.constant 896 : i32
      %get3A = arith.constant 0 : index
      %get3A_50 = tpu.vector_load %arg13[%get3A] {strides = array<i32>} : memref<64xi32, #tpu.memory_space<vmem>>, vector<16xi32>,
      %add3A_51 = arith.constant 127 : i32
      %add3A_52 = vector.broadcast %add3A_51 : i32 to vector<16xi32>
      %add3A_53 = arith.addi %get3A_50, %add3A_52 : vector<16xi32>
      %and3A = arith.constant -128 : i32
      %and3A_54 = vector.broadcast %and3A : i32 to vector<16xi32>
      %and3A_55 = arith.andi %add3A_53, %and3A_54 : vector<16xi32>
      %broadcast_in_dim3A_56 = arith.constant true
      %broadcast_in_dim3A_57 = vector.broadcast %broadcast_in_dim3A_56 : i1 to vector<16xi1>
      %masked_cumsum3A = tpu.scan <sum>, %and3A_55 masked %broadcast_in_dim3A_57 : vector<16xi32>, vector<16xi1> -> vector<16xi32>
      %sub3A = arith.subi %masked_cumsum3A, %and3A_55 : vector<16xi32>
      %add3A_58 = arith.constant 0 : i32
      %add3A_59 = vector.broadcast %add3A_58 : i32 to vector<16xi32>
      %add3A_60 = arith.addi %sub3A, %add3A_59 : vector<16xi32>
      %swap3A_61 = arith.constant 0 : index
      %swap3A_62 = tpu.vector_load %arg14[%swap3A_61] {strides = array<i32>} : memref<64xi32, #tpu.memory_space<vmem>>, vector<16xi32>,
      tpu.vector_store %arg14[%swap3A_61], %add3A_60 {strides = array<i32>} : memref<64xi32, #tpu.memory_space<vmem>>, vector<16xi32>,
      %swap3A_63 = arith.constant 0 : index
      %swap3A_64 = tpu.vector_load %arg15[%swap3A_63] {strides = array<i32>} : memref<64xi32, #tpu.memory_space<vmem>>, vector<16xi32>,
      tpu.vector_store %arg15[%swap3A_63], %and3A_55 {strides = array<i32>} : memref<64xi32, #tpu.memory_space<vmem>>, vector<16xi32>,
      %get3A_65 = arith.constant 0 : index
      %get3A_66 = tpu.vector_load %arg16[%get3A_65] {strides = array<i32>} : memref<64xi32, #tpu.memory_space<vmem>>, vector<16xi32>,
      %add3A_67 = arith.addi %get3A_66, %and3A_55 : vector<16xi32>
      %swap3A_68 = arith.constant 0 : index
      %swap3A_69 = tpu.vector_load %arg16[%swap3A_68] {strides = array<i32>} : memref<64xi32, #tpu.memory_space<vmem>>, vector<16xi32>,
      tpu.vector_store %arg16[%swap3A_68], %add3A_67 {strides = array<i32>} : memref<64xi32, #tpu.memory_space<vmem>>, vector<16xi32>,
      %swap3A_70 = arith.constant 0 : index
      %swap3A_71 = tpu.vector_load %arg13[%swap3A_70] {strides = array<i32>} : memref<64xi32, #tpu.memory_space<vmem>>, vector<16xi32>,
      tpu.vector_store %arg13[%swap3A_70], %broadcast_in_dim3A_5 {strides = array<i32>} : memref<64xi32, #tpu.memory_space<vmem>>, vector<16xi32>,
      %reduce_sum3A = arith.constant true
      %reduce_sum3A_72 = vector.broadcast %reduce_sum3A : i1 to vector<16xi1>
      %reduce_sum3A_73 = tpu.scan <sum>, %and3A_55 masked %reduce_sum3A_72 : vector<16xi32>, vector<16xi1> -> vector<16xi32>
      %reduce_sum3A_74 = vector.extract %reduce_sum3A_73[15] : i32 from vector<16xi32>
      %add3A_75 = arith.constant 0 : i32
      %add3A_76 = arith.addi %add3A_75, %reduce_sum3A_74 : i32
      %get3A_77 = arith.constant 16 : index
      %get3A_78 = tpu.vector_load %arg13[%get3A_77] {strides = array<i32>} : memref<64xi32, #tpu.memory_space<vmem>>, vector<16xi32>,
      %add3A_79 = arith.constant 127 : i32
      %add3A_80 = vector.broadcast %add3A_79 : i32 to vector<16xi32>
      %add3A_81 = arith.addi %get3A_78, %add3A_80 : vector<16xi32>
      %and3A_82 = arith.constant -128 : i32
      %and3A_83 = vector.broadcast %and3A_82 : i32 to vector<16xi32>
      %and3A_84 = arith.andi %add3A_81, %and3A_83 : vector<16xi32>
      %broadcast_in_dim3A_85 = arith.constant true
      %broadcast_in_dim3A_86 = vector.broadcast %broadcast_in_dim3A_85 : i1 to vector<16xi1>
      %masked_cumsum3A_87 = tpu.scan <sum>, %and3A_84 masked %broadcast_in_dim3A_86 : vector<16xi32>, vector<16xi1> -> vector<16xi32>
      %sub3A_88 = arith.subi %masked_cumsum3A_87, %and3A_84 : vector<16xi32>
      %add3A_89 = vector.broadcast %add3A_76 : i32 to vector<16xi32>
      %add3A_90 = arith.addi %sub3A_88, %add3A_89 : vector<16xi32>
      %swap3A_91 = arith.constant 16 : index
      %swap3A_92 = tpu.vector_load %arg14[%swap3A_91] {strides = array<i32>} : memref<64xi32, #tpu.memory_space<vmem>>, vector<16xi32>,
      tpu.vector_store %arg14[%swap3A_91], %add3A_90 {strides = array<i32>} : memref<64xi32, #tpu.memory_space<vmem>>, vector<16xi32>,
      %swap3A_93 = arith.constant 16 : index
      %swap3A_94 = tpu.vector_load %arg15[%swap3A_93] {strides = array<i32>} : memref<64xi32, #tpu.memory_space<vmem>>, vector<16xi32>,
      tpu.vector_store %arg15[%swap3A_93], %and3A_84 {strides = array<i32>} : memref<64xi32, #tpu.memory_space<vmem>>, vector<16xi32>,
      %get3A_95 = arith.constant 16 : index
      %get3A_96 = tpu.vector_load %arg16[%get3A_95] {strides = array<i32>} : memref<64xi32, #tpu.memory_space<vmem>>, vector<16xi32>,
      %add3A_97 = arith.addi %get3A_96, %and3A_84 : vector<16xi32>
      %swap3A_98 = arith.constant 16 : index
      %swap3A_99 = tpu.vector_load %arg16[%swap3A_98] {strides = array<i32>} : memref<64xi32, #tpu.memory_space<vmem>>, vector<16xi32>,
      tpu.vector_store %arg16[%swap3A_98], %add3A_97 {strides = array<i32>} : memref<64xi32, #tpu.memory_space<vmem>>, vector<16xi32>,
      %swap3A_100 = arith.constant 16 : index
      %swap3A_101 = tpu.vector_load %arg13[%swap3A_100] {strides = array<i32>} : memref<64xi32, #tpu.memory_space<vmem>>, vector<16xi32>,
      tpu.vector_store %arg13[%swap3A_100], %broadcast_in_dim3A_5 {strides = array<i32>} : memref<64xi32, #tpu.memory_space<vmem>>, vector<16xi32>,
      %reduce_sum3A_102 = arith.constant true
      %reduce_sum3A_103 = vector.broadcast %reduce_sum3A_102 : i1 to vector<16xi1>
      %reduce_sum3A_104 = tpu.scan <sum>, %and3A_84 masked %reduce_sum3A_103 : vector<16xi32>, vector<16xi1> -> vector<16xi32>
      %reduce_sum3A_105 = vector.extract %reduce_sum3A_104[15] : i32 from vector<16xi32>
      %add3A_106 = arith.addi %add3A_76, %reduce_sum3A_105 : i32
      %get3A_107 = arith.constant 32 : index
      %get3A_108 = tpu.vector_load %arg13[%get3A_107] {strides = array<i32>} : memref<64xi32, #tpu.memory_space<vmem>>, vector<16xi32>,
      %add3A_109 = arith.constant 127 : i32
      %add3A_110 = vector.broadcast %add3A_109 : i32 to vector<16xi32>
      %add3A_111 = arith.addi %get3A_108, %add3A_110 : vector<16xi32>
      %and3A_112 = arith.constant -128 : i32
      %and3A_113 = vector.broadcast %and3A_112 : i32 to vector<16xi32>
      %and3A_114 = arith.andi %add3A_111, %and3A_113 : vector<16xi32>
      %broadcast_in_dim3A_115 = arith.constant true
      %broadcast_in_dim3A_116 = vector.broadcast %broadcast_in_dim3A_115 : i1 to vector<16xi1>
      %masked_cumsum3A_117 = tpu.scan <sum>, %and3A_114 masked %broadcast_in_dim3A_116 : vector<16xi32>, vector<16xi1> -> vector<16xi32>
      %sub3A_118 = arith.subi %masked_cumsum3A_117, %and3A_114 : vector<16xi32>
      %add3A_119 = vector.broadcast %add3A_106 : i32 to vector<16xi32>
      %add3A_120 = arith.addi %sub3A_118, %add3A_119 : vector<16xi32>
      %swap3A_121 = arith.constant 32 : index
      %swap3A_122 = tpu.vector_load %arg14[%swap3A_121] {strides = array<i32>} : memref<64xi32, #tpu.memory_space<vmem>>, vector<16xi32>,
      tpu.vector_store %arg14[%swap3A_121], %add3A_120 {strides = array<i32>} : memref<64xi32, #tpu.memory_space<vmem>>, vector<16xi32>,
      %swap3A_123 = arith.constant 32 : index
      %swap3A_124 = tpu.vector_load %arg15[%swap3A_123] {strides = array<i32>} : memref<64xi32, #tpu.memory_space<vmem>>, vector<16xi32>,
      tpu.vector_store %arg15[%swap3A_123], %and3A_114 {strides = array<i32>} : memref<64xi32, #tpu.memory_space<vmem>>, vector<16xi32>,
      %get3A_125 = arith.constant 32 : index
      %get3A_126 = tpu.vector_load %arg16[%get3A_125] {strides = array<i32>} : memref<64xi32, #tpu.memory_space<vmem>>, vector<16xi32>,
      %add3A_127 = arith.addi %get3A_126, %and3A_114 : vector<16xi32>
      %swap3A_128 = arith.constant 32 : index
      %swap3A_129 = tpu.vector_load %arg16[%swap3A_128] {strides = array<i32>} : memref<64xi32, #tpu.memory_space<vmem>>, vector<16xi32>,
      tpu.vector_store %arg16[%swap3A_128], %add3A_127 {strides = array<i32>} : memref<64xi32, #tpu.memory_space<vmem>>, vector<16xi32>,
      %swap3A_130 = arith.constant 32 : index
      %swap3A_131 = tpu.vector_load %arg13[%swap3A_130] {strides = array<i32>} : memref<64xi32, #tpu.memory_space<vmem>>, vector<16xi32>,
      tpu.vector_store %arg13[%swap3A_130], %broadcast_in_dim3A_5 {strides = array<i32>} : memref<64xi32, #tpu.memory_space<vmem>>, vector<16xi32>,
      %reduce_sum3A_132 = arith.constant true
      %reduce_sum3A_133 = vector.broadcast %reduce_sum3A_132 : i1 to vector<16xi1>
      %reduce_sum3A_134 = tpu.scan <sum>, %and3A_114 masked %reduce_sum3A_133 : vector<16xi32>, vector<16xi1> -> vector<16xi32>
      %reduce_sum3A_135 = vector.extract %reduce_sum3A_134[15] : i32 from vector<16xi32>
      %add3A_136 = arith.addi %add3A_106, %reduce_sum3A_135 : i32
      %get3A_137 = arith.constant 48 : index
      %get3A_138 = tpu.vector_load %arg13[%get3A_137] {strides = array<i32>} : memref<64xi32, #tpu.memory_space<vmem>>, vector<16xi32>,
      %add3A_139 = arith.constant 127 : i32
      %add3A_140 = vector.broadcast %add3A_139 : i32 to vector<16xi32>
      %add3A_141 = arith.addi %get3A_138, %add3A_140 : vector<16xi32>
      %and3A_142 = arith.constant -128 : i32
      %and3A_143 = vector.broadcast %and3A_142 : i32 to vector<16xi32>
      %and3A_144 = arith.andi %add3A_141, %and3A_143 : vector<16xi32>
      %broadcast_in_dim3A_145 = arith.constant true
      %broadcast_in_dim3A_146 = vector.broadcast %broadcast_in_dim3A_145 : i1 to vector<16xi1>
      %masked_cumsum3A_147 = tpu.scan <sum>, %and3A_144 masked %broadcast_in_dim3A_146 : vector<16xi32>, vector<16xi1> -> vector<16xi32>
      %sub3A_148 = arith.subi %masked_cumsum3A_147, %and3A_144 : vector<16xi32>
      %add3A_149 = vector.broadcast %add3A_136 : i32 to vector<16xi32>
      %add3A_150 = arith.addi %sub3A_148, %add3A_149 : vector<16xi32>
      %swap3A_151 = arith.constant 48 : index
      %swap3A_152 = tpu.vector_load %arg14[%swap3A_151] {strides = array<i32>} : memref<64xi32, #tpu.memory_space<vmem>>, vector<16xi32>,
      tpu.vector_store %arg14[%swap3A_151], %add3A_150 {strides = array<i32>} : memref<64xi32, #tpu.memory_space<vmem>>, vector<16xi32>,
      %swap3A_153 = arith.constant 48 : index
      %swap3A_154 = tpu.vector_load %arg15[%swap3A_153] {strides = array<i32>} : memref<64xi32, #tpu.memory_space<vmem>>, vector<16xi32>,
      tpu.vector_store %arg15[%swap3A_153], %and3A_144 {strides = array<i32>} : memref<64xi32, #tpu.memory_space<vmem>>, vector<16xi32>,
      %get3A_155 = arith.constant 48 : index
      %get3A_156 = tpu.vector_load %arg16[%get3A_155] {strides = array<i32>} : memref<64xi32, #tpu.memory_space<vmem>>, vector<16xi32>,
      %add3A_157 = arith.addi %get3A_156, %and3A_144 : vector<16xi32>
      %swap3A_158 = arith.constant 48 : index
      %swap3A_159 = tpu.vector_load %arg16[%swap3A_158] {strides = array<i32>} : memref<64xi32, #tpu.memory_space<vmem>>, vector<16xi32>,
      tpu.vector_store %arg16[%swap3A_158], %add3A_157 {strides = array<i32>} : memref<64xi32, #tpu.memory_space<vmem>>, vector<16xi32>,
      %swap3A_160 = arith.constant 48 : index
      %swap3A_161 = tpu.vector_load %arg13[%swap3A_160] {strides = array<i32>} : memref<64xi32, #tpu.memory_space<vmem>>, vector<16xi32>,
      tpu.vector_store %arg13[%swap3A_160], %broadcast_in_dim3A_5 {strides = array<i32>} : memref<64xi32, #tpu.memory_space<vmem>>, vector<16xi32>,
      %reduce_sum3A_162 = arith.constant true
      %reduce_sum3A_163 = vector.broadcast %reduce_sum3A_162 : i1 to vector<16xi1>
      %reduce_sum3A_164 = tpu.scan <sum>, %and3A_144 masked %reduce_sum3A_163 : vector<16xi32>, vector<16xi1> -> vector<16xi32>
      %reduce_sum3A_165 = vector.extract %reduce_sum3A_164[15] : i32 from vector<16xi32>
      %add3A_166 = arith.addi %add3A_136, %reduce_sum3A_165 : i32
      %scan3A_167 = arith.constant 0 : i32
      %scan3A_168 = arith.constant 0 : i32
      %scan3A_169 = arith.constant 896 : i32
      %scan3A_170 = arith.addi %scan3A_168, %scan3A_169 : i32
      %scan3A_171 = arith.constant 2 : i32
      scf.for %scan3A_189 = %scan3A_168 to %scan3A_170 step %scan3A_171  : i32 {
        %mul3A_190 = arith.constant 16 : i32
        %mul3A_191 = arith.muli %scan3A_189, %mul3A_190 : i32
        %multiple_of3A_192 = tpu.assume_multiple %mul3A_191, 16 : i32
        %get3A_193 = arith.index_cast %multiple_of3A_192 : i32 to index
        %get3A_194 = tpu.vector_load %arg11[%get3A_193] {strides = array<i32>} : memref<14336xi32, #tpu.memory_space<vmem>>, vector<16xi32>,
        %get3A_195 = arith.index_cast %multiple_of3A_192 : i32 to index
        %get3A_196 = tpu.vector_load %arg12[%get3A_195] {strides = array<i32>} : memref<14336xi32, #tpu.memory_space<vmem>>, vector<16xi32>,
        %gather3A = tpu.vector_load_idx %arg14[%get3A_194] : memref<64xi32, #tpu.memory_space<vmem>>[vector<16xi32>], vector<16xi32>,
        %add3A_197 = arith.addi %gather3A, %get3A_196 : vector<16xi32>
        %get3A_198 = arith.index_cast %multiple_of3A_192 : i32 to index
        %get3A_199 = tpu.vector_load %arg7[%get3A_198] {strides = array<i32>} : memref<14336xi32, #tpu.memory_space<vmem>>, vector<16xi32>,
        tpu.vector_store_idx %arg9[%add3A_197], %get3A_199 : memref<19072xi32, #tpu.memory_space<vmem>>[vector<16xi32>], vector<16xi32>,
        %get3A_200 = arith.index_cast %multiple_of3A_192 : i32 to index
        %get3A_201 = tpu.vector_load %arg8[%get3A_200] {strides = array<i32>} : memref<14336xf32, #tpu.memory_space<vmem>>, vector<16xf32>,
        tpu.vector_store_idx %arg10[%add3A_197], %get3A_201 : memref<19072xf32, #tpu.memory_space<vmem>>[vector<16xi32>], vector<16xf32>,
        %scan3A_202 = arith.constant 1 : i32
        %scan3A_203 = arith.addi %scan3A_189, %scan3A_202 : i32
        %mul3A_204 = arith.constant 16 : i32
        %mul3A_205 = arith.muli %scan3A_203, %mul3A_204 : i32
        %multiple_of3A_206 = tpu.assume_multiple %mul3A_205, 16 : i32
        %get3A_207 = arith.index_cast %multiple_of3A_206 : i32 to index
        %get3A_208 = tpu.vector_load %arg11[%get3A_207] {strides = array<i32>} : memref<14336xi32, #tpu.memory_space<vmem>>, vector<16xi32>,
        %get3A_209 = arith.index_cast %multiple_of3A_206 : i32 to index
        %get3A_210 = tpu.vector_load %arg12[%get3A_209] {strides = array<i32>} : memref<14336xi32, #tpu.memory_space<vmem>>, vector<16xi32>,
        %gather3A_211 = tpu.vector_load_idx %arg14[%get3A_208] : memref<64xi32, #tpu.memory_space<vmem>>[vector<16xi32>], vector<16xi32>,
        %add3A_212 = arith.addi %gather3A_211, %get3A_210 : vector<16xi32>
        %get3A_213 = arith.index_cast %multiple_of3A_206 : i32 to index
        %get3A_214 = tpu.vector_load %arg7[%get3A_213] {strides = array<i32>} : memref<14336xi32, #tpu.memory_space<vmem>>, vector<16xi32>,
        tpu.vector_store_idx %arg9[%add3A_212], %get3A_214 : memref<19072xi32, #tpu.memory_space<vmem>>[vector<16xi32>], vector<16xi32>,
        %get3A_215 = arith.index_cast %multiple_of3A_206 : i32 to index
        %get3A_216 = tpu.vector_load %arg8[%get3A_215] {strides = array<i32>} : memref<14336xf32, #tpu.memory_space<vmem>>, vector<16xf32>,
        tpu.vector_store_idx %arg10[%add3A_212], %get3A_216 : memref<19072xf32, #tpu.memory_space<vmem>>[vector<16xi32>], vector<16xf32>,
      }
      %scan3A_172 = arith.constant 896 : i32
      %scan3A_173 = arith.constant 0 : i32
      %scan3A_174 = arith.constant 0 : i32
      %scan3A_175 = arith.constant 37 : i32
      %scan3A_176 = arith.addi %scan3A_174, %scan3A_175 : i32
      %scan3A_177 = arith.constant 1 : i32
      scf.for %scan3A_189 = %scan3A_174 to %scan3A_176 step %scan3A_177  : i32 {
        %shift_right_logical3A_190 = arith.constant 4 : i32
        %shift_right_logical3A_191 = arith.shrui %scan3A_189, %shift_right_logical3A_190 : i32
        %mul3A_192 = arith.constant 16 : i32
        %mul3A_193 = arith.muli %shift_right_logical3A_191, %mul3A_192 : i32
        %multiple_of3A_194 = tpu.assume_multiple %mul3A_193, 16 : i32
        %get3A_195 = arith.index_cast %multiple_of3A_194 : i32 to index
        %get3A_196 = tpu.vector_load %arg14[%get3A_195] {strides = array<i32>} : memref<64xi32, #tpu.memory_space<vmem>>, vector<16xi32>,
        %and3A_197 = arith.constant 15 : i32
        %and3A_198 = arith.andi %scan3A_189, %and3A_197 : i32
        %eq3A = vector.broadcast %and3A_198 : i32 to vector<16xi32>
        %eq3A_199 = arith.cmpi eq, %iota3A, %eq3A : vector<16xi32>
        %jit3A = arith.constant 0 : i32
        %broadcast_in_dim3A_200 = vector.broadcast %jit3A : i32 to vector<16xi32>
        %select_n3A = arith.select %eq3A_199, %get3A_196, %broadcast_in_dim3A_200 : vector<16xi1>, vector<16xi32>
        %reduce_sum3A_201 = arith.constant true
        %reduce_sum3A_202 = vector.broadcast %reduce_sum3A_201 : i1 to vector<16xi1>
        %reduce_sum3A_203 = tpu.scan <sum>, %select_n3A masked %reduce_sum3A_202 : vector<16xi32>, vector<16xi1> -> vector<16xi32>
        %reduce_sum3A_204 = vector.extract %reduce_sum3A_203[15] : i32 from vector<16xi32>
        %shift_right_logical3A_205 = arith.constant 4 : i32
        %shift_right_logical3A_206 = arith.shrui %scan3A_189, %shift_right_logical3A_205 : i32
        %mul3A_207 = arith.constant 16 : i32
        %mul3A_208 = arith.muli %shift_right_logical3A_206, %mul3A_207 : i32
        %multiple_of3A_209 = tpu.assume_multiple %mul3A_208, 16 : i32
        %get3A_210 = arith.index_cast %multiple_of3A_209 : i32 to index
        %get3A_211 = tpu.vector_load %arg15[%get3A_210] {strides = array<i32>} : memref<64xi32, #tpu.memory_space<vmem>>, vector<16xi32>,
        %and3A_212 = arith.constant 15 : i32
        %and3A_213 = arith.andi %scan3A_189, %and3A_212 : i32
        %eq3A_214 = vector.broadcast %and3A_213 : i32 to vector<16xi32>
        %eq3A_215 = arith.cmpi eq, %iota3A, %eq3A_214 : vector<16xi32>
        %jit3A_216 = arith.constant 0 : i32
        %broadcast_in_dim3A_217 = vector.broadcast %jit3A_216 : i32 to vector<16xi32>
        %select_n3A_218 = arith.select %eq3A_215, %get3A_211, %broadcast_in_dim3A_217 : vector<16xi1>, vector<16xi32>
        %reduce_sum3A_219 = arith.constant true
        %reduce_sum3A_220 = vector.broadcast %reduce_sum3A_219 : i1 to vector<16xi1>
        %reduce_sum3A_221 = tpu.scan <sum>, %select_n3A_218 masked %reduce_sum3A_220 : vector<16xi32>, vector<16xi1> -> vector<16xi32>
        %reduce_sum3A_222 = vector.extract %reduce_sum3A_221[15] : i32 from vector<16xi32>
        %shift_right_logical3A_223 = arith.constant 4 : i32
        %shift_right_logical3A_224 = arith.shrui %scan3A_189, %shift_right_logical3A_223 : i32
        %mul3A_225 = arith.constant 16 : i32
        %mul3A_226 = arith.muli %shift_right_logical3A_224, %mul3A_225 : i32
        %multiple_of3A_227 = tpu.assume_multiple %mul3A_226, 16 : i32
        %get3A_228 = arith.index_cast %multiple_of3A_227 : i32 to index
        %get3A_229 = tpu.vector_load %arg16[%get3A_228] {strides = array<i32>} : memref<64xi32, #tpu.memory_space<vmem>>, vector<16xi32>,
        %and3A_230 = arith.constant 15 : i32
        %and3A_231 = arith.andi %scan3A_189, %and3A_230 : i32
        %eq3A_232 = vector.broadcast %and3A_231 : i32 to vector<16xi32>
        %eq3A_233 = arith.cmpi eq, %iota3A, %eq3A_232 : vector<16xi32>
        %jit3A_234 = arith.constant 0 : i32
        %broadcast_in_dim3A_235 = vector.broadcast %jit3A_234 : i32 to vector<16xi32>
        %select_n3A_236 = arith.select %eq3A_233, %get3A_229, %broadcast_in_dim3A_235 : vector<16xi1>, vector<16xi32>
        %reduce_sum3A_237 = arith.constant true
        %reduce_sum3A_238 = vector.broadcast %reduce_sum3A_237 : i1 to vector<16xi1>
        %reduce_sum3A_239 = tpu.scan <sum>, %select_n3A_236 masked %reduce_sum3A_238 : vector<16xi32>, vector<16xi1> -> vector<16xi32>
        %reduce_sum3A_240 = vector.extract %reduce_sum3A_239[15] : i32 from vector<16xi32>
        %sub3A_241 = arith.subi %reduce_sum3A_240, %reduce_sum3A_222 : i32
        %mul3A_242 = arith.constant 12845056 : i32
        %mul3A_243 = arith.muli %scan3A_189, %mul3A_242 : i32
        %add3A_244 = arith.addi %mul3A_243, %mul3A_4 : i32
        %add3A_245 = arith.addi %add3A_244, %sub3A_241 : i32
        %shift_right_logical3A_246 = arith.constant 7 : i32
        %shift_right_logical3A_247 = arith.shrui %reduce_sum3A_222, %shift_right_logical3A_246 : i32
        %while3A_248 = arith.constant 0 : i32
        %while3A_249 = arith.constant 0 : i32
        %while3A_250 = arith.subi %shift_right_logical3A_247, %while3A_249 : i32
        %while3A_251 = arith.addi %while3A_249, %while3A_250 : i32
        %while3A_252 = arith.constant 1 : i32
        %while3A_253 = arith.divsi %while3A_250, %while3A_252 : i32
        %while3A_254 = arith.muli %while3A_253, %while3A_252 : i32
        %while3A_255 = arith.addi %while3A_249, %while3A_254 : i32
        %while3A_256 = arith.constant 1 : i32
        scf.for %while3A_258 = %while3A_249 to %while3A_255 step %while3A_256  : i32 {
          %mul3A_259 = arith.constant 128 : i32
          %mul3A_260 = arith.muli %while3A_258, %mul3A_259 : i32
          %add3A_261 = arith.addi %reduce_sum3A_204, %mul3A_260 : i32
          %multiple_of3A_262 = tpu.assume_multiple %add3A_261, 128 : i32
          %mul3A_263 = arith.constant 128 : i32
          %mul3A_264 = arith.muli %while3A_258, %mul3A_263 : i32
          %add3A_265 = arith.addi %add3A_245, %mul3A_264 : i32
          %multiple_of3A_266 = tpu.assume_multiple %add3A_265, 128 : i32
          %dma_start3A_267 = tpu.memref_slice %arg10[%multiple_of3A_262] : memref<19072xf32, #tpu.memory_space<vmem>> -> memref<128xf32, #tpu.memory_space<vmem>>
          %dma_start3A_268 = tpu.memref_slice %arg5[%multiple_of3A_266] : memref<475267072xf32, #tpu.memory_space<hbm>> -> memref<128xf32, #tpu.memory_space<hbm>>
          %dma_start3A_269 = tpu.memref_slice %arg5[%multiple_of3A_266] : memref<475267072xf32, #tpu.memory_space<hbm>> -> memref<128xf32, #tpu.memory_space<hbm>>
          %dma_start3A_270 = tpu.memref_slice %arg10[%multiple_of3A_262] : memref<19072xf32, #tpu.memory_space<vmem>> -> memref<128xf32, #tpu.memory_space<vmem>>
          tpu.enqueue_dma source(%dma_start3A_270 : memref<128xf32, #tpu.memory_space<vmem>>) target(%dma_start3A_269 : memref<128xf32, #tpu.memory_space<hbm>>) target_semaphore(%arg19 : memref<!tpu.dma_semaphore, #tpu.memory_space<semaphore_mem>>)
          %dma_start3A_271 = tpu.memref_slice %arg9[%multiple_of3A_262] : memref<19072xi32, #tpu.memory_space<vmem>> -> memref<128xi32, #tpu.memory_space<vmem>>
          %dma_start3A_272 = tpu.memref_slice %arg4[%multiple_of3A_266] : memref<475267072xi32, #tpu.memory_space<hbm>> -> memref<128xi32, #tpu.memory_space<hbm>>
          %dma_start3A_273 = tpu.memref_slice %arg4[%multiple_of3A_266] : memref<475267072xi32, #tpu.memory_space<hbm>> -> memref<128xi32, #tpu.memory_space<hbm>>
          %dma_start3A_274 = tpu.memref_slice %arg9[%multiple_of3A_262] : memref<19072xi32, #tpu.memory_space<vmem>> -> memref<128xi32, #tpu.memory_space<vmem>>
          tpu.enqueue_dma source(%dma_start3A_274 : memref<128xi32, #tpu.memory_space<vmem>>) target(%dma_start3A_273 : memref<128xi32, #tpu.memory_space<hbm>>) target_semaphore(%arg19 : memref<!tpu.dma_semaphore, #tpu.memory_space<semaphore_mem>>)
        }
        %while3A_257 = arith.constant 1 : i32
        scf.for %while3A_258 = %while3A_255 to %while3A_251 step %while3A_257  : i32 {
          %mul3A_259 = arith.constant 128 : i32
          %mul3A_260 = arith.muli %while3A_258, %mul3A_259 : i32
          %add3A_261 = arith.addi %reduce_sum3A_204, %mul3A_260 : i32
          %multiple_of3A_262 = tpu.assume_multiple %add3A_261, 128 : i32
          %mul3A_263 = arith.constant 128 : i32
          %mul3A_264 = arith.muli %while3A_258, %mul3A_263 : i32
          %add3A_265 = arith.addi %add3A_245, %mul3A_264 : i32
          %multiple_of3A_266 = tpu.assume_multiple %add3A_265, 128 : i32
          %dma_start3A_267 = tpu.memref_slice %arg10[%multiple_of3A_262] : memref<19072xf32, #tpu.memory_space<vmem>> -> memref<128xf32, #tpu.memory_space<vmem>>
          %dma_start3A_268 = tpu.memref_slice %arg5[%multiple_of3A_266] : memref<475267072xf32, #tpu.memory_space<hbm>> -> memref<128xf32, #tpu.memory_space<hbm>>
          %dma_start3A_269 = tpu.memref_slice %arg5[%multiple_of3A_266] : memref<475267072xf32, #tpu.memory_space<hbm>> -> memref<128xf32, #tpu.memory_space<hbm>>
          %dma_start3A_270 = tpu.memref_slice %arg10[%multiple_of3A_262] : memref<19072xf32, #tpu.memory_space<vmem>> -> memref<128xf32, #tpu.memory_space<vmem>>
          tpu.enqueue_dma source(%dma_start3A_270 : memref<128xf32, #tpu.memory_space<vmem>>) target(%dma_start3A_269 : memref<128xf32, #tpu.memory_space<hbm>>) target_semaphore(%arg19 : memref<!tpu.dma_semaphore, #tpu.memory_space<semaphore_mem>>)
          %dma_start3A_271 = tpu.memref_slice %arg9[%multiple_of3A_262] : memref<19072xi32, #tpu.memory_space<vmem>> -> memref<128xi32, #tpu.memory_space<vmem>>
          %dma_start3A_272 = tpu.memref_slice %arg4[%multiple_of3A_266] : memref<475267072xi32, #tpu.memory_space<hbm>> -> memref<128xi32, #tpu.memory_space<hbm>>
          %dma_start3A_273 = tpu.memref_slice %arg4[%multiple_of3A_266] : memref<475267072xi32, #tpu.memory_space<hbm>> -> memref<128xi32, #tpu.memory_space<hbm>>
          %dma_start3A_274 = tpu.memref_slice %arg9[%multiple_of3A_262] : memref<19072xi32, #tpu.memory_space<vmem>> -> memref<128xi32, #tpu.memory_space<vmem>>
          tpu.enqueue_dma source(%dma_start3A_274 : memref<128xi32, #tpu.memory_space<vmem>>) target(%dma_start3A_273 : memref<128xi32, #tpu.memory_space<hbm>>) target_semaphore(%arg19 : memref<!tpu.dma_semaphore, #tpu.memory_space<semaphore_mem>>)
        }
      }
      %scan3A_178 = arith.constant 37 : i32
      %shift_right_logical3A = arith.constant 7 : i32
      %shift_right_logical3A_179 = arith.shrui %add3A_166, %shift_right_logical3A : i32
      %while3A = arith.constant 0 : i32
      %while3A_180 = arith.constant 0 : i32
      %while3A_181 = arith.subi %shift_right_logical3A_179, %while3A_180 : i32
      %while3A_182 = arith.addi %while3A_180, %while3A_181 : i32
      %while3A_183 = arith.constant 1 : i32
      %while3A_184 = arith.divsi %while3A_181, %while3A_183 : i32
      %while3A_185 = arith.muli %while3A_184, %while3A_183 : i32
      %while3A_186 = arith.addi %while3A_180, %while3A_185 : i32
      %while3A_187 = arith.constant 1 : i32
      scf.for %while3A_189 = %while3A_180 to %while3A_186 step %while3A_187  : i32 {
        %dma_wait3A_190 = arith.constant 0 : i32
        %dma_wait3A_191 = tpu.memref_slice %arg10[%dma_wait3A_190] : memref<19072xf32, #tpu.memory_space<vmem>> -> memref<128xf32, #tpu.memory_space<vmem>>
        %dma_wait3A_192 = tpu.memref_slice %arg5[%mul3A_4] : memref<475267072xf32, #tpu.memory_space<hbm>> -> memref<128xf32, #tpu.memory_space<hbm>>
        %dma_wait3A_193 = tpu.memref_slice %arg5[%mul3A_4] : memref<475267072xf32, #tpu.memory_space<hbm>> -> memref<128xf32, #tpu.memory_space<hbm>>
        %dma_wait3A_194 = arith.constant 0 : i32
        %dma_wait3A_195 = tpu.memref_slice %arg10[%dma_wait3A_194] : memref<19072xf32, #tpu.memory_space<vmem>> -> memref<128xf32, #tpu.memory_space<vmem>>
        tpu.wait_dma2 semaphore(%arg19 : memref<!tpu.dma_semaphore, #tpu.memory_space<semaphore_mem>>) src(%dma_wait3A_195 : memref<128xf32, #tpu.memory_space<vmem>>) dst(%dma_wait3A_193 : memref<128xf32, #tpu.memory_space<hbm>>)
        %dma_wait3A_196 = arith.constant 0 : i32
        %dma_wait3A_197 = tpu.memref_slice %arg9[%dma_wait3A_196] : memref<19072xi32, #tpu.memory_space<vmem>> -> memref<128xi32, #tpu.memory_space<vmem>>
        %dma_wait3A_198 = tpu.memref_slice %arg4[%mul3A_4] : memref<475267072xi32, #tpu.memory_space<hbm>> -> memref<128xi32, #tpu.memory_space<hbm>>
        %dma_wait3A_199 = tpu.memref_slice %arg4[%mul3A_4] : memref<475267072xi32, #tpu.memory_space<hbm>> -> memref<128xi32, #tpu.memory_space<hbm>>
        %dma_wait3A_200 = arith.constant 0 : i32
        %dma_wait3A_201 = tpu.memref_slice %arg9[%dma_wait3A_200] : memref<19072xi32, #tpu.memory_space<vmem>> -> memref<128xi32, #tpu.memory_space<vmem>>
        tpu.wait_dma2 semaphore(%arg19 : memref<!tpu.dma_semaphore, #tpu.memory_space<semaphore_mem>>) src(%dma_wait3A_201 : memref<128xi32, #tpu.memory_space<vmem>>) dst(%dma_wait3A_199 : memref<128xi32, #tpu.memory_space<hbm>>)
      }
      %while3A_188 = arith.constant 1 : i32
      scf.for %while3A_189 = %while3A_186 to %while3A_182 step %while3A_188  : i32 {
        %dma_wait3A_190 = arith.constant 0 : i32
        %dma_wait3A_191 = tpu.memref_slice %arg10[%dma_wait3A_190] : memref<19072xf32, #tpu.memory_space<vmem>> -> memref<128xf32, #tpu.memory_space<vmem>>
        %dma_wait3A_192 = tpu.memref_slice %arg5[%mul3A_4] : memref<475267072xf32, #tpu.memory_space<hbm>> -> memref<128xf32, #tpu.memory_space<hbm>>
        %dma_wait3A_193 = tpu.memref_slice %arg5[%mul3A_4] : memref<475267072xf32, #tpu.memory_space<hbm>> -> memref<128xf32, #tpu.memory_space<hbm>>
        %dma_wait3A_194 = arith.constant 0 : i32
        %dma_wait3A_195 = tpu.memref_slice %arg10[%dma_wait3A_194] : memref<19072xf32, #tpu.memory_space<vmem>> -> memref<128xf32, #tpu.memory_space<vmem>>
        tpu.wait_dma2 semaphore(%arg19 : memref<!tpu.dma_semaphore, #tpu.memory_space<semaphore_mem>>) src(%dma_wait3A_195 : memref<128xf32, #tpu.memory_space<vmem>>) dst(%dma_wait3A_193 : memref<128xf32, #tpu.memory_space<hbm>>)
        %dma_wait3A_196 = arith.constant 0 : i32
        %dma_wait3A_197 = tpu.memref_slice %arg9[%dma_wait3A_196] : memref<19072xi32, #tpu.memory_space<vmem>> -> memref<128xi32, #tpu.memory_space<vmem>>
        %dma_wait3A_198 = tpu.memref_slice %arg4[%mul3A_4] : memref<475267072xi32, #tpu.memory_space<hbm>> -> memref<128xi32, #tpu.memory_space<hbm>>
        %dma_wait3A_199 = tpu.memref_slice %arg4[%mul3A_4] : memref<475267072xi32, #tpu.memory_space<hbm>> -> memref<128xi32, #tpu.memory_space<hbm>>
        %dma_wait3A_200 = arith.constant 0 : i32
        %dma_wait3A_201 = tpu.memref_slice %arg9[%dma_wait3A_200] : memref<19072xi32, #tpu.memory_space<vmem>> -> memref<128xi32, #tpu.memory_space<vmem>>
        tpu.wait_dma2 semaphore(%arg19 : memref<!tpu.dma_semaphore, #tpu.memory_space<semaphore_mem>>) src(%dma_wait3A_201 : memref<128xi32, #tpu.memory_space<vmem>>) dst(%dma_wait3A_199 : memref<128xi32, #tpu.memory_space<hbm>>)
      }
    }
    %scan3A_25 = arith.constant 21 : i32
    %mul3A_26 = arith.constant 64 : i32
    %mul3A_27 = arith.muli %add3A, %mul3A_26 : i32
    %multiple_of3A = tpu.assume_multiple %mul3A_27, 64 : i32
    "tpu.region"() ({
      %run_scoped3A = tpu.sem_alloc : memref<!tpu.dma_semaphore, #tpu.memory_space<semaphore_mem>>
      %dma_start3A = tpu.memref_slice %arg6[%multiple_of3A] : memref<2048xi32, #tpu.memory_space<hbm>> -> memref<64xi32, #tpu.memory_space<hbm>>
      %dma_start3A_28 = tpu.memref_slice %arg6[%multiple_of3A] : memref<2048xi32, #tpu.memory_space<hbm>> -> memref<64xi32, #tpu.memory_space<hbm>>
      tpu.enqueue_dma source(%arg16 : memref<64xi32, #tpu.memory_space<vmem>>) target(%dma_start3A_28 : memref<64xi32, #tpu.memory_space<hbm>>) target_semaphore(%run_scoped3A : memref<!tpu.dma_semaphore, #tpu.memory_space<semaphore_mem>>)
      %dma_wait3A = tpu.memref_slice %arg6[%multiple_of3A] : memref<2048xi32, #tpu.memory_space<hbm>> -> memref<64xi32, #tpu.memory_space<hbm>>
      %dma_wait3A_29 = tpu.memref_slice %arg6[%multiple_of3A] : memref<2048xi32, #tpu.memory_space<hbm>> -> memref<64xi32, #tpu.memory_space<hbm>>
      tpu.wait_dma2 semaphore(%run_scoped3A : memref<!tpu.dma_semaphore, #tpu.memory_space<semaphore_mem>>) src(%arg16 : memref<64xi32, #tpu.memory_space<vmem>>) dst(%dma_wait3A_29 : memref<64xi32, #tpu.memory_space<hbm>>)
      tpu.yield
    }) : () -> ()
    return
  }
}

#map = affine_map<(d0, d1) -> (0)>
module attributes {stable_mosaic.version = 14 : i64} {
  func.func @_phase2_body(%arg0: i32, %arg1: i32, %arg2: memref<475267072xi32, #tpu.memory_space<hbm>>, %arg3: memref<475267072xf32, #tpu.memory_space<hbm>>, %arg4: memref<2048xi32, #tpu.memory_space<hbm>>, %arg5: memref<38535168xf32, #tpu.memory_space<hbm>>, %arg6: memref<2048xi32, #tpu.memory_space<vmem>>, %arg7: memref<2048xf32, #tpu.memory_space<vmem>>, %arg8: memref<2048xi32, #tpu.memory_space<vmem>>, %arg9: memref<128xi32, #tpu.memory_space<vmem>>, %arg10: memref<16384xf32, #tpu.memory_space<vmem>>, %arg11: memref<1048576xf32, #tpu.memory_space<vmem_shared>>, %arg12: memref<!tpu.dma_semaphore, #tpu.memory_space<semaphore_mem>>, %arg13: memref<!tpu.dma_semaphore, #tpu.memory_space<semaphore_mem>>) attributes {dimension_semantics = [#tpu.dimension_semantics<core_parallel>, #tpu.dimension_semantics<subcore_parallel>], iteration_bounds = array<i64: 2, 16>, scalar_prefetch = 0 : i64, scratch_operands = 8 : i64, tpu.core_type = #tpu.core_type<sc_vector_subcore>, window_params = [{transform_indices = #map}, {transform_indices = #map}, {transform_indices = #map}, {transform_indices = #map}]} {
    %iota3A = tpu.iota {dimensions = array<i32: 0>} : vector<16xi32>
    %mul3A = arith.constant 2 : i32
    %mul3A_0 = arith.muli %mul3A, %arg1 : i32
    %mul3A_1 = arith.constant 64 : i32
    %mul3A_2 = arith.muli %mul3A_0, %mul3A_1 : i32
    "tpu.region"() ({
      %run_scoped3A = tpu.sem_alloc : memref<!tpu.dma_semaphore, #tpu.memory_space<semaphore_mem>>
      %dma_start3A = tpu.memref_slice %arg4[%mul3A_2] : memref<2048xi32, #tpu.memory_space<hbm>> -> memref<128xi32, #tpu.memory_space<hbm>>
      %dma_start3A_18 = tpu.memref_slice %arg4[%mul3A_2] : memref<2048xi32, #tpu.memory_space<hbm>> -> memref<128xi32, #tpu.memory_space<hbm>>
      tpu.enqueue_dma source(%dma_start3A_18 : memref<128xi32, #tpu.memory_space<hbm>>) target(%arg9 : memref<128xi32, #tpu.memory_space<vmem>>) target_semaphore(%run_scoped3A : memref<!tpu.dma_semaphore, #tpu.memory_space<semaphore_mem>>)
      %dma_wait3A = tpu.memref_slice %arg4[%mul3A_2] : memref<2048xi32, #tpu.memory_space<hbm>> -> memref<128xi32, #tpu.memory_space<hbm>>
      %dma_wait3A_19 = tpu.memref_slice %arg4[%mul3A_2] : memref<2048xi32, #tpu.memory_space<hbm>> -> memref<128xi32, #tpu.memory_space<hbm>>
      tpu.wait_dma2 semaphore(%run_scoped3A : memref<!tpu.dma_semaphore, #tpu.memory_space<semaphore_mem>>) src(%dma_wait3A_19 : memref<128xi32, #tpu.memory_space<hbm>>) dst(%arg9 : memref<128xi32, #tpu.memory_space<vmem>>)
      tpu.yield
    }) : () -> ()
    %scan3A = arith.constant 0 : i32
    %scan3A_3 = arith.constant 0 : i32
    %scan3A_4 = arith.constant 1024 : i32
    %scan3A_5 = arith.addi %scan3A_3, %scan3A_4 : i32
    %scan3A_6 = arith.constant 1 : i32
    scf.for %scan3A_18 = %scan3A_3 to %scan3A_5 step %scan3A_6  : i32 {
      %broadcast_in_dim3A = arith.constant 0.000000e+00 : f32
      %broadcast_in_dim3A_19 = vector.broadcast %broadcast_in_dim3A : f32 to vector<16xf32>
      %mul3A_20 = arith.constant 16 : i32
      %mul3A_21 = arith.muli %scan3A_18, %mul3A_20 : i32
      %multiple_of3A = tpu.assume_multiple %mul3A_21, 16 : i32
      %swap3A = arith.index_cast %multiple_of3A : i32 to index
      %swap3A_22 = tpu.vector_load %arg10[%swap3A] {strides = array<i32>} : memref<16384xf32, #tpu.memory_space<vmem>>, vector<16xf32>,
      tpu.vector_store %arg10[%swap3A], %broadcast_in_dim3A_19 {strides = array<i32>} : memref<16384xf32, #tpu.memory_space<vmem>>, vector<16xf32>,
    }
    %scan3A_7 = arith.constant 1024 : i32
    %sub3A = arith.constant 19 : i32
    %sub3A_8 = arith.subi %sub3A, %arg0 : i32
    %while3A = arith.constant 0 : i32
    %while3A_9 = arith.constant 0 : i32
    %while3A_10 = arith.subi %sub3A_8, %while3A_9 : i32
    %while3A_11 = arith.addi %while3A_9, %while3A_10 : i32
    %while3A_12 = arith.constant 1 : i32
    %while3A_13 = arith.divsi %while3A_10, %while3A_12 : i32
    %while3A_14 = arith.muli %while3A_13, %while3A_12 : i32
    %while3A_15 = arith.addi %while3A_9, %while3A_14 : i32
    %while3A_16 = arith.constant 1 : i32
    scf.for %while3A_18 = %while3A_9 to %while3A_15 step %while3A_16  : i32 {
      %mul3A_19 = arith.constant 2 : i32
      %mul3A_20 = arith.muli %mul3A_19, %while3A_18 : i32
      %add3A = arith.addi %mul3A_20, %arg0 : i32
      %mul3A_21 = arith.constant 65536 : i32
      %mul3A_22 = arith.muli %arg1, %mul3A_21 : i32
      %add3A_23 = arith.constant 0 : i32
      %add3A_24 = arith.addi %mul3A_22, %add3A_23 : i32
      %dma_start3A = tpu.memref_slice %arg11[%add3A_24] : memref<1048576xf32, #tpu.memory_space<vmem_shared>> -> memref<16384xf32, #tpu.memory_space<vmem_shared>>
      %dma_start3A_25 = tpu.memref_slice %arg11[%add3A_24] : memref<1048576xf32, #tpu.memory_space<vmem_shared>> -> memref<16384xf32, #tpu.memory_space<vmem_shared>>
      tpu.enqueue_dma source(%arg10 : memref<16384xf32, #tpu.memory_space<vmem>>) target(%dma_start3A_25 : memref<16384xf32, #tpu.memory_space<vmem_shared>>) target_semaphore(%arg13 : memref<!tpu.dma_semaphore, #tpu.memory_space<semaphore_mem>>)
      %mul3A_26 = arith.constant 65536 : i32
      %mul3A_27 = arith.muli %arg1, %mul3A_26 : i32
      %add3A_28 = arith.constant 16384 : i32
      %add3A_29 = arith.addi %mul3A_27, %add3A_28 : i32
      %dma_start3A_30 = tpu.memref_slice %arg11[%add3A_29] : memref<1048576xf32, #tpu.memory_space<vmem_shared>> -> memref<16384xf32, #tpu.memory_space<vmem_shared>>
      %dma_start3A_31 = tpu.memref_slice %arg11[%add3A_29] : memref<1048576xf32, #tpu.memory_space<vmem_shared>> -> memref<16384xf32, #tpu.memory_space<vmem_shared>>
      tpu.enqueue_dma source(%arg10 : memref<16384xf32, #tpu.memory_space<vmem>>) target(%dma_start3A_31 : memref<16384xf32, #tpu.memory_space<vmem_shared>>) target_semaphore(%arg13 : memref<!tpu.dma_semaphore, #tpu.memory_space<semaphore_mem>>)
      %mul3A_32 = arith.constant 65536 : i32
      %mul3A_33 = arith.muli %arg1, %mul3A_32 : i32
      %add3A_34 = arith.constant 32768 : i32
      %add3A_35 = arith.addi %mul3A_33, %add3A_34 : i32
      %dma_start3A_36 = tpu.memref_slice %arg11[%add3A_35] : memref<1048576xf32, #tpu.memory_space<vmem_shared>> -> memref<16384xf32, #tpu.memory_space<vmem_shared>>
      %dma_start3A_37 = tpu.memref_slice %arg11[%add3A_35] : memref<1048576xf32, #tpu.memory_space<vmem_shared>> -> memref<16384xf32, #tpu.memory_space<vmem_shared>>
      tpu.enqueue_dma source(%arg10 : memref<16384xf32, #tpu.memory_space<vmem>>) target(%dma_start3A_37 : memref<16384xf32, #tpu.memory_space<vmem_shared>>) target_semaphore(%arg13 : memref<!tpu.dma_semaphore, #tpu.memory_space<semaphore_mem>>)
      %mul3A_38 = arith.constant 65536 : i32
      %mul3A_39 = arith.muli %arg1, %mul3A_38 : i32
      %add3A_40 = arith.constant 49152 : i32
      %add3A_41 = arith.addi %mul3A_39, %add3A_40 : i32
      %dma_start3A_42 = tpu.memref_slice %arg11[%add3A_41] : memref<1048576xf32, #tpu.memory_space<vmem_shared>> -> memref<16384xf32, #tpu.memory_space<vmem_shared>>
      %dma_start3A_43 = tpu.memref_slice %arg11[%add3A_41] : memref<1048576xf32, #tpu.memory_space<vmem_shared>> -> memref<16384xf32, #tpu.memory_space<vmem_shared>>
      tpu.enqueue_dma source(%arg10 : memref<16384xf32, #tpu.memory_space<vmem>>) target(%dma_start3A_43 : memref<16384xf32, #tpu.memory_space<vmem_shared>>) target_semaphore(%arg13 : memref<!tpu.dma_semaphore, #tpu.memory_space<semaphore_mem>>)
      %dma_wait3A = tpu.memref_slice %arg11[%add3A_24] : memref<1048576xf32, #tpu.memory_space<vmem_shared>> -> memref<16384xf32, #tpu.memory_space<vmem_shared>>
      %dma_wait3A_44 = tpu.memref_slice %arg11[%add3A_24] : memref<1048576xf32, #tpu.memory_space<vmem_shared>> -> memref<16384xf32, #tpu.memory_space<vmem_shared>>
      tpu.wait_dma2 semaphore(%arg13 : memref<!tpu.dma_semaphore, #tpu.memory_space<semaphore_mem>>) src(%arg10 : memref<16384xf32, #tpu.memory_space<vmem>>) dst(%dma_wait3A_44 : memref<16384xf32, #tpu.memory_space<vmem_shared>>)
      %dma_wait3A_45 = tpu.memref_slice %arg11[%add3A_29] : memref<1048576xf32, #tpu.memory_space<vmem_shared>> -> memref<16384xf32, #tpu.memory_space<vmem_shared>>
      %dma_wait3A_46 = tpu.memref_slice %arg11[%add3A_29] : memref<1048576xf32, #tpu.memory_space<vmem_shared>> -> memref<16384xf32, #tpu.memory_space<vmem_shared>>
      tpu.wait_dma2 semaphore(%arg13 : memref<!tpu.dma_semaphore, #tpu.memory_space<semaphore_mem>>) src(%arg10 : memref<16384xf32, #tpu.memory_space<vmem>>) dst(%dma_wait3A_46 : memref<16384xf32, #tpu.memory_space<vmem_shared>>)
      %dma_wait3A_47 = tpu.memref_slice %arg11[%add3A_35] : memref<1048576xf32, #tpu.memory_space<vmem_shared>> -> memref<16384xf32, #tpu.memory_space<vmem_shared>>
      %dma_wait3A_48 = tpu.memref_slice %arg11[%add3A_35] : memref<1048576xf32, #tpu.memory_space<vmem_shared>> -> memref<16384xf32, #tpu.memory_space<vmem_shared>>
      tpu.wait_dma2 semaphore(%arg13 : memref<!tpu.dma_semaphore, #tpu.memory_space<semaphore_mem>>) src(%arg10 : memref<16384xf32, #tpu.memory_space<vmem>>) dst(%dma_wait3A_48 : memref<16384xf32, #tpu.memory_space<vmem_shared>>)
      %dma_wait3A_49 = tpu.memref_slice %arg11[%add3A_41] : memref<1048576xf32, #tpu.memory_space<vmem_shared>> -> memref<16384xf32, #tpu.memory_space<vmem_shared>>
      %dma_wait3A_50 = tpu.memref_slice %arg11[%add3A_41] : memref<1048576xf32, #tpu.memory_space<vmem_shared>> -> memref<16384xf32, #tpu.memory_space<vmem_shared>>
      tpu.wait_dma2 semaphore(%arg13 : memref<!tpu.dma_semaphore, #tpu.memory_space<semaphore_mem>>) src(%arg10 : memref<16384xf32, #tpu.memory_space<vmem>>) dst(%dma_wait3A_50 : memref<16384xf32, #tpu.memory_space<vmem_shared>>)
      %barrier3A = arith.constant 0 : index
      tpu.barrier barrier_id(%barrier3A)
      %mul3A_51 = arith.constant 2 : i32
      %mul3A_52 = arith.muli %mul3A_51, %arg1 : i32
      %add3A_53 = arith.constant 0 : i32
      %add3A_54 = arith.addi %mul3A_52, %add3A_53 : i32
      %add3A_55 = arith.constant 0 : i32
      %add3A_56 = arith.addi %add3A_55, %add3A : i32
      %shift_right_logical3A = arith.constant 4 : i32
      %shift_right_logical3A_57 = arith.shrui %add3A_56, %shift_right_logical3A : i32
      %mul3A_58 = arith.constant 16 : i32
      %mul3A_59 = arith.muli %shift_right_logical3A_57, %mul3A_58 : i32
      %multiple_of3A = tpu.assume_multiple %mul3A_59, 16 : i32
      %get3A = arith.index_cast %multiple_of3A : i32 to index
      %get3A_60 = tpu.vector_load %arg9[%get3A] {strides = array<i32>} : memref<128xi32, #tpu.memory_space<vmem>>, vector<16xi32>,
      %and3A = arith.constant 15 : i32
      %and3A_61 = arith.andi %add3A_56, %and3A : i32
      %eq3A = vector.broadcast %and3A_61 : i32 to vector<16xi32>
      %eq3A_62 = arith.cmpi eq, %iota3A, %eq3A : vector<16xi32>
      %jit3A = arith.constant 0 : i32
      %broadcast_in_dim3A = vector.broadcast %jit3A : i32 to vector<16xi32>
      %select_n3A = arith.select %eq3A_62, %get3A_60, %broadcast_in_dim3A : vector<16xi1>, vector<16xi32>
      %reduce_sum3A = arith.constant true
      %reduce_sum3A_63 = vector.broadcast %reduce_sum3A : i1 to vector<16xi1>
      %reduce_sum3A_64 = tpu.scan <sum>, %select_n3A masked %reduce_sum3A_63 : vector<16xi32>, vector<16xi1> -> vector<16xi32>
      %reduce_sum3A_65 = vector.extract %reduce_sum3A_64[15] : i32 from vector<16xi32>
      %add3A_66 = arith.constant 2047 : i32
      %add3A_67 = arith.addi %reduce_sum3A_65, %add3A_66 : i32
      %shift_right_logical3A_68 = arith.constant 11 : i32
      %shift_right_logical3A_69 = arith.shrui %add3A_67, %shift_right_logical3A_68 : i32
      %mul3A_70 = arith.constant 32 : i32
      %mul3A_71 = arith.muli %add3A, %mul3A_70 : i32
      %add3A_72 = arith.addi %mul3A_71, %add3A_54 : i32
      %mul3A_73 = arith.constant 401408 : i32
      %mul3A_74 = arith.muli %add3A_72, %mul3A_73 : i32
      %while3A_75 = arith.constant 0 : i32
      %while3A_76 = arith.constant 0 : i32
      %while3A_77 = arith.subi %shift_right_logical3A_69, %while3A_76 : i32
      %while3A_78 = arith.addi %while3A_76, %while3A_77 : i32
      %while3A_79 = arith.constant 1 : i32
      %while3A_80 = arith.divsi %while3A_77, %while3A_79 : i32
      %while3A_81 = arith.muli %while3A_80, %while3A_79 : i32
      %while3A_82 = arith.addi %while3A_76, %while3A_81 : i32
      %while3A_83 = arith.constant 1 : i32
      scf.for %while3A_136 = %while3A_76 to %while3A_82 step %while3A_83  : i32 {
        %mul3A_137 = arith.constant 2048 : i32
        %mul3A_138 = arith.muli %while3A_136, %mul3A_137 : i32
        %add3A_139 = arith.addi %mul3A_74, %mul3A_138 : i32
        "tpu.region"() ({
          %run_scoped3A = tpu.sem_alloc : memref<!tpu.dma_semaphore, #tpu.memory_space<semaphore_mem>>
          %dma_start3A_153 = tpu.memref_slice %arg2[%add3A_139] : memref<475267072xi32, #tpu.memory_space<hbm>> -> memref<2048xi32, #tpu.memory_space<hbm>>
          %dma_start3A_154 = tpu.memref_slice %arg2[%add3A_139] : memref<475267072xi32, #tpu.memory_space<hbm>> -> memref<2048xi32, #tpu.memory_space<hbm>>
          tpu.enqueue_dma source(%dma_start3A_154 : memref<2048xi32, #tpu.memory_space<hbm>>) target(%arg6 : memref<2048xi32, #tpu.memory_space<vmem>>) target_semaphore(%run_scoped3A : memref<!tpu.dma_semaphore, #tpu.memory_space<semaphore_mem>>)
          %dma_wait3A_155 = tpu.memref_slice %arg2[%add3A_139] : memref<475267072xi32, #tpu.memory_space<hbm>> -> memref<2048xi32, #tpu.memory_space<hbm>>
          %dma_wait3A_156 = tpu.memref_slice %arg2[%add3A_139] : memref<475267072xi32, #tpu.memory_space<hbm>> -> memref<2048xi32, #tpu.memory_space<hbm>>
          tpu.wait_dma2 semaphore(%run_scoped3A : memref<!tpu.dma_semaphore, #tpu.memory_space<semaphore_mem>>) src(%dma_wait3A_156 : memref<2048xi32, #tpu.memory_space<hbm>>) dst(%arg6 : memref<2048xi32, #tpu.memory_space<vmem>>)
          tpu.yield
        }) : () -> ()
        %mul3A_140 = arith.constant 2048 : i32
        %mul3A_141 = arith.muli %while3A_136, %mul3A_140 : i32
        %add3A_142 = arith.addi %mul3A_74, %mul3A_141 : i32
        "tpu.region"() ({
          %run_scoped3A = tpu.sem_alloc : memref<!tpu.dma_semaphore, #tpu.memory_space<semaphore_mem>>
          %dma_start3A_153 = tpu.memref_slice %arg3[%add3A_142] : memref<475267072xf32, #tpu.memory_space<hbm>> -> memref<2048xf32, #tpu.memory_space<hbm>>
          %dma_start3A_154 = tpu.memref_slice %arg3[%add3A_142] : memref<475267072xf32, #tpu.memory_space<hbm>> -> memref<2048xf32, #tpu.memory_space<hbm>>
          tpu.enqueue_dma source(%dma_start3A_154 : memref<2048xf32, #tpu.memory_space<hbm>>) target(%arg7 : memref<2048xf32, #tpu.memory_space<vmem>>) target_semaphore(%run_scoped3A : memref<!tpu.dma_semaphore, #tpu.memory_space<semaphore_mem>>)
          %dma_wait3A_155 = tpu.memref_slice %arg3[%add3A_142] : memref<475267072xf32, #tpu.memory_space<hbm>> -> memref<2048xf32, #tpu.memory_space<hbm>>
          %dma_wait3A_156 = tpu.memref_slice %arg3[%add3A_142] : memref<475267072xf32, #tpu.memory_space<hbm>> -> memref<2048xf32, #tpu.memory_space<hbm>>
          tpu.wait_dma2 semaphore(%run_scoped3A : memref<!tpu.dma_semaphore, #tpu.memory_space<semaphore_mem>>) src(%dma_wait3A_156 : memref<2048xf32, #tpu.memory_space<hbm>>) dst(%arg7 : memref<2048xf32, #tpu.memory_space<vmem>>)
          tpu.yield
        }) : () -> ()
        %scan3A_143 = arith.constant 0 : i32
        %scan3A_144 = arith.constant 0 : i32
        %scan3A_145 = arith.constant 128 : i32
        %scan3A_146 = arith.addi %scan3A_144, %scan3A_145 : i32
        %scan3A_147 = arith.constant 2 : i32
        scf.for %scan3A_153 = %scan3A_144 to %scan3A_146 step %scan3A_147  : i32 {
          %mul3A_154 = arith.constant 16 : i32
          %mul3A_155 = arith.muli %scan3A_153, %mul3A_154 : i32
          %multiple_of3A_156 = tpu.assume_multiple %mul3A_155, 16 : i32
          %get3A_157 = arith.index_cast %multiple_of3A_156 : i32 to index
          %get3A_158 = tpu.vector_load %arg6[%get3A_157] {strides = array<i32>} : memref<2048xi32, #tpu.memory_space<vmem>>, vector<16xi32>,
          %get3A_159 = arith.index_cast %multiple_of3A_156 : i32 to index
          %get3A_160 = tpu.vector_load %arg7[%get3A_159] {strides = array<i32>} : memref<2048xf32, #tpu.memory_space<vmem>>, vector<16xf32>,
          %mul3A_161 = arith.constant 2048 : i32
          %mul3A_162 = arith.muli %while3A_136, %mul3A_161 : i32
          %mul3A_163 = arith.constant 16 : i32
          %mul3A_164 = arith.muli %scan3A_153, %mul3A_163 : i32
          %add3A_165 = arith.addi %mul3A_162, %mul3A_164 : i32
          %add3A_166 = vector.broadcast %add3A_165 : i32 to vector<16xi32>
          %add3A_167 = arith.addi %add3A_166, %iota3A : vector<16xi32>
          %lt3A_168 = vector.broadcast %reduce_sum3A_65 : i32 to vector<16xi32>
          %lt3A_169 = arith.cmpi slt, %add3A_167, %lt3A_168 : vector<16xi32>
          %and3A_170 = arith.constant 1048575 : i32
          %and3A_171 = vector.broadcast %and3A_170 : i32 to vector<16xi32>
          %and3A_172 = arith.andi %get3A_158, %and3A_171 : vector<16xi32>
          %swap3A = arith.index_cast %multiple_of3A_156 : i32 to index
          %swap3A_173 = tpu.vector_load %arg8[%swap3A] {strides = array<i32>} : memref<2048xi32, #tpu.memory_space<vmem>>, vector<16xi32>,
          tpu.vector_store %arg8[%swap3A], %and3A_172 {strides = array<i32>} : memref<2048xi32, #tpu.memory_space<vmem>>, vector<16xi32>,
          %jit3A_174 = arith.constant 0.000000e+00 : f32
          %broadcast_in_dim3A_175 = vector.broadcast %jit3A_174 : f32 to vector<16xf32>
          %select_n3A_176 = arith.select %lt3A_169, %get3A_160, %broadcast_in_dim3A_175 : vector<16xi1>, vector<16xf32>
          %swap3A_177 = arith.index_cast %multiple_of3A_156 : i32 to index
          %swap3A_178 = tpu.vector_load %arg7[%swap3A_177] {strides = array<i32>} : memref<2048xf32, #tpu.memory_space<vmem>>, vector<16xf32>,
          tpu.vector_store %arg7[%swap3A_177], %select_n3A_176 {strides = array<i32>} : memref<2048xf32, #tpu.memory_space<vmem>>, vector<16xf32>,
          %scan3A_179 = arith.constant 1 : i32
          %scan3A_180 = arith.addi %scan3A_153, %scan3A_179 : i32
          %mul3A_181 = arith.constant 16 : i32
          %mul3A_182 = arith.muli %scan3A_180, %mul3A_181 : i32
          %multiple_of3A_183 = tpu.assume_multiple %mul3A_182, 16 : i32
          %get3A_184 = arith.index_cast %multiple_of3A_183 : i32 to index
          %get3A_185 = tpu.vector_load %arg6[%get3A_184] {strides = array<i32>} : memref<2048xi32, #tpu.memory_space<vmem>>, vector<16xi32>,
          %get3A_186 = arith.index_cast %multiple_of3A_183 : i32 to index
          %get3A_187 = tpu.vector_load %arg7[%get3A_186] {strides = array<i32>} : memref<2048xf32, #tpu.memory_space<vmem>>, vector<16xf32>,
          %mul3A_188 = arith.constant 2048 : i32
          %mul3A_189 = arith.muli %while3A_136, %mul3A_188 : i32
          %mul3A_190 = arith.constant 16 : i32
          %mul3A_191 = arith.muli %scan3A_180, %mul3A_190 : i32
          %add3A_192 = arith.addi %mul3A_189, %mul3A_191 : i32
          %add3A_193 = vector.broadcast %add3A_192 : i32 to vector<16xi32>
          %add3A_194 = arith.addi %add3A_193, %iota3A : vector<16xi32>
          %lt3A_195 = vector.broadcast %reduce_sum3A_65 : i32 to vector<16xi32>
          %lt3A_196 = arith.cmpi slt, %add3A_194, %lt3A_195 : vector<16xi32>
          %and3A_197 = arith.constant 1048575 : i32
          %and3A_198 = vector.broadcast %and3A_197 : i32 to vector<16xi32>
          %and3A_199 = arith.andi %get3A_185, %and3A_198 : vector<16xi32>
          %swap3A_200 = arith.index_cast %multiple_of3A_183 : i32 to index
          %swap3A_201 = tpu.vector_load %arg8[%swap3A_200] {strides = array<i32>} : memref<2048xi32, #tpu.memory_space<vmem>>, vector<16xi32>,
          tpu.vector_store %arg8[%swap3A_200], %and3A_199 {strides = array<i32>} : memref<2048xi32, #tpu.memory_space<vmem>>, vector<16xi32>,
          %jit3A_202 = arith.constant 0.000000e+00 : f32
          %broadcast_in_dim3A_203 = vector.broadcast %jit3A_202 : f32 to vector<16xf32>
          %select_n3A_204 = arith.select %lt3A_196, %get3A_187, %broadcast_in_dim3A_203 : vector<16xi1>, vector<16xf32>
          %swap3A_205 = arith.index_cast %multiple_of3A_183 : i32 to index
          %swap3A_206 = tpu.vector_load %arg7[%swap3A_205] {strides = array<i32>} : memref<2048xf32, #tpu.memory_space<vmem>>, vector<16xf32>,
          tpu.vector_store %arg7[%swap3A_205], %select_n3A_204 {strides = array<i32>} : memref<2048xf32, #tpu.memory_space<vmem>>, vector<16xf32>,
        }
        %scan3A_148 = arith.constant 128 : i32
        %dma_start3A_149 = arith.constant 0 : i32
        %dma_start3A_150 = tpu.memref_slice %arg11[%dma_start3A_149] : memref<1048576xf32, #tpu.memory_space<vmem_shared>> -> memref<1048576xf32, #tpu.memory_space<vmem_shared>>
        tpu.enqueue_indirect_dma source(%arg7 : memref<2048xf32, #tpu.memory_space<vmem>>) target(%dma_start3A_150 : memref<1048576xf32, #tpu.memory_space<vmem_shared>>) offsets(%arg8 : memref<2048xi32, #tpu.memory_space<vmem>>) semaphore(%arg12 : memref<!tpu.dma_semaphore, #tpu.memory_space<semaphore_mem>>) {add = true}
        %dma_wait3A_151 = arith.constant 0 : i32
        %dma_wait3A_152 = tpu.memref_slice %arg11[%dma_wait3A_151] : memref<1048576xf32, #tpu.memory_space<vmem_shared>> -> memref<1048576xf32, #tpu.memory_space<vmem_shared>>
        tpu.wait_indirect_dma semaphore(%arg12 : memref<!tpu.dma_semaphore, #tpu.memory_space<semaphore_mem>>) src(%arg7 : memref<2048xf32, #tpu.memory_space<vmem>>) dst(%dma_wait3A_152 : memref<1048576xf32, #tpu.memory_space<vmem_shared>>)
      }
      %while3A_84 = arith.constant 1 : i32
      scf.for %while3A_136 = %while3A_82 to %while3A_78 step %while3A_84  : i32 {
        %mul3A_137 = arith.constant 2048 : i32
        %mul3A_138 = arith.muli %while3A_136, %mul3A_137 : i32
        %add3A_139 = arith.addi %mul3A_74, %mul3A_138 : i32
        "tpu.region"() ({
          %run_scoped3A = tpu.sem_alloc : memref<!tpu.dma_semaphore, #tpu.memory_space<semaphore_mem>>
          %dma_start3A_153 = tpu.memref_slice %arg2[%add3A_139] : memref<475267072xi32, #tpu.memory_space<hbm>> -> memref<2048xi32, #tpu.memory_space<hbm>>
          %dma_start3A_154 = tpu.memref_slice %arg2[%add3A_139] : memref<475267072xi32, #tpu.memory_space<hbm>> -> memref<2048xi32, #tpu.memory_space<hbm>>
          tpu.enqueue_dma source(%dma_start3A_154 : memref<2048xi32, #tpu.memory_space<hbm>>) target(%arg6 : memref<2048xi32, #tpu.memory_space<vmem>>) target_semaphore(%run_scoped3A : memref<!tpu.dma_semaphore, #tpu.memory_space<semaphore_mem>>)
          %dma_wait3A_155 = tpu.memref_slice %arg2[%add3A_139] : memref<475267072xi32, #tpu.memory_space<hbm>> -> memref<2048xi32, #tpu.memory_space<hbm>>
          %dma_wait3A_156 = tpu.memref_slice %arg2[%add3A_139] : memref<475267072xi32, #tpu.memory_space<hbm>> -> memref<2048xi32, #tpu.memory_space<hbm>>
          tpu.wait_dma2 semaphore(%run_scoped3A : memref<!tpu.dma_semaphore, #tpu.memory_space<semaphore_mem>>) src(%dma_wait3A_156 : memref<2048xi32, #tpu.memory_space<hbm>>) dst(%arg6 : memref<2048xi32, #tpu.memory_space<vmem>>)
          tpu.yield
        }) : () -> ()
        %mul3A_140 = arith.constant 2048 : i32
        %mul3A_141 = arith.muli %while3A_136, %mul3A_140 : i32
        %add3A_142 = arith.addi %mul3A_74, %mul3A_141 : i32
        "tpu.region"() ({
          %run_scoped3A = tpu.sem_alloc : memref<!tpu.dma_semaphore, #tpu.memory_space<semaphore_mem>>
          %dma_start3A_153 = tpu.memref_slice %arg3[%add3A_142] : memref<475267072xf32, #tpu.memory_space<hbm>> -> memref<2048xf32, #tpu.memory_space<hbm>>
          %dma_start3A_154 = tpu.memref_slice %arg3[%add3A_142] : memref<475267072xf32, #tpu.memory_space<hbm>> -> memref<2048xf32, #tpu.memory_space<hbm>>
          tpu.enqueue_dma source(%dma_start3A_154 : memref<2048xf32, #tpu.memory_space<hbm>>) target(%arg7 : memref<2048xf32, #tpu.memory_space<vmem>>) target_semaphore(%run_scoped3A : memref<!tpu.dma_semaphore, #tpu.memory_space<semaphore_mem>>)
          %dma_wait3A_155 = tpu.memref_slice %arg3[%add3A_142] : memref<475267072xf32, #tpu.memory_space<hbm>> -> memref<2048xf32, #tpu.memory_space<hbm>>
          %dma_wait3A_156 = tpu.memref_slice %arg3[%add3A_142] : memref<475267072xf32, #tpu.memory_space<hbm>> -> memref<2048xf32, #tpu.memory_space<hbm>>
          tpu.wait_dma2 semaphore(%run_scoped3A : memref<!tpu.dma_semaphore, #tpu.memory_space<semaphore_mem>>) src(%dma_wait3A_156 : memref<2048xf32, #tpu.memory_space<hbm>>) dst(%arg7 : memref<2048xf32, #tpu.memory_space<vmem>>)
          tpu.yield
        }) : () -> ()
        %scan3A_143 = arith.constant 0 : i32
        %scan3A_144 = arith.constant 0 : i32
        %scan3A_145 = arith.constant 128 : i32
        %scan3A_146 = arith.addi %scan3A_144, %scan3A_145 : i32
        %scan3A_147 = arith.constant 2 : i32
        scf.for %scan3A_153 = %scan3A_144 to %scan3A_146 step %scan3A_147  : i32 {
          %mul3A_154 = arith.constant 16 : i32
          %mul3A_155 = arith.muli %scan3A_153, %mul3A_154 : i32
          %multiple_of3A_156 = tpu.assume_multiple %mul3A_155, 16 : i32
          %get3A_157 = arith.index_cast %multiple_of3A_156 : i32 to index
          %get3A_158 = tpu.vector_load %arg6[%get3A_157] {strides = array<i32>} : memref<2048xi32, #tpu.memory_space<vmem>>, vector<16xi32>,
          %get3A_159 = arith.index_cast %multiple_of3A_156 : i32 to index
          %get3A_160 = tpu.vector_load %arg7[%get3A_159] {strides = array<i32>} : memref<2048xf32, #tpu.memory_space<vmem>>, vector<16xf32>,
          %mul3A_161 = arith.constant 2048 : i32
          %mul3A_162 = arith.muli %while3A_136, %mul3A_161 : i32
          %mul3A_163 = arith.constant 16 : i32
          %mul3A_164 = arith.muli %scan3A_153, %mul3A_163 : i32
          %add3A_165 = arith.addi %mul3A_162, %mul3A_164 : i32
          %add3A_166 = vector.broadcast %add3A_165 : i32 to vector<16xi32>
          %add3A_167 = arith.addi %add3A_166, %iota3A : vector<16xi32>
          %lt3A_168 = vector.broadcast %reduce_sum3A_65 : i32 to vector<16xi32>
          %lt3A_169 = arith.cmpi slt, %add3A_167, %lt3A_168 : vector<16xi32>
          %and3A_170 = arith.constant 1048575 : i32
          %and3A_171 = vector.broadcast %and3A_170 : i32 to vector<16xi32>
          %and3A_172 = arith.andi %get3A_158, %and3A_171 : vector<16xi32>
          %swap3A = arith.index_cast %multiple_of3A_156 : i32 to index
          %swap3A_173 = tpu.vector_load %arg8[%swap3A] {strides = array<i32>} : memref<2048xi32, #tpu.memory_space<vmem>>, vector<16xi32>,
          tpu.vector_store %arg8[%swap3A], %and3A_172 {strides = array<i32>} : memref<2048xi32, #tpu.memory_space<vmem>>, vector<16xi32>,
          %jit3A_174 = arith.constant 0.000000e+00 : f32
          %broadcast_in_dim3A_175 = vector.broadcast %jit3A_174 : f32 to vector<16xf32>
          %select_n3A_176 = arith.select %lt3A_169, %get3A_160, %broadcast_in_dim3A_175 : vector<16xi1>, vector<16xf32>
          %swap3A_177 = arith.index_cast %multiple_of3A_156 : i32 to index
          %swap3A_178 = tpu.vector_load %arg7[%swap3A_177] {strides = array<i32>} : memref<2048xf32, #tpu.memory_space<vmem>>, vector<16xf32>,
          tpu.vector_store %arg7[%swap3A_177], %select_n3A_176 {strides = array<i32>} : memref<2048xf32, #tpu.memory_space<vmem>>, vector<16xf32>,
          %scan3A_179 = arith.constant 1 : i32
          %scan3A_180 = arith.addi %scan3A_153, %scan3A_179 : i32
          %mul3A_181 = arith.constant 16 : i32
          %mul3A_182 = arith.muli %scan3A_180, %mul3A_181 : i32
          %multiple_of3A_183 = tpu.assume_multiple %mul3A_182, 16 : i32
          %get3A_184 = arith.index_cast %multiple_of3A_183 : i32 to index
          %get3A_185 = tpu.vector_load %arg6[%get3A_184] {strides = array<i32>} : memref<2048xi32, #tpu.memory_space<vmem>>, vector<16xi32>,
          %get3A_186 = arith.index_cast %multiple_of3A_183 : i32 to index
          %get3A_187 = tpu.vector_load %arg7[%get3A_186] {strides = array<i32>} : memref<2048xf32, #tpu.memory_space<vmem>>, vector<16xf32>,
          %mul3A_188 = arith.constant 2048 : i32
          %mul3A_189 = arith.muli %while3A_136, %mul3A_188 : i32
          %mul3A_190 = arith.constant 16 : i32
          %mul3A_191 = arith.muli %scan3A_180, %mul3A_190 : i32
          %add3A_192 = arith.addi %mul3A_189, %mul3A_191 : i32
          %add3A_193 = vector.broadcast %add3A_192 : i32 to vector<16xi32>
          %add3A_194 = arith.addi %add3A_193, %iota3A : vector<16xi32>
          %lt3A_195 = vector.broadcast %reduce_sum3A_65 : i32 to vector<16xi32>
          %lt3A_196 = arith.cmpi slt, %add3A_194, %lt3A_195 : vector<16xi32>
          %and3A_197 = arith.constant 1048575 : i32
          %and3A_198 = vector.broadcast %and3A_197 : i32 to vector<16xi32>
          %and3A_199 = arith.andi %get3A_185, %and3A_198 : vector<16xi32>
          %swap3A_200 = arith.index_cast %multiple_of3A_183 : i32 to index
          %swap3A_201 = tpu.vector_load %arg8[%swap3A_200] {strides = array<i32>} : memref<2048xi32, #tpu.memory_space<vmem>>, vector<16xi32>,
          tpu.vector_store %arg8[%swap3A_200], %and3A_199 {strides = array<i32>} : memref<2048xi32, #tpu.memory_space<vmem>>, vector<16xi32>,
          %jit3A_202 = arith.constant 0.000000e+00 : f32
          %broadcast_in_dim3A_203 = vector.broadcast %jit3A_202 : f32 to vector<16xf32>
          %select_n3A_204 = arith.select %lt3A_196, %get3A_187, %broadcast_in_dim3A_203 : vector<16xi1>, vector<16xf32>
          %swap3A_205 = arith.index_cast %multiple_of3A_183 : i32 to index
          %swap3A_206 = tpu.vector_load %arg7[%swap3A_205] {strides = array<i32>} : memref<2048xf32, #tpu.memory_space<vmem>>, vector<16xf32>,
          tpu.vector_store %arg7[%swap3A_205], %select_n3A_204 {strides = array<i32>} : memref<2048xf32, #tpu.memory_space<vmem>>, vector<16xf32>,
        }
        %scan3A_148 = arith.constant 128 : i32
        %dma_start3A_149 = arith.constant 0 : i32
        %dma_start3A_150 = tpu.memref_slice %arg11[%dma_start3A_149] : memref<1048576xf32, #tpu.memory_space<vmem_shared>> -> memref<1048576xf32, #tpu.memory_space<vmem_shared>>
        tpu.enqueue_indirect_dma source(%arg7 : memref<2048xf32, #tpu.memory_space<vmem>>) target(%dma_start3A_150 : memref<1048576xf32, #tpu.memory_space<vmem_shared>>) offsets(%arg8 : memref<2048xi32, #tpu.memory_space<vmem>>) semaphore(%arg12 : memref<!tpu.dma_semaphore, #tpu.memory_space<semaphore_mem>>) {add = true}
        %dma_wait3A_151 = arith.constant 0 : i32
        %dma_wait3A_152 = tpu.memref_slice %arg11[%dma_wait3A_151] : memref<1048576xf32, #tpu.memory_space<vmem_shared>> -> memref<1048576xf32, #tpu.memory_space<vmem_shared>>
        tpu.wait_indirect_dma semaphore(%arg12 : memref<!tpu.dma_semaphore, #tpu.memory_space<semaphore_mem>>) src(%arg7 : memref<2048xf32, #tpu.memory_space<vmem>>) dst(%dma_wait3A_152 : memref<1048576xf32, #tpu.memory_space<vmem_shared>>)
      }
      %mul3A_85 = arith.constant 2 : i32
      %mul3A_86 = arith.muli %mul3A_85, %arg1 : i32
      %add3A_87 = arith.constant 1 : i32
      %add3A_88 = arith.addi %mul3A_86, %add3A_87 : i32
      %add3A_89 = arith.constant 64 : i32
      %add3A_90 = arith.addi %add3A_89, %add3A : i32
      %shift_right_logical3A_91 = arith.constant 4 : i32
      %shift_right_logical3A_92 = arith.shrui %add3A_90, %shift_right_logical3A_91 : i32
      %mul3A_93 = arith.constant 16 : i32
      %mul3A_94 = arith.muli %shift_right_logical3A_92, %mul3A_93 : i32
      %multiple_of3A_95 = tpu.assume_multiple %mul3A_94, 16 : i32
      %get3A_96 = arith.index_cast %multiple_of3A_95 : i32 to index
      %get3A_97 = tpu.vector_load %arg9[%get3A_96] {strides = array<i32>} : memref<128xi32, #tpu.memory_space<vmem>>, vector<16xi32>,
      %and3A_98 = arith.constant 15 : i32
      %and3A_99 = arith.andi %add3A_90, %and3A_98 : i32
      %eq3A_100 = vector.broadcast %and3A_99 : i32 to vector<16xi32>
      %eq3A_101 = arith.cmpi eq, %iota3A, %eq3A_100 : vector<16xi32>
      %jit3A_102 = arith.constant 0 : i32
      %broadcast_in_dim3A_103 = vector.broadcast %jit3A_102 : i32 to vector<16xi32>
      %select_n3A_104 = arith.select %eq3A_101, %get3A_97, %broadcast_in_dim3A_103 : vector<16xi1>, vector<16xi32>
      %reduce_sum3A_105 = arith.constant true
      %reduce_sum3A_106 = vector.broadcast %reduce_sum3A_105 : i1 to vector<16xi1>
      %reduce_sum3A_107 = tpu.scan <sum>, %select_n3A_104 masked %reduce_sum3A_106 : vector<16xi32>, vector<16xi1> -> vector<16xi32>
      %reduce_sum3A_108 = vector.extract %reduce_sum3A_107[15] : i32 from vector<16xi32>
      %add3A_109 = arith.constant 2047 : i32
      %add3A_110 = arith.addi %reduce_sum3A_108, %add3A_109 : i32
      %shift_right_logical3A_111 = arith.constant 11 : i32
      %shift_right_logical3A_112 = arith.shrui %add3A_110, %shift_right_logical3A_111 : i32
      %mul3A_113 = arith.constant 32 : i32
      %mul3A_114 = arith.muli %add3A, %mul3A_113 : i32
      %add3A_115 = arith.addi %mul3A_114, %add3A_88 : i32
      %mul3A_116 = arith.constant 401408 : i32
      %mul3A_117 = arith.muli %add3A_115, %mul3A_116 : i32
      %while3A_118 = arith.constant 0 : i32
      %while3A_119 = arith.constant 0 : i32
      %while3A_120 = arith.subi %shift_right_logical3A_112, %while3A_119 : i32
      %while3A_121 = arith.addi %while3A_119, %while3A_120 : i32
      %while3A_122 = arith.constant 1 : i32
      %while3A_123 = arith.divsi %while3A_120, %while3A_122 : i32
      %while3A_124 = arith.muli %while3A_123, %while3A_122 : i32
      %while3A_125 = arith.addi %while3A_119, %while3A_124 : i32
      %while3A_126 = arith.constant 1 : i32
      scf.for %while3A_136 = %while3A_119 to %while3A_125 step %while3A_126  : i32 {
        %mul3A_137 = arith.constant 2048 : i32
        %mul3A_138 = arith.muli %while3A_136, %mul3A_137 : i32
        %add3A_139 = arith.addi %mul3A_117, %mul3A_138 : i32
        "tpu.region"() ({
          %run_scoped3A = tpu.sem_alloc : memref<!tpu.dma_semaphore, #tpu.memory_space<semaphore_mem>>
          %dma_start3A_153 = tpu.memref_slice %arg2[%add3A_139] : memref<475267072xi32, #tpu.memory_space<hbm>> -> memref<2048xi32, #tpu.memory_space<hbm>>
          %dma_start3A_154 = tpu.memref_slice %arg2[%add3A_139] : memref<475267072xi32, #tpu.memory_space<hbm>> -> memref<2048xi32, #tpu.memory_space<hbm>>
          tpu.enqueue_dma source(%dma_start3A_154 : memref<2048xi32, #tpu.memory_space<hbm>>) target(%arg6 : memref<2048xi32, #tpu.memory_space<vmem>>) target_semaphore(%run_scoped3A : memref<!tpu.dma_semaphore, #tpu.memory_space<semaphore_mem>>)
          %dma_wait3A_155 = tpu.memref_slice %arg2[%add3A_139] : memref<475267072xi32, #tpu.memory_space<hbm>> -> memref<2048xi32, #tpu.memory_space<hbm>>
          %dma_wait3A_156 = tpu.memref_slice %arg2[%add3A_139] : memref<475267072xi32, #tpu.memory_space<hbm>> -> memref<2048xi32, #tpu.memory_space<hbm>>
          tpu.wait_dma2 semaphore(%run_scoped3A : memref<!tpu.dma_semaphore, #tpu.memory_space<semaphore_mem>>) src(%dma_wait3A_156 : memref<2048xi32, #tpu.memory_space<hbm>>) dst(%arg6 : memref<2048xi32, #tpu.memory_space<vmem>>)
          tpu.yield
        }) : () -> ()
        %mul3A_140 = arith.constant 2048 : i32
        %mul3A_141 = arith.muli %while3A_136, %mul3A_140 : i32
        %add3A_142 = arith.addi %mul3A_117, %mul3A_141 : i32
        "tpu.region"() ({
          %run_scoped3A = tpu.sem_alloc : memref<!tpu.dma_semaphore, #tpu.memory_space<semaphore_mem>>
          %dma_start3A_153 = tpu.memref_slice %arg3[%add3A_142] : memref<475267072xf32, #tpu.memory_space<hbm>> -> memref<2048xf32, #tpu.memory_space<hbm>>
          %dma_start3A_154 = tpu.memref_slice %arg3[%add3A_142] : memref<475267072xf32, #tpu.memory_space<hbm>> -> memref<2048xf32, #tpu.memory_space<hbm>>
          tpu.enqueue_dma source(%dma_start3A_154 : memref<2048xf32, #tpu.memory_space<hbm>>) target(%arg7 : memref<2048xf32, #tpu.memory_space<vmem>>) target_semaphore(%run_scoped3A : memref<!tpu.dma_semaphore, #tpu.memory_space<semaphore_mem>>)
          %dma_wait3A_155 = tpu.memref_slice %arg3[%add3A_142] : memref<475267072xf32, #tpu.memory_space<hbm>> -> memref<2048xf32, #tpu.memory_space<hbm>>
          %dma_wait3A_156 = tpu.memref_slice %arg3[%add3A_142] : memref<475267072xf32, #tpu.memory_space<hbm>> -> memref<2048xf32, #tpu.memory_space<hbm>>
          tpu.wait_dma2 semaphore(%run_scoped3A : memref<!tpu.dma_semaphore, #tpu.memory_space<semaphore_mem>>) src(%dma_wait3A_156 : memref<2048xf32, #tpu.memory_space<hbm>>) dst(%arg7 : memref<2048xf32, #tpu.memory_space<vmem>>)
          tpu.yield
        }) : () -> ()
        %scan3A_143 = arith.constant 0 : i32
        %scan3A_144 = arith.constant 0 : i32
        %scan3A_145 = arith.constant 128 : i32
        %scan3A_146 = arith.addi %scan3A_144, %scan3A_145 : i32
        %scan3A_147 = arith.constant 2 : i32
        scf.for %scan3A_153 = %scan3A_144 to %scan3A_146 step %scan3A_147  : i32 {
          %mul3A_154 = arith.constant 16 : i32
          %mul3A_155 = arith.muli %scan3A_153, %mul3A_154 : i32
          %multiple_of3A_156 = tpu.assume_multiple %mul3A_155, 16 : i32
          %get3A_157 = arith.index_cast %multiple_of3A_156 : i32 to index
          %get3A_158 = tpu.vector_load %arg6[%get3A_157] {strides = array<i32>} : memref<2048xi32, #tpu.memory_space<vmem>>, vector<16xi32>,
          %get3A_159 = arith.index_cast %multiple_of3A_156 : i32 to index
          %get3A_160 = tpu.vector_load %arg7[%get3A_159] {strides = array<i32>} : memref<2048xf32, #tpu.memory_space<vmem>>, vector<16xf32>,
          %mul3A_161 = arith.constant 2048 : i32
          %mul3A_162 = arith.muli %while3A_136, %mul3A_161 : i32
          %mul3A_163 = arith.constant 16 : i32
          %mul3A_164 = arith.muli %scan3A_153, %mul3A_163 : i32
          %add3A_165 = arith.addi %mul3A_162, %mul3A_164 : i32
          %add3A_166 = vector.broadcast %add3A_165 : i32 to vector<16xi32>
          %add3A_167 = arith.addi %add3A_166, %iota3A : vector<16xi32>
          %lt3A_168 = vector.broadcast %reduce_sum3A_108 : i32 to vector<16xi32>
          %lt3A_169 = arith.cmpi slt, %add3A_167, %lt3A_168 : vector<16xi32>
          %and3A_170 = arith.constant 1048575 : i32
          %and3A_171 = vector.broadcast %and3A_170 : i32 to vector<16xi32>
          %and3A_172 = arith.andi %get3A_158, %and3A_171 : vector<16xi32>
          %swap3A = arith.index_cast %multiple_of3A_156 : i32 to index
          %swap3A_173 = tpu.vector_load %arg8[%swap3A] {strides = array<i32>} : memref<2048xi32, #tpu.memory_space<vmem>>, vector<16xi32>,
          tpu.vector_store %arg8[%swap3A], %and3A_172 {strides = array<i32>} : memref<2048xi32, #tpu.memory_space<vmem>>, vector<16xi32>,
          %jit3A_174 = arith.constant 0.000000e+00 : f32
          %broadcast_in_dim3A_175 = vector.broadcast %jit3A_174 : f32 to vector<16xf32>
          %select_n3A_176 = arith.select %lt3A_169, %get3A_160, %broadcast_in_dim3A_175 : vector<16xi1>, vector<16xf32>
          %swap3A_177 = arith.index_cast %multiple_of3A_156 : i32 to index
          %swap3A_178 = tpu.vector_load %arg7[%swap3A_177] {strides = array<i32>} : memref<2048xf32, #tpu.memory_space<vmem>>, vector<16xf32>,
          tpu.vector_store %arg7[%swap3A_177], %select_n3A_176 {strides = array<i32>} : memref<2048xf32, #tpu.memory_space<vmem>>, vector<16xf32>,
          %scan3A_179 = arith.constant 1 : i32
          %scan3A_180 = arith.addi %scan3A_153, %scan3A_179 : i32
          %mul3A_181 = arith.constant 16 : i32
          %mul3A_182 = arith.muli %scan3A_180, %mul3A_181 : i32
          %multiple_of3A_183 = tpu.assume_multiple %mul3A_182, 16 : i32
          %get3A_184 = arith.index_cast %multiple_of3A_183 : i32 to index
          %get3A_185 = tpu.vector_load %arg6[%get3A_184] {strides = array<i32>} : memref<2048xi32, #tpu.memory_space<vmem>>, vector<16xi32>,
          %get3A_186 = arith.index_cast %multiple_of3A_183 : i32 to index
          %get3A_187 = tpu.vector_load %arg7[%get3A_186] {strides = array<i32>} : memref<2048xf32, #tpu.memory_space<vmem>>, vector<16xf32>,
          %mul3A_188 = arith.constant 2048 : i32
          %mul3A_189 = arith.muli %while3A_136, %mul3A_188 : i32
          %mul3A_190 = arith.constant 16 : i32
          %mul3A_191 = arith.muli %scan3A_180, %mul3A_190 : i32
          %add3A_192 = arith.addi %mul3A_189, %mul3A_191 : i32
          %add3A_193 = vector.broadcast %add3A_192 : i32 to vector<16xi32>
          %add3A_194 = arith.addi %add3A_193, %iota3A : vector<16xi32>
          %lt3A_195 = vector.broadcast %reduce_sum3A_108 : i32 to vector<16xi32>
          %lt3A_196 = arith.cmpi slt, %add3A_194, %lt3A_195 : vector<16xi32>
          %and3A_197 = arith.constant 1048575 : i32
          %and3A_198 = vector.broadcast %and3A_197 : i32 to vector<16xi32>
          %and3A_199 = arith.andi %get3A_185, %and3A_198 : vector<16xi32>
          %swap3A_200 = arith.index_cast %multiple_of3A_183 : i32 to index
          %swap3A_201 = tpu.vector_load %arg8[%swap3A_200] {strides = array<i32>} : memref<2048xi32, #tpu.memory_space<vmem>>, vector<16xi32>,
          tpu.vector_store %arg8[%swap3A_200], %and3A_199 {strides = array<i32>} : memref<2048xi32, #tpu.memory_space<vmem>>, vector<16xi32>,
          %jit3A_202 = arith.constant 0.000000e+00 : f32
          %broadcast_in_dim3A_203 = vector.broadcast %jit3A_202 : f32 to vector<16xf32>
          %select_n3A_204 = arith.select %lt3A_196, %get3A_187, %broadcast_in_dim3A_203 : vector<16xi1>, vector<16xf32>
          %swap3A_205 = arith.index_cast %multiple_of3A_183 : i32 to index
          %swap3A_206 = tpu.vector_load %arg7[%swap3A_205] {strides = array<i32>} : memref<2048xf32, #tpu.memory_space<vmem>>, vector<16xf32>,
          tpu.vector_store %arg7[%swap3A_205], %select_n3A_204 {strides = array<i32>} : memref<2048xf32, #tpu.memory_space<vmem>>, vector<16xf32>,
        }
        %scan3A_148 = arith.constant 128 : i32
        %dma_start3A_149 = arith.constant 0 : i32
        %dma_start3A_150 = tpu.memref_slice %arg11[%dma_start3A_149] : memref<1048576xf32, #tpu.memory_space<vmem_shared>> -> memref<1048576xf32, #tpu.memory_space<vmem_shared>>
        tpu.enqueue_indirect_dma source(%arg7 : memref<2048xf32, #tpu.memory_space<vmem>>) target(%dma_start3A_150 : memref<1048576xf32, #tpu.memory_space<vmem_shared>>) offsets(%arg8 : memref<2048xi32, #tpu.memory_space<vmem>>) semaphore(%arg12 : memref<!tpu.dma_semaphore, #tpu.memory_space<semaphore_mem>>) {add = true}
        %dma_wait3A_151 = arith.constant 0 : i32
        %dma_wait3A_152 = tpu.memref_slice %arg11[%dma_wait3A_151] : memref<1048576xf32, #tpu.memory_space<vmem_shared>> -> memref<1048576xf32, #tpu.memory_space<vmem_shared>>
        tpu.wait_indirect_dma semaphore(%arg12 : memref<!tpu.dma_semaphore, #tpu.memory_space<semaphore_mem>>) src(%arg7 : memref<2048xf32, #tpu.memory_space<vmem>>) dst(%dma_wait3A_152 : memref<1048576xf32, #tpu.memory_space<vmem_shared>>)
      }
      %while3A_127 = arith.constant 1 : i32
      scf.for %while3A_136 = %while3A_125 to %while3A_121 step %while3A_127  : i32 {
        %mul3A_137 = arith.constant 2048 : i32
        %mul3A_138 = arith.muli %while3A_136, %mul3A_137 : i32
        %add3A_139 = arith.addi %mul3A_117, %mul3A_138 : i32
        "tpu.region"() ({
          %run_scoped3A = tpu.sem_alloc : memref<!tpu.dma_semaphore, #tpu.memory_space<semaphore_mem>>
          %dma_start3A_153 = tpu.memref_slice %arg2[%add3A_139] : memref<475267072xi32, #tpu.memory_space<hbm>> -> memref<2048xi32, #tpu.memory_space<hbm>>
          %dma_start3A_154 = tpu.memref_slice %arg2[%add3A_139] : memref<475267072xi32, #tpu.memory_space<hbm>> -> memref<2048xi32, #tpu.memory_space<hbm>>
          tpu.enqueue_dma source(%dma_start3A_154 : memref<2048xi32, #tpu.memory_space<hbm>>) target(%arg6 : memref<2048xi32, #tpu.memory_space<vmem>>) target_semaphore(%run_scoped3A : memref<!tpu.dma_semaphore, #tpu.memory_space<semaphore_mem>>)
          %dma_wait3A_155 = tpu.memref_slice %arg2[%add3A_139] : memref<475267072xi32, #tpu.memory_space<hbm>> -> memref<2048xi32, #tpu.memory_space<hbm>>
          %dma_wait3A_156 = tpu.memref_slice %arg2[%add3A_139] : memref<475267072xi32, #tpu.memory_space<hbm>> -> memref<2048xi32, #tpu.memory_space<hbm>>
          tpu.wait_dma2 semaphore(%run_scoped3A : memref<!tpu.dma_semaphore, #tpu.memory_space<semaphore_mem>>) src(%dma_wait3A_156 : memref<2048xi32, #tpu.memory_space<hbm>>) dst(%arg6 : memref<2048xi32, #tpu.memory_space<vmem>>)
          tpu.yield
        }) : () -> ()
        %mul3A_140 = arith.constant 2048 : i32
        %mul3A_141 = arith.muli %while3A_136, %mul3A_140 : i32
        %add3A_142 = arith.addi %mul3A_117, %mul3A_141 : i32
        "tpu.region"() ({
          %run_scoped3A = tpu.sem_alloc : memref<!tpu.dma_semaphore, #tpu.memory_space<semaphore_mem>>
          %dma_start3A_153 = tpu.memref_slice %arg3[%add3A_142] : memref<475267072xf32, #tpu.memory_space<hbm>> -> memref<2048xf32, #tpu.memory_space<hbm>>
          %dma_start3A_154 = tpu.memref_slice %arg3[%add3A_142] : memref<475267072xf32, #tpu.memory_space<hbm>> -> memref<2048xf32, #tpu.memory_space<hbm>>
          tpu.enqueue_dma source(%dma_start3A_154 : memref<2048xf32, #tpu.memory_space<hbm>>) target(%arg7 : memref<2048xf32, #tpu.memory_space<vmem>>) target_semaphore(%run_scoped3A : memref<!tpu.dma_semaphore, #tpu.memory_space<semaphore_mem>>)
          %dma_wait3A_155 = tpu.memref_slice %arg3[%add3A_142] : memref<475267072xf32, #tpu.memory_space<hbm>> -> memref<2048xf32, #tpu.memory_space<hbm>>
          %dma_wait3A_156 = tpu.memref_slice %arg3[%add3A_142] : memref<475267072xf32, #tpu.memory_space<hbm>> -> memref<2048xf32, #tpu.memory_space<hbm>>
          tpu.wait_dma2 semaphore(%run_scoped3A : memref<!tpu.dma_semaphore, #tpu.memory_space<semaphore_mem>>) src(%dma_wait3A_156 : memref<2048xf32, #tpu.memory_space<hbm>>) dst(%arg7 : memref<2048xf32, #tpu.memory_space<vmem>>)
          tpu.yield
        }) : () -> ()
        %scan3A_143 = arith.constant 0 : i32
        %scan3A_144 = arith.constant 0 : i32
        %scan3A_145 = arith.constant 128 : i32
        %scan3A_146 = arith.addi %scan3A_144, %scan3A_145 : i32
        %scan3A_147 = arith.constant 2 : i32
        scf.for %scan3A_153 = %scan3A_144 to %scan3A_146 step %scan3A_147  : i32 {
          %mul3A_154 = arith.constant 16 : i32
          %mul3A_155 = arith.muli %scan3A_153, %mul3A_154 : i32
          %multiple_of3A_156 = tpu.assume_multiple %mul3A_155, 16 : i32
          %get3A_157 = arith.index_cast %multiple_of3A_156 : i32 to index
          %get3A_158 = tpu.vector_load %arg6[%get3A_157] {strides = array<i32>} : memref<2048xi32, #tpu.memory_space<vmem>>, vector<16xi32>,
          %get3A_159 = arith.index_cast %multiple_of3A_156 : i32 to index
          %get3A_160 = tpu.vector_load %arg7[%get3A_159] {strides = array<i32>} : memref<2048xf32, #tpu.memory_space<vmem>>, vector<16xf32>,
          %mul3A_161 = arith.constant 2048 : i32
          %mul3A_162 = arith.muli %while3A_136, %mul3A_161 : i32
          %mul3A_163 = arith.constant 16 : i32
          %mul3A_164 = arith.muli %scan3A_153, %mul3A_163 : i32
          %add3A_165 = arith.addi %mul3A_162, %mul3A_164 : i32
          %add3A_166 = vector.broadcast %add3A_165 : i32 to vector<16xi32>
          %add3A_167 = arith.addi %add3A_166, %iota3A : vector<16xi32>
          %lt3A_168 = vector.broadcast %reduce_sum3A_108 : i32 to vector<16xi32>
          %lt3A_169 = arith.cmpi slt, %add3A_167, %lt3A_168 : vector<16xi32>
          %and3A_170 = arith.constant 1048575 : i32
          %and3A_171 = vector.broadcast %and3A_170 : i32 to vector<16xi32>
          %and3A_172 = arith.andi %get3A_158, %and3A_171 : vector<16xi32>
          %swap3A = arith.index_cast %multiple_of3A_156 : i32 to index
          %swap3A_173 = tpu.vector_load %arg8[%swap3A] {strides = array<i32>} : memref<2048xi32, #tpu.memory_space<vmem>>, vector<16xi32>,
          tpu.vector_store %arg8[%swap3A], %and3A_172 {strides = array<i32>} : memref<2048xi32, #tpu.memory_space<vmem>>, vector<16xi32>,
          %jit3A_174 = arith.constant 0.000000e+00 : f32
          %broadcast_in_dim3A_175 = vector.broadcast %jit3A_174 : f32 to vector<16xf32>
          %select_n3A_176 = arith.select %lt3A_169, %get3A_160, %broadcast_in_dim3A_175 : vector<16xi1>, vector<16xf32>
          %swap3A_177 = arith.index_cast %multiple_of3A_156 : i32 to index
          %swap3A_178 = tpu.vector_load %arg7[%swap3A_177] {strides = array<i32>} : memref<2048xf32, #tpu.memory_space<vmem>>, vector<16xf32>,
          tpu.vector_store %arg7[%swap3A_177], %select_n3A_176 {strides = array<i32>} : memref<2048xf32, #tpu.memory_space<vmem>>, vector<16xf32>,
          %scan3A_179 = arith.constant 1 : i32
          %scan3A_180 = arith.addi %scan3A_153, %scan3A_179 : i32
          %mul3A_181 = arith.constant 16 : i32
          %mul3A_182 = arith.muli %scan3A_180, %mul3A_181 : i32
          %multiple_of3A_183 = tpu.assume_multiple %mul3A_182, 16 : i32
          %get3A_184 = arith.index_cast %multiple_of3A_183 : i32 to index
          %get3A_185 = tpu.vector_load %arg6[%get3A_184] {strides = array<i32>} : memref<2048xi32, #tpu.memory_space<vmem>>, vector<16xi32>,
          %get3A_186 = arith.index_cast %multiple_of3A_183 : i32 to index
          %get3A_187 = tpu.vector_load %arg7[%get3A_186] {strides = array<i32>} : memref<2048xf32, #tpu.memory_space<vmem>>, vector<16xf32>,
          %mul3A_188 = arith.constant 2048 : i32
          %mul3A_189 = arith.muli %while3A_136, %mul3A_188 : i32
          %mul3A_190 = arith.constant 16 : i32
          %mul3A_191 = arith.muli %scan3A_180, %mul3A_190 : i32
          %add3A_192 = arith.addi %mul3A_189, %mul3A_191 : i32
          %add3A_193 = vector.broadcast %add3A_192 : i32 to vector<16xi32>
          %add3A_194 = arith.addi %add3A_193, %iota3A : vector<16xi32>
          %lt3A_195 = vector.broadcast %reduce_sum3A_108 : i32 to vector<16xi32>
          %lt3A_196 = arith.cmpi slt, %add3A_194, %lt3A_195 : vector<16xi32>
          %and3A_197 = arith.constant 1048575 : i32
          %and3A_198 = vector.broadcast %and3A_197 : i32 to vector<16xi32>
          %and3A_199 = arith.andi %get3A_185, %and3A_198 : vector<16xi32>
          %swap3A_200 = arith.index_cast %multiple_of3A_183 : i32 to index
          %swap3A_201 = tpu.vector_load %arg8[%swap3A_200] {strides = array<i32>} : memref<2048xi32, #tpu.memory_space<vmem>>, vector<16xi32>,
          tpu.vector_store %arg8[%swap3A_200], %and3A_199 {strides = array<i32>} : memref<2048xi32, #tpu.memory_space<vmem>>, vector<16xi32>,
          %jit3A_202 = arith.constant 0.000000e+00 : f32
          %broadcast_in_dim3A_203 = vector.broadcast %jit3A_202 : f32 to vector<16xf32>
          %select_n3A_204 = arith.select %lt3A_196, %get3A_187, %broadcast_in_dim3A_203 : vector<16xi1>, vector<16xf32>
          %swap3A_205 = arith.index_cast %multiple_of3A_183 : i32 to index
          %swap3A_206 = tpu.vector_load %arg7[%swap3A_205] {strides = array<i32>} : memref<2048xf32, #tpu.memory_space<vmem>>, vector<16xf32>,
          tpu.vector_store %arg7[%swap3A_205], %select_n3A_204 {strides = array<i32>} : memref<2048xf32, #tpu.memory_space<vmem>>, vector<16xf32>,
        }
        %scan3A_148 = arith.constant 128 : i32
        %dma_start3A_149 = arith.constant 0 : i32
        %dma_start3A_150 = tpu.memref_slice %arg11[%dma_start3A_149] : memref<1048576xf32, #tpu.memory_space<vmem_shared>> -> memref<1048576xf32, #tpu.memory_space<vmem_shared>>
        tpu.enqueue_indirect_dma source(%arg7 : memref<2048xf32, #tpu.memory_space<vmem>>) target(%dma_start3A_150 : memref<1048576xf32, #tpu.memory_space<vmem_shared>>) offsets(%arg8 : memref<2048xi32, #tpu.memory_space<vmem>>) semaphore(%arg12 : memref<!tpu.dma_semaphore, #tpu.memory_space<semaphore_mem>>) {add = true}
        %dma_wait3A_151 = arith.constant 0 : i32
        %dma_wait3A_152 = tpu.memref_slice %arg11[%dma_wait3A_151] : memref<1048576xf32, #tpu.memory_space<vmem_shared>> -> memref<1048576xf32, #tpu.memory_space<vmem_shared>>
        tpu.wait_indirect_dma semaphore(%arg12 : memref<!tpu.dma_semaphore, #tpu.memory_space<semaphore_mem>>) src(%arg7 : memref<2048xf32, #tpu.memory_space<vmem>>) dst(%dma_wait3A_152 : memref<1048576xf32, #tpu.memory_space<vmem_shared>>)
      }
      %barrier3A_128 = arith.constant 0 : index
      tpu.barrier barrier_id(%barrier3A_128)
      %lt3A = arith.constant 36 : i32
      %lt3A_129 = arith.cmpi slt, %add3A, %lt3A : i32
      %convert_element_type3A = arith.extui %lt3A_129 : i1 to i32
      %cond3A = arith.constant 0 : i32
      %cond3A_130 = arith.cmpi ne, %convert_element_type3A, %cond3A : i32
      scf.if %cond3A_130 {
        %mul3A_136 = arith.constant 65536 : i32
        %mul3A_137 = arith.muli %arg1, %mul3A_136 : i32
        %mul3A_138 = arith.constant 1048576 : i32
        %mul3A_139 = arith.muli %add3A, %mul3A_138 : i32
        %mul3A_140 = arith.constant 65536 : i32
        %mul3A_141 = arith.muli %arg1, %mul3A_140 : i32
        %add3A_142 = arith.addi %mul3A_139, %mul3A_141 : i32
        "tpu.region"() ({
          %run_scoped3A = tpu.sem_alloc : memref<!tpu.dma_semaphore, #tpu.memory_space<semaphore_mem>>
          %dma_start3A_143 = tpu.memref_slice %arg5[%add3A_142] : memref<38535168xf32, #tpu.memory_space<hbm>> -> memref<65536xf32, #tpu.memory_space<hbm>>
          %dma_start3A_144 = tpu.memref_slice %arg11[%mul3A_137] : memref<1048576xf32, #tpu.memory_space<vmem_shared>> -> memref<65536xf32, #tpu.memory_space<vmem_shared>>
          tpu.enqueue_dma source(%dma_start3A_144 : memref<65536xf32, #tpu.memory_space<vmem_shared>>) target(%dma_start3A_143 : memref<65536xf32, #tpu.memory_space<hbm>>) target_semaphore(%run_scoped3A : memref<!tpu.dma_semaphore, #tpu.memory_space<semaphore_mem>>)
          %dma_wait3A_145 = tpu.memref_slice %arg5[%add3A_142] : memref<38535168xf32, #tpu.memory_space<hbm>> -> memref<65536xf32, #tpu.memory_space<hbm>>
          %dma_wait3A_146 = tpu.memref_slice %arg11[%mul3A_137] : memref<1048576xf32, #tpu.memory_space<vmem_shared>> -> memref<65536xf32, #tpu.memory_space<vmem_shared>>
          tpu.wait_dma2 semaphore(%run_scoped3A : memref<!tpu.dma_semaphore, #tpu.memory_space<semaphore_mem>>) src(%dma_wait3A_146 : memref<65536xf32, #tpu.memory_space<vmem_shared>>) dst(%dma_wait3A_145 : memref<65536xf32, #tpu.memory_space<hbm>>)
          tpu.yield
        }) : () -> ()
      } else {
      }
      %eq3A_131 = arith.constant 36 : i32
      %eq3A_132 = arith.cmpi eq, %add3A, %eq3A_131 : i32
      %convert_element_type3A_133 = arith.extui %eq3A_132 : i1 to i32
      %cond3A_134 = arith.constant 0 : i32
      %cond3A_135 = arith.cmpi ne, %convert_element_type3A_133, %cond3A_134 : i32
      scf.if %cond3A_135 {
        %mul3A_136 = arith.constant 49152 : i32
        %mul3A_137 = arith.muli %arg1, %mul3A_136 : i32
        %mul3A_138 = arith.constant 1048576 : i32
        %mul3A_139 = arith.muli %add3A, %mul3A_138 : i32
        %mul3A_140 = arith.constant 49152 : i32
        %mul3A_141 = arith.muli %arg1, %mul3A_140 : i32
        %add3A_142 = arith.addi %mul3A_139, %mul3A_141 : i32
        "tpu.region"() ({
          %run_scoped3A = tpu.sem_alloc : memref<!tpu.dma_semaphore, #tpu.memory_space<semaphore_mem>>
          %dma_start3A_143 = tpu.memref_slice %arg5[%add3A_142] : memref<38535168xf32, #tpu.memory_space<hbm>> -> memref<49152xf32, #tpu.memory_space<hbm>>
          %dma_start3A_144 = tpu.memref_slice %arg11[%mul3A_137] : memref<1048576xf32, #tpu.memory_space<vmem_shared>> -> memref<49152xf32, #tpu.memory_space<vmem_shared>>
          tpu.enqueue_dma source(%dma_start3A_144 : memref<49152xf32, #tpu.memory_space<vmem_shared>>) target(%dma_start3A_143 : memref<49152xf32, #tpu.memory_space<hbm>>) target_semaphore(%run_scoped3A : memref<!tpu.dma_semaphore, #tpu.memory_space<semaphore_mem>>)
          %dma_wait3A_145 = tpu.memref_slice %arg5[%add3A_142] : memref<38535168xf32, #tpu.memory_space<hbm>> -> memref<49152xf32, #tpu.memory_space<hbm>>
          %dma_wait3A_146 = tpu.memref_slice %arg11[%mul3A_137] : memref<1048576xf32, #tpu.memory_space<vmem_shared>> -> memref<49152xf32, #tpu.memory_space<vmem_shared>>
          tpu.wait_dma2 semaphore(%run_scoped3A : memref<!tpu.dma_semaphore, #tpu.memory_space<semaphore_mem>>) src(%dma_wait3A_146 : memref<49152xf32, #tpu.memory_space<vmem_shared>>) dst(%dma_wait3A_145 : memref<49152xf32, #tpu.memory_space<hbm>>)
          tpu.yield
        }) : () -> ()
      } else {
      }
    }
    %while3A_17 = arith.constant 1 : i32
    scf.for %while3A_18 = %while3A_15 to %while3A_11 step %while3A_17  : i32 {
      %mul3A_19 = arith.constant 2 : i32
      %mul3A_20 = arith.muli %mul3A_19, %while3A_18 : i32
      %add3A = arith.addi %mul3A_20, %arg0 : i32
      %mul3A_21 = arith.constant 65536 : i32
      %mul3A_22 = arith.muli %arg1, %mul3A_21 : i32
      %add3A_23 = arith.constant 0 : i32
      %add3A_24 = arith.addi %mul3A_22, %add3A_23 : i32
      %dma_start3A = tpu.memref_slice %arg11[%add3A_24] : memref<1048576xf32, #tpu.memory_space<vmem_shared>> -> memref<16384xf32, #tpu.memory_space<vmem_shared>>
      %dma_start3A_25 = tpu.memref_slice %arg11[%add3A_24] : memref<1048576xf32, #tpu.memory_space<vmem_shared>> -> memref<16384xf32, #tpu.memory_space<vmem_shared>>
      tpu.enqueue_dma source(%arg10 : memref<16384xf32, #tpu.memory_space<vmem>>) target(%dma_start3A_25 : memref<16384xf32, #tpu.memory_space<vmem_shared>>) target_semaphore(%arg13 : memref<!tpu.dma_semaphore, #tpu.memory_space<semaphore_mem>>)
      %mul3A_26 = arith.constant 65536 : i32
      %mul3A_27 = arith.muli %arg1, %mul3A_26 : i32
      %add3A_28 = arith.constant 16384 : i32
      %add3A_29 = arith.addi %mul3A_27, %add3A_28 : i32
      %dma_start3A_30 = tpu.memref_slice %arg11[%add3A_29] : memref<1048576xf32, #tpu.memory_space<vmem_shared>> -> memref<16384xf32, #tpu.memory_space<vmem_shared>>
      %dma_start3A_31 = tpu.memref_slice %arg11[%add3A_29] : memref<1048576xf32, #tpu.memory_space<vmem_shared>> -> memref<16384xf32, #tpu.memory_space<vmem_shared>>
      tpu.enqueue_dma source(%arg10 : memref<16384xf32, #tpu.memory_space<vmem>>) target(%dma_start3A_31 : memref<16384xf32, #tpu.memory_space<vmem_shared>>) target_semaphore(%arg13 : memref<!tpu.dma_semaphore, #tpu.memory_space<semaphore_mem>>)
      %mul3A_32 = arith.constant 65536 : i32
      %mul3A_33 = arith.muli %arg1, %mul3A_32 : i32
      %add3A_34 = arith.constant 32768 : i32
      %add3A_35 = arith.addi %mul3A_33, %add3A_34 : i32
      %dma_start3A_36 = tpu.memref_slice %arg11[%add3A_35] : memref<1048576xf32, #tpu.memory_space<vmem_shared>> -> memref<16384xf32, #tpu.memory_space<vmem_shared>>
      %dma_start3A_37 = tpu.memref_slice %arg11[%add3A_35] : memref<1048576xf32, #tpu.memory_space<vmem_shared>> -> memref<16384xf32, #tpu.memory_space<vmem_shared>>
      tpu.enqueue_dma source(%arg10 : memref<16384xf32, #tpu.memory_space<vmem>>) target(%dma_start3A_37 : memref<16384xf32, #tpu.memory_space<vmem_shared>>) target_semaphore(%arg13 : memref<!tpu.dma_semaphore, #tpu.memory_space<semaphore_mem>>)
      %mul3A_38 = arith.constant 65536 : i32
      %mul3A_39 = arith.muli %arg1, %mul3A_38 : i32
      %add3A_40 = arith.constant 49152 : i32
      %add3A_41 = arith.addi %mul3A_39, %add3A_40 : i32
      %dma_start3A_42 = tpu.memref_slice %arg11[%add3A_41] : memref<1048576xf32, #tpu.memory_space<vmem_shared>> -> memref<16384xf32, #tpu.memory_space<vmem_shared>>
      %dma_start3A_43 = tpu.memref_slice %arg11[%add3A_41] : memref<1048576xf32, #tpu.memory_space<vmem_shared>> -> memref<16384xf32, #tpu.memory_space<vmem_shared>>
      tpu.enqueue_dma source(%arg10 : memref<16384xf32, #tpu.memory_space<vmem>>) target(%dma_start3A_43 : memref<16384xf32, #tpu.memory_space<vmem_shared>>) target_semaphore(%arg13 : memref<!tpu.dma_semaphore, #tpu.memory_space<semaphore_mem>>)
      %dma_wait3A = tpu.memref_slice %arg11[%add3A_24] : memref<1048576xf32, #tpu.memory_space<vmem_shared>> -> memref<16384xf32, #tpu.memory_space<vmem_shared>>
      %dma_wait3A_44 = tpu.memref_slice %arg11[%add3A_24] : memref<1048576xf32, #tpu.memory_space<vmem_shared>> -> memref<16384xf32, #tpu.memory_space<vmem_shared>>
      tpu.wait_dma2 semaphore(%arg13 : memref<!tpu.dma_semaphore, #tpu.memory_space<semaphore_mem>>) src(%arg10 : memref<16384xf32, #tpu.memory_space<vmem>>) dst(%dma_wait3A_44 : memref<16384xf32, #tpu.memory_space<vmem_shared>>)
      %dma_wait3A_45 = tpu.memref_slice %arg11[%add3A_29] : memref<1048576xf32, #tpu.memory_space<vmem_shared>> -> memref<16384xf32, #tpu.memory_space<vmem_shared>>
      %dma_wait3A_46 = tpu.memref_slice %arg11[%add3A_29] : memref<1048576xf32, #tpu.memory_space<vmem_shared>> -> memref<16384xf32, #tpu.memory_space<vmem_shared>>
      tpu.wait_dma2 semaphore(%arg13 : memref<!tpu.dma_semaphore, #tpu.memory_space<semaphore_mem>>) src(%arg10 : memref<16384xf32, #tpu.memory_space<vmem>>) dst(%dma_wait3A_46 : memref<16384xf32, #tpu.memory_space<vmem_shared>>)
      %dma_wait3A_47 = tpu.memref_slice %arg11[%add3A_35] : memref<1048576xf32, #tpu.memory_space<vmem_shared>> -> memref<16384xf32, #tpu.memory_space<vmem_shared>>
      %dma_wait3A_48 = tpu.memref_slice %arg11[%add3A_35] : memref<1048576xf32, #tpu.memory_space<vmem_shared>> -> memref<16384xf32, #tpu.memory_space<vmem_shared>>
      tpu.wait_dma2 semaphore(%arg13 : memref<!tpu.dma_semaphore, #tpu.memory_space<semaphore_mem>>) src(%arg10 : memref<16384xf32, #tpu.memory_space<vmem>>) dst(%dma_wait3A_48 : memref<16384xf32, #tpu.memory_space<vmem_shared>>)
      %dma_wait3A_49 = tpu.memref_slice %arg11[%add3A_41] : memref<1048576xf32, #tpu.memory_space<vmem_shared>> -> memref<16384xf32, #tpu.memory_space<vmem_shared>>
      %dma_wait3A_50 = tpu.memref_slice %arg11[%add3A_41] : memref<1048576xf32, #tpu.memory_space<vmem_shared>> -> memref<16384xf32, #tpu.memory_space<vmem_shared>>
      tpu.wait_dma2 semaphore(%arg13 : memref<!tpu.dma_semaphore, #tpu.memory_space<semaphore_mem>>) src(%arg10 : memref<16384xf32, #tpu.memory_space<vmem>>) dst(%dma_wait3A_50 : memref<16384xf32, #tpu.memory_space<vmem_shared>>)
      %barrier3A = arith.constant 0 : index
      tpu.barrier barrier_id(%barrier3A)
      %mul3A_51 = arith.constant 2 : i32
      %mul3A_52 = arith.muli %mul3A_51, %arg1 : i32
      %add3A_53 = arith.constant 0 : i32
      %add3A_54 = arith.addi %mul3A_52, %add3A_53 : i32
      %add3A_55 = arith.constant 0 : i32
      %add3A_56 = arith.addi %add3A_55, %add3A : i32
      %shift_right_logical3A = arith.constant 4 : i32
      %shift_right_logical3A_57 = arith.shrui %add3A_56, %shift_right_logical3A : i32
      %mul3A_58 = arith.constant 16 : i32
      %mul3A_59 = arith.muli %shift_right_logical3A_57, %mul3A_58 : i32
      %multiple_of3A = tpu.assume_multiple %mul3A_59, 16 : i32
      %get3A = arith.index_cast %multiple_of3A : i32 to index
      %get3A_60 = tpu.vector_load %arg9[%get3A] {strides = array<i32>} : memref<128xi32, #tpu.memory_space<vmem>>, vector<16xi32>,
      %and3A = arith.constant 15 : i32
      %and3A_61 = arith.andi %add3A_56, %and3A : i32
      %eq3A = vector.broadcast %and3A_61 : i32 to vector<16xi32>
      %eq3A_62 = arith.cmpi eq, %iota3A, %eq3A : vector<16xi32>
      %jit3A = arith.constant 0 : i32
      %broadcast_in_dim3A = vector.broadcast %jit3A : i32 to vector<16xi32>
      %select_n3A = arith.select %eq3A_62, %get3A_60, %broadcast_in_dim3A : vector<16xi1>, vector<16xi32>
      %reduce_sum3A = arith.constant true
      %reduce_sum3A_63 = vector.broadcast %reduce_sum3A : i1 to vector<16xi1>
      %reduce_sum3A_64 = tpu.scan <sum>, %select_n3A masked %reduce_sum3A_63 : vector<16xi32>, vector<16xi1> -> vector<16xi32>
      %reduce_sum3A_65 = vector.extract %reduce_sum3A_64[15] : i32 from vector<16xi32>
      %add3A_66 = arith.constant 2047 : i32
      %add3A_67 = arith.addi %reduce_sum3A_65, %add3A_66 : i32
      %shift_right_logical3A_68 = arith.constant 11 : i32
      %shift_right_logical3A_69 = arith.shrui %add3A_67, %shift_right_logical3A_68 : i32
      %mul3A_70 = arith.constant 32 : i32
      %mul3A_71 = arith.muli %add3A, %mul3A_70 : i32
      %add3A_72 = arith.addi %mul3A_71, %add3A_54 : i32
      %mul3A_73 = arith.constant 401408 : i32
      %mul3A_74 = arith.muli %add3A_72, %mul3A_73 : i32
      %while3A_75 = arith.constant 0 : i32
      %while3A_76 = arith.constant 0 : i32
      %while3A_77 = arith.subi %shift_right_logical3A_69, %while3A_76 : i32
      %while3A_78 = arith.addi %while3A_76, %while3A_77 : i32
      %while3A_79 = arith.constant 1 : i32
      %while3A_80 = arith.divsi %while3A_77, %while3A_79 : i32
      %while3A_81 = arith.muli %while3A_80, %while3A_79 : i32
      %while3A_82 = arith.addi %while3A_76, %while3A_81 : i32
      %while3A_83 = arith.constant 1 : i32
      scf.for %while3A_136 = %while3A_76 to %while3A_82 step %while3A_83  : i32 {
        %mul3A_137 = arith.constant 2048 : i32
        %mul3A_138 = arith.muli %while3A_136, %mul3A_137 : i32
        %add3A_139 = arith.addi %mul3A_74, %mul3A_138 : i32
        "tpu.region"() ({
          %run_scoped3A = tpu.sem_alloc : memref<!tpu.dma_semaphore, #tpu.memory_space<semaphore_mem>>
          %dma_start3A_153 = tpu.memref_slice %arg2[%add3A_139] : memref<475267072xi32, #tpu.memory_space<hbm>> -> memref<2048xi32, #tpu.memory_space<hbm>>
          %dma_start3A_154 = tpu.memref_slice %arg2[%add3A_139] : memref<475267072xi32, #tpu.memory_space<hbm>> -> memref<2048xi32, #tpu.memory_space<hbm>>
          tpu.enqueue_dma source(%dma_start3A_154 : memref<2048xi32, #tpu.memory_space<hbm>>) target(%arg6 : memref<2048xi32, #tpu.memory_space<vmem>>) target_semaphore(%run_scoped3A : memref<!tpu.dma_semaphore, #tpu.memory_space<semaphore_mem>>)
          %dma_wait3A_155 = tpu.memref_slice %arg2[%add3A_139] : memref<475267072xi32, #tpu.memory_space<hbm>> -> memref<2048xi32, #tpu.memory_space<hbm>>
          %dma_wait3A_156 = tpu.memref_slice %arg2[%add3A_139] : memref<475267072xi32, #tpu.memory_space<hbm>> -> memref<2048xi32, #tpu.memory_space<hbm>>
          tpu.wait_dma2 semaphore(%run_scoped3A : memref<!tpu.dma_semaphore, #tpu.memory_space<semaphore_mem>>) src(%dma_wait3A_156 : memref<2048xi32, #tpu.memory_space<hbm>>) dst(%arg6 : memref<2048xi32, #tpu.memory_space<vmem>>)
          tpu.yield
        }) : () -> ()
        %mul3A_140 = arith.constant 2048 : i32
        %mul3A_141 = arith.muli %while3A_136, %mul3A_140 : i32
        %add3A_142 = arith.addi %mul3A_74, %mul3A_141 : i32
        "tpu.region"() ({
          %run_scoped3A = tpu.sem_alloc : memref<!tpu.dma_semaphore, #tpu.memory_space<semaphore_mem>>
          %dma_start3A_153 = tpu.memref_slice %arg3[%add3A_142] : memref<475267072xf32, #tpu.memory_space<hbm>> -> memref<2048xf32, #tpu.memory_space<hbm>>
          %dma_start3A_154 = tpu.memref_slice %arg3[%add3A_142] : memref<475267072xf32, #tpu.memory_space<hbm>> -> memref<2048xf32, #tpu.memory_space<hbm>>
          tpu.enqueue_dma source(%dma_start3A_154 : memref<2048xf32, #tpu.memory_space<hbm>>) target(%arg7 : memref<2048xf32, #tpu.memory_space<vmem>>) target_semaphore(%run_scoped3A : memref<!tpu.dma_semaphore, #tpu.memory_space<semaphore_mem>>)
          %dma_wait3A_155 = tpu.memref_slice %arg3[%add3A_142] : memref<475267072xf32, #tpu.memory_space<hbm>> -> memref<2048xf32, #tpu.memory_space<hbm>>
          %dma_wait3A_156 = tpu.memref_slice %arg3[%add3A_142] : memref<475267072xf32, #tpu.memory_space<hbm>> -> memref<2048xf32, #tpu.memory_space<hbm>>
          tpu.wait_dma2 semaphore(%run_scoped3A : memref<!tpu.dma_semaphore, #tpu.memory_space<semaphore_mem>>) src(%dma_wait3A_156 : memref<2048xf32, #tpu.memory_space<hbm>>) dst(%arg7 : memref<2048xf32, #tpu.memory_space<vmem>>)
          tpu.yield
        }) : () -> ()
        %scan3A_143 = arith.constant 0 : i32
        %scan3A_144 = arith.constant 0 : i32
        %scan3A_145 = arith.constant 128 : i32
        %scan3A_146 = arith.addi %scan3A_144, %scan3A_145 : i32
        %scan3A_147 = arith.constant 2 : i32
        scf.for %scan3A_153 = %scan3A_144 to %scan3A_146 step %scan3A_147  : i32 {
          %mul3A_154 = arith.constant 16 : i32
          %mul3A_155 = arith.muli %scan3A_153, %mul3A_154 : i32
          %multiple_of3A_156 = tpu.assume_multiple %mul3A_155, 16 : i32
          %get3A_157 = arith.index_cast %multiple_of3A_156 : i32 to index
          %get3A_158 = tpu.vector_load %arg6[%get3A_157] {strides = array<i32>} : memref<2048xi32, #tpu.memory_space<vmem>>, vector<16xi32>,
          %get3A_159 = arith.index_cast %multiple_of3A_156 : i32 to index
          %get3A_160 = tpu.vector_load %arg7[%get3A_159] {strides = array<i32>} : memref<2048xf32, #tpu.memory_space<vmem>>, vector<16xf32>,
          %mul3A_161 = arith.constant 2048 : i32
          %mul3A_162 = arith.muli %while3A_136, %mul3A_161 : i32
          %mul3A_163 = arith.constant 16 : i32
          %mul3A_164 = arith.muli %scan3A_153, %mul3A_163 : i32
          %add3A_165 = arith.addi %mul3A_162, %mul3A_164 : i32
          %add3A_166 = vector.broadcast %add3A_165 : i32 to vector<16xi32>
          %add3A_167 = arith.addi %add3A_166, %iota3A : vector<16xi32>
          %lt3A_168 = vector.broadcast %reduce_sum3A_65 : i32 to vector<16xi32>
          %lt3A_169 = arith.cmpi slt, %add3A_167, %lt3A_168 : vector<16xi32>
          %and3A_170 = arith.constant 1048575 : i32
          %and3A_171 = vector.broadcast %and3A_170 : i32 to vector<16xi32>
          %and3A_172 = arith.andi %get3A_158, %and3A_171 : vector<16xi32>
          %swap3A = arith.index_cast %multiple_of3A_156 : i32 to index
          %swap3A_173 = tpu.vector_load %arg8[%swap3A] {strides = array<i32>} : memref<2048xi32, #tpu.memory_space<vmem>>, vector<16xi32>,
          tpu.vector_store %arg8[%swap3A], %and3A_172 {strides = array<i32>} : memref<2048xi32, #tpu.memory_space<vmem>>, vector<16xi32>,
          %jit3A_174 = arith.constant 0.000000e+00 : f32
          %broadcast_in_dim3A_175 = vector.broadcast %jit3A_174 : f32 to vector<16xf32>
          %select_n3A_176 = arith.select %lt3A_169, %get3A_160, %broadcast_in_dim3A_175 : vector<16xi1>, vector<16xf32>
          %swap3A_177 = arith.index_cast %multiple_of3A_156 : i32 to index
          %swap3A_178 = tpu.vector_load %arg7[%swap3A_177] {strides = array<i32>} : memref<2048xf32, #tpu.memory_space<vmem>>, vector<16xf32>,
          tpu.vector_store %arg7[%swap3A_177], %select_n3A_176 {strides = array<i32>} : memref<2048xf32, #tpu.memory_space<vmem>>, vector<16xf32>,
          %scan3A_179 = arith.constant 1 : i32
          %scan3A_180 = arith.addi %scan3A_153, %scan3A_179 : i32
          %mul3A_181 = arith.constant 16 : i32
          %mul3A_182 = arith.muli %scan3A_180, %mul3A_181 : i32
          %multiple_of3A_183 = tpu.assume_multiple %mul3A_182, 16 : i32
          %get3A_184 = arith.index_cast %multiple_of3A_183 : i32 to index
          %get3A_185 = tpu.vector_load %arg6[%get3A_184] {strides = array<i32>} : memref<2048xi32, #tpu.memory_space<vmem>>, vector<16xi32>,
          %get3A_186 = arith.index_cast %multiple_of3A_183 : i32 to index
          %get3A_187 = tpu.vector_load %arg7[%get3A_186] {strides = array<i32>} : memref<2048xf32, #tpu.memory_space<vmem>>, vector<16xf32>,
          %mul3A_188 = arith.constant 2048 : i32
          %mul3A_189 = arith.muli %while3A_136, %mul3A_188 : i32
          %mul3A_190 = arith.constant 16 : i32
          %mul3A_191 = arith.muli %scan3A_180, %mul3A_190 : i32
          %add3A_192 = arith.addi %mul3A_189, %mul3A_191 : i32
          %add3A_193 = vector.broadcast %add3A_192 : i32 to vector<16xi32>
          %add3A_194 = arith.addi %add3A_193, %iota3A : vector<16xi32>
          %lt3A_195 = vector.broadcast %reduce_sum3A_65 : i32 to vector<16xi32>
          %lt3A_196 = arith.cmpi slt, %add3A_194, %lt3A_195 : vector<16xi32>
          %and3A_197 = arith.constant 1048575 : i32
          %and3A_198 = vector.broadcast %and3A_197 : i32 to vector<16xi32>
          %and3A_199 = arith.andi %get3A_185, %and3A_198 : vector<16xi32>
          %swap3A_200 = arith.index_cast %multiple_of3A_183 : i32 to index
          %swap3A_201 = tpu.vector_load %arg8[%swap3A_200] {strides = array<i32>} : memref<2048xi32, #tpu.memory_space<vmem>>, vector<16xi32>,
          tpu.vector_store %arg8[%swap3A_200], %and3A_199 {strides = array<i32>} : memref<2048xi32, #tpu.memory_space<vmem>>, vector<16xi32>,
          %jit3A_202 = arith.constant 0.000000e+00 : f32
          %broadcast_in_dim3A_203 = vector.broadcast %jit3A_202 : f32 to vector<16xf32>
          %select_n3A_204 = arith.select %lt3A_196, %get3A_187, %broadcast_in_dim3A_203 : vector<16xi1>, vector<16xf32>
          %swap3A_205 = arith.index_cast %multiple_of3A_183 : i32 to index
          %swap3A_206 = tpu.vector_load %arg7[%swap3A_205] {strides = array<i32>} : memref<2048xf32, #tpu.memory_space<vmem>>, vector<16xf32>,
          tpu.vector_store %arg7[%swap3A_205], %select_n3A_204 {strides = array<i32>} : memref<2048xf32, #tpu.memory_space<vmem>>, vector<16xf32>,
        }
        %scan3A_148 = arith.constant 128 : i32
        %dma_start3A_149 = arith.constant 0 : i32
        %dma_start3A_150 = tpu.memref_slice %arg11[%dma_start3A_149] : memref<1048576xf32, #tpu.memory_space<vmem_shared>> -> memref<1048576xf32, #tpu.memory_space<vmem_shared>>
        tpu.enqueue_indirect_dma source(%arg7 : memref<2048xf32, #tpu.memory_space<vmem>>) target(%dma_start3A_150 : memref<1048576xf32, #tpu.memory_space<vmem_shared>>) offsets(%arg8 : memref<2048xi32, #tpu.memory_space<vmem>>) semaphore(%arg12 : memref<!tpu.dma_semaphore, #tpu.memory_space<semaphore_mem>>) {add = true}
        %dma_wait3A_151 = arith.constant 0 : i32
        %dma_wait3A_152 = tpu.memref_slice %arg11[%dma_wait3A_151] : memref<1048576xf32, #tpu.memory_space<vmem_shared>> -> memref<1048576xf32, #tpu.memory_space<vmem_shared>>
        tpu.wait_indirect_dma semaphore(%arg12 : memref<!tpu.dma_semaphore, #tpu.memory_space<semaphore_mem>>) src(%arg7 : memref<2048xf32, #tpu.memory_space<vmem>>) dst(%dma_wait3A_152 : memref<1048576xf32, #tpu.memory_space<vmem_shared>>)
      }
      %while3A_84 = arith.constant 1 : i32
      scf.for %while3A_136 = %while3A_82 to %while3A_78 step %while3A_84  : i32 {
        %mul3A_137 = arith.constant 2048 : i32
        %mul3A_138 = arith.muli %while3A_136, %mul3A_137 : i32
        %add3A_139 = arith.addi %mul3A_74, %mul3A_138 : i32
        "tpu.region"() ({
          %run_scoped3A = tpu.sem_alloc : memref<!tpu.dma_semaphore, #tpu.memory_space<semaphore_mem>>
          %dma_start3A_153 = tpu.memref_slice %arg2[%add3A_139] : memref<475267072xi32, #tpu.memory_space<hbm>> -> memref<2048xi32, #tpu.memory_space<hbm>>
          %dma_start3A_154 = tpu.memref_slice %arg2[%add3A_139] : memref<475267072xi32, #tpu.memory_space<hbm>> -> memref<2048xi32, #tpu.memory_space<hbm>>
          tpu.enqueue_dma source(%dma_start3A_154 : memref<2048xi32, #tpu.memory_space<hbm>>) target(%arg6 : memref<2048xi32, #tpu.memory_space<vmem>>) target_semaphore(%run_scoped3A : memref<!tpu.dma_semaphore, #tpu.memory_space<semaphore_mem>>)
          %dma_wait3A_155 = tpu.memref_slice %arg2[%add3A_139] : memref<475267072xi32, #tpu.memory_space<hbm>> -> memref<2048xi32, #tpu.memory_space<hbm>>
          %dma_wait3A_156 = tpu.memref_slice %arg2[%add3A_139] : memref<475267072xi32, #tpu.memory_space<hbm>> -> memref<2048xi32, #tpu.memory_space<hbm>>
          tpu.wait_dma2 semaphore(%run_scoped3A : memref<!tpu.dma_semaphore, #tpu.memory_space<semaphore_mem>>) src(%dma_wait3A_156 : memref<2048xi32, #tpu.memory_space<hbm>>) dst(%arg6 : memref<2048xi32, #tpu.memory_space<vmem>>)
          tpu.yield
        }) : () -> ()
        %mul3A_140 = arith.constant 2048 : i32
        %mul3A_141 = arith.muli %while3A_136, %mul3A_140 : i32
        %add3A_142 = arith.addi %mul3A_74, %mul3A_141 : i32
        "tpu.region"() ({
          %run_scoped3A = tpu.sem_alloc : memref<!tpu.dma_semaphore, #tpu.memory_space<semaphore_mem>>
          %dma_start3A_153 = tpu.memref_slice %arg3[%add3A_142] : memref<475267072xf32, #tpu.memory_space<hbm>> -> memref<2048xf32, #tpu.memory_space<hbm>>
          %dma_start3A_154 = tpu.memref_slice %arg3[%add3A_142] : memref<475267072xf32, #tpu.memory_space<hbm>> -> memref<2048xf32, #tpu.memory_space<hbm>>
          tpu.enqueue_dma source(%dma_start3A_154 : memref<2048xf32, #tpu.memory_space<hbm>>) target(%arg7 : memref<2048xf32, #tpu.memory_space<vmem>>) target_semaphore(%run_scoped3A : memref<!tpu.dma_semaphore, #tpu.memory_space<semaphore_mem>>)
          %dma_wait3A_155 = tpu.memref_slice %arg3[%add3A_142] : memref<475267072xf32, #tpu.memory_space<hbm>> -> memref<2048xf32, #tpu.memory_space<hbm>>
          %dma_wait3A_156 = tpu.memref_slice %arg3[%add3A_142] : memref<475267072xf32, #tpu.memory_space<hbm>> -> memref<2048xf32, #tpu.memory_space<hbm>>
          tpu.wait_dma2 semaphore(%run_scoped3A : memref<!tpu.dma_semaphore, #tpu.memory_space<semaphore_mem>>) src(%dma_wait3A_156 : memref<2048xf32, #tpu.memory_space<hbm>>) dst(%arg7 : memref<2048xf32, #tpu.memory_space<vmem>>)
          tpu.yield
        }) : () -> ()
        %scan3A_143 = arith.constant 0 : i32
        %scan3A_144 = arith.constant 0 : i32
        %scan3A_145 = arith.constant 128 : i32
        %scan3A_146 = arith.addi %scan3A_144, %scan3A_145 : i32
        %scan3A_147 = arith.constant 2 : i32
        scf.for %scan3A_153 = %scan3A_144 to %scan3A_146 step %scan3A_147  : i32 {
          %mul3A_154 = arith.constant 16 : i32
          %mul3A_155 = arith.muli %scan3A_153, %mul3A_154 : i32
          %multiple_of3A_156 = tpu.assume_multiple %mul3A_155, 16 : i32
          %get3A_157 = arith.index_cast %multiple_of3A_156 : i32 to index
          %get3A_158 = tpu.vector_load %arg6[%get3A_157] {strides = array<i32>} : memref<2048xi32, #tpu.memory_space<vmem>>, vector<16xi32>,
          %get3A_159 = arith.index_cast %multiple_of3A_156 : i32 to index
          %get3A_160 = tpu.vector_load %arg7[%get3A_159] {strides = array<i32>} : memref<2048xf32, #tpu.memory_space<vmem>>, vector<16xf32>,
          %mul3A_161 = arith.constant 2048 : i32
          %mul3A_162 = arith.muli %while3A_136, %mul3A_161 : i32
          %mul3A_163 = arith.constant 16 : i32
          %mul3A_164 = arith.muli %scan3A_153, %mul3A_163 : i32
          %add3A_165 = arith.addi %mul3A_162, %mul3A_164 : i32
          %add3A_166 = vector.broadcast %add3A_165 : i32 to vector<16xi32>
          %add3A_167 = arith.addi %add3A_166, %iota3A : vector<16xi32>
          %lt3A_168 = vector.broadcast %reduce_sum3A_65 : i32 to vector<16xi32>
          %lt3A_169 = arith.cmpi slt, %add3A_167, %lt3A_168 : vector<16xi32>
          %and3A_170 = arith.constant 1048575 : i32
          %and3A_171 = vector.broadcast %and3A_170 : i32 to vector<16xi32>
          %and3A_172 = arith.andi %get3A_158, %and3A_171 : vector<16xi32>
          %swap3A = arith.index_cast %multiple_of3A_156 : i32 to index
          %swap3A_173 = tpu.vector_load %arg8[%swap3A] {strides = array<i32>} : memref<2048xi32, #tpu.memory_space<vmem>>, vector<16xi32>,
          tpu.vector_store %arg8[%swap3A], %and3A_172 {strides = array<i32>} : memref<2048xi32, #tpu.memory_space<vmem>>, vector<16xi32>,
          %jit3A_174 = arith.constant 0.000000e+00 : f32
          %broadcast_in_dim3A_175 = vector.broadcast %jit3A_174 : f32 to vector<16xf32>
          %select_n3A_176 = arith.select %lt3A_169, %get3A_160, %broadcast_in_dim3A_175 : vector<16xi1>, vector<16xf32>
          %swap3A_177 = arith.index_cast %multiple_of3A_156 : i32 to index
          %swap3A_178 = tpu.vector_load %arg7[%swap3A_177] {strides = array<i32>} : memref<2048xf32, #tpu.memory_space<vmem>>, vector<16xf32>,
          tpu.vector_store %arg7[%swap3A_177], %select_n3A_176 {strides = array<i32>} : memref<2048xf32, #tpu.memory_space<vmem>>, vector<16xf32>,
          %scan3A_179 = arith.constant 1 : i32
          %scan3A_180 = arith.addi %scan3A_153, %scan3A_179 : i32
          %mul3A_181 = arith.constant 16 : i32
          %mul3A_182 = arith.muli %scan3A_180, %mul3A_181 : i32
          %multiple_of3A_183 = tpu.assume_multiple %mul3A_182, 16 : i32
          %get3A_184 = arith.index_cast %multiple_of3A_183 : i32 to index
          %get3A_185 = tpu.vector_load %arg6[%get3A_184] {strides = array<i32>} : memref<2048xi32, #tpu.memory_space<vmem>>, vector<16xi32>,
          %get3A_186 = arith.index_cast %multiple_of3A_183 : i32 to index
          %get3A_187 = tpu.vector_load %arg7[%get3A_186] {strides = array<i32>} : memref<2048xf32, #tpu.memory_space<vmem>>, vector<16xf32>,
          %mul3A_188 = arith.constant 2048 : i32
          %mul3A_189 = arith.muli %while3A_136, %mul3A_188 : i32
          %mul3A_190 = arith.constant 16 : i32
          %mul3A_191 = arith.muli %scan3A_180, %mul3A_190 : i32
          %add3A_192 = arith.addi %mul3A_189, %mul3A_191 : i32
          %add3A_193 = vector.broadcast %add3A_192 : i32 to vector<16xi32>
          %add3A_194 = arith.addi %add3A_193, %iota3A : vector<16xi32>
          %lt3A_195 = vector.broadcast %reduce_sum3A_65 : i32 to vector<16xi32>
          %lt3A_196 = arith.cmpi slt, %add3A_194, %lt3A_195 : vector<16xi32>
          %and3A_197 = arith.constant 1048575 : i32
          %and3A_198 = vector.broadcast %and3A_197 : i32 to vector<16xi32>
          %and3A_199 = arith.andi %get3A_185, %and3A_198 : vector<16xi32>
          %swap3A_200 = arith.index_cast %multiple_of3A_183 : i32 to index
          %swap3A_201 = tpu.vector_load %arg8[%swap3A_200] {strides = array<i32>} : memref<2048xi32, #tpu.memory_space<vmem>>, vector<16xi32>,
          tpu.vector_store %arg8[%swap3A_200], %and3A_199 {strides = array<i32>} : memref<2048xi32, #tpu.memory_space<vmem>>, vector<16xi32>,
          %jit3A_202 = arith.constant 0.000000e+00 : f32
          %broadcast_in_dim3A_203 = vector.broadcast %jit3A_202 : f32 to vector<16xf32>
          %select_n3A_204 = arith.select %lt3A_196, %get3A_187, %broadcast_in_dim3A_203 : vector<16xi1>, vector<16xf32>
          %swap3A_205 = arith.index_cast %multiple_of3A_183 : i32 to index
          %swap3A_206 = tpu.vector_load %arg7[%swap3A_205] {strides = array<i32>} : memref<2048xf32, #tpu.memory_space<vmem>>, vector<16xf32>,
          tpu.vector_store %arg7[%swap3A_205], %select_n3A_204 {strides = array<i32>} : memref<2048xf32, #tpu.memory_space<vmem>>, vector<16xf32>,
        }
        %scan3A_148 = arith.constant 128 : i32
        %dma_start3A_149 = arith.constant 0 : i32
        %dma_start3A_150 = tpu.memref_slice %arg11[%dma_start3A_149] : memref<1048576xf32, #tpu.memory_space<vmem_shared>> -> memref<1048576xf32, #tpu.memory_space<vmem_shared>>
        tpu.enqueue_indirect_dma source(%arg7 : memref<2048xf32, #tpu.memory_space<vmem>>) target(%dma_start3A_150 : memref<1048576xf32, #tpu.memory_space<vmem_shared>>) offsets(%arg8 : memref<2048xi32, #tpu.memory_space<vmem>>) semaphore(%arg12 : memref<!tpu.dma_semaphore, #tpu.memory_space<semaphore_mem>>) {add = true}
        %dma_wait3A_151 = arith.constant 0 : i32
        %dma_wait3A_152 = tpu.memref_slice %arg11[%dma_wait3A_151] : memref<1048576xf32, #tpu.memory_space<vmem_shared>> -> memref<1048576xf32, #tpu.memory_space<vmem_shared>>
        tpu.wait_indirect_dma semaphore(%arg12 : memref<!tpu.dma_semaphore, #tpu.memory_space<semaphore_mem>>) src(%arg7 : memref<2048xf32, #tpu.memory_space<vmem>>) dst(%dma_wait3A_152 : memref<1048576xf32, #tpu.memory_space<vmem_shared>>)
      }
      %mul3A_85 = arith.constant 2 : i32
      %mul3A_86 = arith.muli %mul3A_85, %arg1 : i32
      %add3A_87 = arith.constant 1 : i32
      %add3A_88 = arith.addi %mul3A_86, %add3A_87 : i32
      %add3A_89 = arith.constant 64 : i32
      %add3A_90 = arith.addi %add3A_89, %add3A : i32
      %shift_right_logical3A_91 = arith.constant 4 : i32
      %shift_right_logical3A_92 = arith.shrui %add3A_90, %shift_right_logical3A_91 : i32
      %mul3A_93 = arith.constant 16 : i32
      %mul3A_94 = arith.muli %shift_right_logical3A_92, %mul3A_93 : i32
      %multiple_of3A_95 = tpu.assume_multiple %mul3A_94, 16 : i32
      %get3A_96 = arith.index_cast %multiple_of3A_95 : i32 to index
      %get3A_97 = tpu.vector_load %arg9[%get3A_96] {strides = array<i32>} : memref<128xi32, #tpu.memory_space<vmem>>, vector<16xi32>,
      %and3A_98 = arith.constant 15 : i32
      %and3A_99 = arith.andi %add3A_90, %and3A_98 : i32
      %eq3A_100 = vector.broadcast %and3A_99 : i32 to vector<16xi32>
      %eq3A_101 = arith.cmpi eq, %iota3A, %eq3A_100 : vector<16xi32>
      %jit3A_102 = arith.constant 0 : i32
      %broadcast_in_dim3A_103 = vector.broadcast %jit3A_102 : i32 to vector<16xi32>
      %select_n3A_104 = arith.select %eq3A_101, %get3A_97, %broadcast_in_dim3A_103 : vector<16xi1>, vector<16xi32>
      %reduce_sum3A_105 = arith.constant true
      %reduce_sum3A_106 = vector.broadcast %reduce_sum3A_105 : i1 to vector<16xi1>
      %reduce_sum3A_107 = tpu.scan <sum>, %select_n3A_104 masked %reduce_sum3A_106 : vector<16xi32>, vector<16xi1> -> vector<16xi32>
      %reduce_sum3A_108 = vector.extract %reduce_sum3A_107[15] : i32 from vector<16xi32>
      %add3A_109 = arith.constant 2047 : i32
      %add3A_110 = arith.addi %reduce_sum3A_108, %add3A_109 : i32
      %shift_right_logical3A_111 = arith.constant 11 : i32
      %shift_right_logical3A_112 = arith.shrui %add3A_110, %shift_right_logical3A_111 : i32
      %mul3A_113 = arith.constant 32 : i32
      %mul3A_114 = arith.muli %add3A, %mul3A_113 : i32
      %add3A_115 = arith.addi %mul3A_114, %add3A_88 : i32
      %mul3A_116 = arith.constant 401408 : i32
      %mul3A_117 = arith.muli %add3A_115, %mul3A_116 : i32
      %while3A_118 = arith.constant 0 : i32
      %while3A_119 = arith.constant 0 : i32
      %while3A_120 = arith.subi %shift_right_logical3A_112, %while3A_119 : i32
      %while3A_121 = arith.addi %while3A_119, %while3A_120 : i32
      %while3A_122 = arith.constant 1 : i32
      %while3A_123 = arith.divsi %while3A_120, %while3A_122 : i32
      %while3A_124 = arith.muli %while3A_123, %while3A_122 : i32
      %while3A_125 = arith.addi %while3A_119, %while3A_124 : i32
      %while3A_126 = arith.constant 1 : i32
      scf.for %while3A_136 = %while3A_119 to %while3A_125 step %while3A_126  : i32 {
        %mul3A_137 = arith.constant 2048 : i32
        %mul3A_138 = arith.muli %while3A_136, %mul3A_137 : i32
        %add3A_139 = arith.addi %mul3A_117, %mul3A_138 : i32
        "tpu.region"() ({
          %run_scoped3A = tpu.sem_alloc : memref<!tpu.dma_semaphore, #tpu.memory_space<semaphore_mem>>
          %dma_start3A_153 = tpu.memref_slice %arg2[%add3A_139] : memref<475267072xi32, #tpu.memory_space<hbm>> -> memref<2048xi32, #tpu.memory_space<hbm>>
          %dma_start3A_154 = tpu.memref_slice %arg2[%add3A_139] : memref<475267072xi32, #tpu.memory_space<hbm>> -> memref<2048xi32, #tpu.memory_space<hbm>>
          tpu.enqueue_dma source(%dma_start3A_154 : memref<2048xi32, #tpu.memory_space<hbm>>) target(%arg6 : memref<2048xi32, #tpu.memory_space<vmem>>) target_semaphore(%run_scoped3A : memref<!tpu.dma_semaphore, #tpu.memory_space<semaphore_mem>>)
          %dma_wait3A_155 = tpu.memref_slice %arg2[%add3A_139] : memref<475267072xi32, #tpu.memory_space<hbm>> -> memref<2048xi32, #tpu.memory_space<hbm>>
          %dma_wait3A_156 = tpu.memref_slice %arg2[%add3A_139] : memref<475267072xi32, #tpu.memory_space<hbm>> -> memref<2048xi32, #tpu.memory_space<hbm>>
          tpu.wait_dma2 semaphore(%run_scoped3A : memref<!tpu.dma_semaphore, #tpu.memory_space<semaphore_mem>>) src(%dma_wait3A_156 : memref<2048xi32, #tpu.memory_space<hbm>>) dst(%arg6 : memref<2048xi32, #tpu.memory_space<vmem>>)
          tpu.yield
        }) : () -> ()
        %mul3A_140 = arith.constant 2048 : i32
        %mul3A_141 = arith.muli %while3A_136, %mul3A_140 : i32
        %add3A_142 = arith.addi %mul3A_117, %mul3A_141 : i32
        "tpu.region"() ({
          %run_scoped3A = tpu.sem_alloc : memref<!tpu.dma_semaphore, #tpu.memory_space<semaphore_mem>>
          %dma_start3A_153 = tpu.memref_slice %arg3[%add3A_142] : memref<475267072xf32, #tpu.memory_space<hbm>> -> memref<2048xf32, #tpu.memory_space<hbm>>
          %dma_start3A_154 = tpu.memref_slice %arg3[%add3A_142] : memref<475267072xf32, #tpu.memory_space<hbm>> -> memref<2048xf32, #tpu.memory_space<hbm>>
          tpu.enqueue_dma source(%dma_start3A_154 : memref<2048xf32, #tpu.memory_space<hbm>>) target(%arg7 : memref<2048xf32, #tpu.memory_space<vmem>>) target_semaphore(%run_scoped3A : memref<!tpu.dma_semaphore, #tpu.memory_space<semaphore_mem>>)
          %dma_wait3A_155 = tpu.memref_slice %arg3[%add3A_142] : memref<475267072xf32, #tpu.memory_space<hbm>> -> memref<2048xf32, #tpu.memory_space<hbm>>
          %dma_wait3A_156 = tpu.memref_slice %arg3[%add3A_142] : memref<475267072xf32, #tpu.memory_space<hbm>> -> memref<2048xf32, #tpu.memory_space<hbm>>
          tpu.wait_dma2 semaphore(%run_scoped3A : memref<!tpu.dma_semaphore, #tpu.memory_space<semaphore_mem>>) src(%dma_wait3A_156 : memref<2048xf32, #tpu.memory_space<hbm>>) dst(%arg7 : memref<2048xf32, #tpu.memory_space<vmem>>)
          tpu.yield
        }) : () -> ()
        %scan3A_143 = arith.constant 0 : i32
        %scan3A_144 = arith.constant 0 : i32
        %scan3A_145 = arith.constant 128 : i32
        %scan3A_146 = arith.addi %scan3A_144, %scan3A_145 : i32
        %scan3A_147 = arith.constant 2 : i32
        scf.for %scan3A_153 = %scan3A_144 to %scan3A_146 step %scan3A_147  : i32 {
          %mul3A_154 = arith.constant 16 : i32
          %mul3A_155 = arith.muli %scan3A_153, %mul3A_154 : i32
          %multiple_of3A_156 = tpu.assume_multiple %mul3A_155, 16 : i32
          %get3A_157 = arith.index_cast %multiple_of3A_156 : i32 to index
          %get3A_158 = tpu.vector_load %arg6[%get3A_157] {strides = array<i32>} : memref<2048xi32, #tpu.memory_space<vmem>>, vector<16xi32>,
          %get3A_159 = arith.index_cast %multiple_of3A_156 : i32 to index
          %get3A_160 = tpu.vector_load %arg7[%get3A_159] {strides = array<i32>} : memref<2048xf32, #tpu.memory_space<vmem>>, vector<16xf32>,
          %mul3A_161 = arith.constant 2048 : i32
          %mul3A_162 = arith.muli %while3A_136, %mul3A_161 : i32
          %mul3A_163 = arith.constant 16 : i32
          %mul3A_164 = arith.muli %scan3A_153, %mul3A_163 : i32
          %add3A_165 = arith.addi %mul3A_162, %mul3A_164 : i32
          %add3A_166 = vector.broadcast %add3A_165 : i32 to vector<16xi32>
          %add3A_167 = arith.addi %add3A_166, %iota3A : vector<16xi32>
          %lt3A_168 = vector.broadcast %reduce_sum3A_108 : i32 to vector<16xi32>
          %lt3A_169 = arith.cmpi slt, %add3A_167, %lt3A_168 : vector<16xi32>
          %and3A_170 = arith.constant 1048575 : i32
          %and3A_171 = vector.broadcast %and3A_170 : i32 to vector<16xi32>
          %and3A_172 = arith.andi %get3A_158, %and3A_171 : vector<16xi32>
          %swap3A = arith.index_cast %multiple_of3A_156 : i32 to index
          %swap3A_173 = tpu.vector_load %arg8[%swap3A] {strides = array<i32>} : memref<2048xi32, #tpu.memory_space<vmem>>, vector<16xi32>,
          tpu.vector_store %arg8[%swap3A], %and3A_172 {strides = array<i32>} : memref<2048xi32, #tpu.memory_space<vmem>>, vector<16xi32>,
          %jit3A_174 = arith.constant 0.000000e+00 : f32
          %broadcast_in_dim3A_175 = vector.broadcast %jit3A_174 : f32 to vector<16xf32>
          %select_n3A_176 = arith.select %lt3A_169, %get3A_160, %broadcast_in_dim3A_175 : vector<16xi1>, vector<16xf32>
          %swap3A_177 = arith.index_cast %multiple_of3A_156 : i32 to index
          %swap3A_178 = tpu.vector_load %arg7[%swap3A_177] {strides = array<i32>} : memref<2048xf32, #tpu.memory_space<vmem>>, vector<16xf32>,
          tpu.vector_store %arg7[%swap3A_177], %select_n3A_176 {strides = array<i32>} : memref<2048xf32, #tpu.memory_space<vmem>>, vector<16xf32>,
          %scan3A_179 = arith.constant 1 : i32
          %scan3A_180 = arith.addi %scan3A_153, %scan3A_179 : i32
          %mul3A_181 = arith.constant 16 : i32
          %mul3A_182 = arith.muli %scan3A_180, %mul3A_181 : i32
          %multiple_of3A_183 = tpu.assume_multiple %mul3A_182, 16 : i32
          %get3A_184 = arith.index_cast %multiple_of3A_183 : i32 to index
          %get3A_185 = tpu.vector_load %arg6[%get3A_184] {strides = array<i32>} : memref<2048xi32, #tpu.memory_space<vmem>>, vector<16xi32>,
          %get3A_186 = arith.index_cast %multiple_of3A_183 : i32 to index
          %get3A_187 = tpu.vector_load %arg7[%get3A_186] {strides = array<i32>} : memref<2048xf32, #tpu.memory_space<vmem>>, vector<16xf32>,
          %mul3A_188 = arith.constant 2048 : i32
          %mul3A_189 = arith.muli %while3A_136, %mul3A_188 : i32
          %mul3A_190 = arith.constant 16 : i32
          %mul3A_191 = arith.muli %scan3A_180, %mul3A_190 : i32
          %add3A_192 = arith.addi %mul3A_189, %mul3A_191 : i32
          %add3A_193 = vector.broadcast %add3A_192 : i32 to vector<16xi32>
          %add3A_194 = arith.addi %add3A_193, %iota3A : vector<16xi32>
          %lt3A_195 = vector.broadcast %reduce_sum3A_108 : i32 to vector<16xi32>
          %lt3A_196 = arith.cmpi slt, %add3A_194, %lt3A_195 : vector<16xi32>
          %and3A_197 = arith.constant 1048575 : i32
          %and3A_198 = vector.broadcast %and3A_197 : i32 to vector<16xi32>
          %and3A_199 = arith.andi %get3A_185, %and3A_198 : vector<16xi32>
          %swap3A_200 = arith.index_cast %multiple_of3A_183 : i32 to index
          %swap3A_201 = tpu.vector_load %arg8[%swap3A_200] {strides = array<i32>} : memref<2048xi32, #tpu.memory_space<vmem>>, vector<16xi32>,
          tpu.vector_store %arg8[%swap3A_200], %and3A_199 {strides = array<i32>} : memref<2048xi32, #tpu.memory_space<vmem>>, vector<16xi32>,
          %jit3A_202 = arith.constant 0.000000e+00 : f32
          %broadcast_in_dim3A_203 = vector.broadcast %jit3A_202 : f32 to vector<16xf32>
          %select_n3A_204 = arith.select %lt3A_196, %get3A_187, %broadcast_in_dim3A_203 : vector<16xi1>, vector<16xf32>
          %swap3A_205 = arith.index_cast %multiple_of3A_183 : i32 to index
          %swap3A_206 = tpu.vector_load %arg7[%swap3A_205] {strides = array<i32>} : memref<2048xf32, #tpu.memory_space<vmem>>, vector<16xf32>,
          tpu.vector_store %arg7[%swap3A_205], %select_n3A_204 {strides = array<i32>} : memref<2048xf32, #tpu.memory_space<vmem>>, vector<16xf32>,
        }
        %scan3A_148 = arith.constant 128 : i32
        %dma_start3A_149 = arith.constant 0 : i32
        %dma_start3A_150 = tpu.memref_slice %arg11[%dma_start3A_149] : memref<1048576xf32, #tpu.memory_space<vmem_shared>> -> memref<1048576xf32, #tpu.memory_space<vmem_shared>>
        tpu.enqueue_indirect_dma source(%arg7 : memref<2048xf32, #tpu.memory_space<vmem>>) target(%dma_start3A_150 : memref<1048576xf32, #tpu.memory_space<vmem_shared>>) offsets(%arg8 : memref<2048xi32, #tpu.memory_space<vmem>>) semaphore(%arg12 : memref<!tpu.dma_semaphore, #tpu.memory_space<semaphore_mem>>) {add = true}
        %dma_wait3A_151 = arith.constant 0 : i32
        %dma_wait3A_152 = tpu.memref_slice %arg11[%dma_wait3A_151] : memref<1048576xf32, #tpu.memory_space<vmem_shared>> -> memref<1048576xf32, #tpu.memory_space<vmem_shared>>
        tpu.wait_indirect_dma semaphore(%arg12 : memref<!tpu.dma_semaphore, #tpu.memory_space<semaphore_mem>>) src(%arg7 : memref<2048xf32, #tpu.memory_space<vmem>>) dst(%dma_wait3A_152 : memref<1048576xf32, #tpu.memory_space<vmem_shared>>)
      }
      %while3A_127 = arith.constant 1 : i32
      scf.for %while3A_136 = %while3A_125 to %while3A_121 step %while3A_127  : i32 {
        %mul3A_137 = arith.constant 2048 : i32
        %mul3A_138 = arith.muli %while3A_136, %mul3A_137 : i32
        %add3A_139 = arith.addi %mul3A_117, %mul3A_138 : i32
        "tpu.region"() ({
          %run_scoped3A = tpu.sem_alloc : memref<!tpu.dma_semaphore, #tpu.memory_space<semaphore_mem>>
          %dma_start3A_153 = tpu.memref_slice %arg2[%add3A_139] : memref<475267072xi32, #tpu.memory_space<hbm>> -> memref<2048xi32, #tpu.memory_space<hbm>>
          %dma_start3A_154 = tpu.memref_slice %arg2[%add3A_139] : memref<475267072xi32, #tpu.memory_space<hbm>> -> memref<2048xi32, #tpu.memory_space<hbm>>
          tpu.enqueue_dma source(%dma_start3A_154 : memref<2048xi32, #tpu.memory_space<hbm>>) target(%arg6 : memref<2048xi32, #tpu.memory_space<vmem>>) target_semaphore(%run_scoped3A : memref<!tpu.dma_semaphore, #tpu.memory_space<semaphore_mem>>)
          %dma_wait3A_155 = tpu.memref_slice %arg2[%add3A_139] : memref<475267072xi32, #tpu.memory_space<hbm>> -> memref<2048xi32, #tpu.memory_space<hbm>>
          %dma_wait3A_156 = tpu.memref_slice %arg2[%add3A_139] : memref<475267072xi32, #tpu.memory_space<hbm>> -> memref<2048xi32, #tpu.memory_space<hbm>>
          tpu.wait_dma2 semaphore(%run_scoped3A : memref<!tpu.dma_semaphore, #tpu.memory_space<semaphore_mem>>) src(%dma_wait3A_156 : memref<2048xi32, #tpu.memory_space<hbm>>) dst(%arg6 : memref<2048xi32, #tpu.memory_space<vmem>>)
          tpu.yield
        }) : () -> ()
        %mul3A_140 = arith.constant 2048 : i32
        %mul3A_141 = arith.muli %while3A_136, %mul3A_140 : i32
        %add3A_142 = arith.addi %mul3A_117, %mul3A_141 : i32
        "tpu.region"() ({
          %run_scoped3A = tpu.sem_alloc : memref<!tpu.dma_semaphore, #tpu.memory_space<semaphore_mem>>
          %dma_start3A_153 = tpu.memref_slice %arg3[%add3A_142] : memref<475267072xf32, #tpu.memory_space<hbm>> -> memref<2048xf32, #tpu.memory_space<hbm>>
          %dma_start3A_154 = tpu.memref_slice %arg3[%add3A_142] : memref<475267072xf32, #tpu.memory_space<hbm>> -> memref<2048xf32, #tpu.memory_space<hbm>>
          tpu.enqueue_dma source(%dma_start3A_154 : memref<2048xf32, #tpu.memory_space<hbm>>) target(%arg7 : memref<2048xf32, #tpu.memory_space<vmem>>) target_semaphore(%run_scoped3A : memref<!tpu.dma_semaphore, #tpu.memory_space<semaphore_mem>>)
          %dma_wait3A_155 = tpu.memref_slice %arg3[%add3A_142] : memref<475267072xf32, #tpu.memory_space<hbm>> -> memref<2048xf32, #tpu.memory_space<hbm>>
          %dma_wait3A_156 = tpu.memref_slice %arg3[%add3A_142] : memref<475267072xf32, #tpu.memory_space<hbm>> -> memref<2048xf32, #tpu.memory_space<hbm>>
          tpu.wait_dma2 semaphore(%run_scoped3A : memref<!tpu.dma_semaphore, #tpu.memory_space<semaphore_mem>>) src(%dma_wait3A_156 : memref<2048xf32, #tpu.memory_space<hbm>>) dst(%arg7 : memref<2048xf32, #tpu.memory_space<vmem>>)
          tpu.yield
        }) : () -> ()
        %scan3A_143 = arith.constant 0 : i32
        %scan3A_144 = arith.constant 0 : i32
        %scan3A_145 = arith.constant 128 : i32
        %scan3A_146 = arith.addi %scan3A_144, %scan3A_145 : i32
        %scan3A_147 = arith.constant 2 : i32
        scf.for %scan3A_153 = %scan3A_144 to %scan3A_146 step %scan3A_147  : i32 {
          %mul3A_154 = arith.constant 16 : i32
          %mul3A_155 = arith.muli %scan3A_153, %mul3A_154 : i32
          %multiple_of3A_156 = tpu.assume_multiple %mul3A_155, 16 : i32
          %get3A_157 = arith.index_cast %multiple_of3A_156 : i32 to index
          %get3A_158 = tpu.vector_load %arg6[%get3A_157] {strides = array<i32>} : memref<2048xi32, #tpu.memory_space<vmem>>, vector<16xi32>,
          %get3A_159 = arith.index_cast %multiple_of3A_156 : i32 to index
          %get3A_160 = tpu.vector_load %arg7[%get3A_159] {strides = array<i32>} : memref<2048xf32, #tpu.memory_space<vmem>>, vector<16xf32>,
          %mul3A_161 = arith.constant 2048 : i32
          %mul3A_162 = arith.muli %while3A_136, %mul3A_161 : i32
          %mul3A_163 = arith.constant 16 : i32
          %mul3A_164 = arith.muli %scan3A_153, %mul3A_163 : i32
          %add3A_165 = arith.addi %mul3A_162, %mul3A_164 : i32
          %add3A_166 = vector.broadcast %add3A_165 : i32 to vector<16xi32>
          %add3A_167 = arith.addi %add3A_166, %iota3A : vector<16xi32>
          %lt3A_168 = vector.broadcast %reduce_sum3A_108 : i32 to vector<16xi32>
          %lt3A_169 = arith.cmpi slt, %add3A_167, %lt3A_168 : vector<16xi32>
          %and3A_170 = arith.constant 1048575 : i32
          %and3A_171 = vector.broadcast %and3A_170 : i32 to vector<16xi32>
          %and3A_172 = arith.andi %get3A_158, %and3A_171 : vector<16xi32>
          %swap3A = arith.index_cast %multiple_of3A_156 : i32 to index
          %swap3A_173 = tpu.vector_load %arg8[%swap3A] {strides = array<i32>} : memref<2048xi32, #tpu.memory_space<vmem>>, vector<16xi32>,
          tpu.vector_store %arg8[%swap3A], %and3A_172 {strides = array<i32>} : memref<2048xi32, #tpu.memory_space<vmem>>, vector<16xi32>,
          %jit3A_174 = arith.constant 0.000000e+00 : f32
          %broadcast_in_dim3A_175 = vector.broadcast %jit3A_174 : f32 to vector<16xf32>
          %select_n3A_176 = arith.select %lt3A_169, %get3A_160, %broadcast_in_dim3A_175 : vector<16xi1>, vector<16xf32>
          %swap3A_177 = arith.index_cast %multiple_of3A_156 : i32 to index
          %swap3A_178 = tpu.vector_load %arg7[%swap3A_177] {strides = array<i32>} : memref<2048xf32, #tpu.memory_space<vmem>>, vector<16xf32>,
          tpu.vector_store %arg7[%swap3A_177], %select_n3A_176 {strides = array<i32>} : memref<2048xf32, #tpu.memory_space<vmem>>, vector<16xf32>,
          %scan3A_179 = arith.constant 1 : i32
          %scan3A_180 = arith.addi %scan3A_153, %scan3A_179 : i32
          %mul3A_181 = arith.constant 16 : i32
          %mul3A_182 = arith.muli %scan3A_180, %mul3A_181 : i32
          %multiple_of3A_183 = tpu.assume_multiple %mul3A_182, 16 : i32
          %get3A_184 = arith.index_cast %multiple_of3A_183 : i32 to index
          %get3A_185 = tpu.vector_load %arg6[%get3A_184] {strides = array<i32>} : memref<2048xi32, #tpu.memory_space<vmem>>, vector<16xi32>,
          %get3A_186 = arith.index_cast %multiple_of3A_183 : i32 to index
          %get3A_187 = tpu.vector_load %arg7[%get3A_186] {strides = array<i32>} : memref<2048xf32, #tpu.memory_space<vmem>>, vector<16xf32>,
          %mul3A_188 = arith.constant 2048 : i32
          %mul3A_189 = arith.muli %while3A_136, %mul3A_188 : i32
          %mul3A_190 = arith.constant 16 : i32
          %mul3A_191 = arith.muli %scan3A_180, %mul3A_190 : i32
          %add3A_192 = arith.addi %mul3A_189, %mul3A_191 : i32
          %add3A_193 = vector.broadcast %add3A_192 : i32 to vector<16xi32>
          %add3A_194 = arith.addi %add3A_193, %iota3A : vector<16xi32>
          %lt3A_195 = vector.broadcast %reduce_sum3A_108 : i32 to vector<16xi32>
          %lt3A_196 = arith.cmpi slt, %add3A_194, %lt3A_195 : vector<16xi32>
          %and3A_197 = arith.constant 1048575 : i32
          %and3A_198 = vector.broadcast %and3A_197 : i32 to vector<16xi32>
          %and3A_199 = arith.andi %get3A_185, %and3A_198 : vector<16xi32>
          %swap3A_200 = arith.index_cast %multiple_of3A_183 : i32 to index
          %swap3A_201 = tpu.vector_load %arg8[%swap3A_200] {strides = array<i32>} : memref<2048xi32, #tpu.memory_space<vmem>>, vector<16xi32>,
          tpu.vector_store %arg8[%swap3A_200], %and3A_199 {strides = array<i32>} : memref<2048xi32, #tpu.memory_space<vmem>>, vector<16xi32>,
          %jit3A_202 = arith.constant 0.000000e+00 : f32
          %broadcast_in_dim3A_203 = vector.broadcast %jit3A_202 : f32 to vector<16xf32>
          %select_n3A_204 = arith.select %lt3A_196, %get3A_187, %broadcast_in_dim3A_203 : vector<16xi1>, vector<16xf32>
          %swap3A_205 = arith.index_cast %multiple_of3A_183 : i32 to index
          %swap3A_206 = tpu.vector_load %arg7[%swap3A_205] {strides = array<i32>} : memref<2048xf32, #tpu.memory_space<vmem>>, vector<16xf32>,
          tpu.vector_store %arg7[%swap3A_205], %select_n3A_204 {strides = array<i32>} : memref<2048xf32, #tpu.memory_space<vmem>>, vector<16xf32>,
        }
        %scan3A_148 = arith.constant 128 : i32
        %dma_start3A_149 = arith.constant 0 : i32
        %dma_start3A_150 = tpu.memref_slice %arg11[%dma_start3A_149] : memref<1048576xf32, #tpu.memory_space<vmem_shared>> -> memref<1048576xf32, #tpu.memory_space<vmem_shared>>
        tpu.enqueue_indirect_dma source(%arg7 : memref<2048xf32, #tpu.memory_space<vmem>>) target(%dma_start3A_150 : memref<1048576xf32, #tpu.memory_space<vmem_shared>>) offsets(%arg8 : memref<2048xi32, #tpu.memory_space<vmem>>) semaphore(%arg12 : memref<!tpu.dma_semaphore, #tpu.memory_space<semaphore_mem>>) {add = true}
        %dma_wait3A_151 = arith.constant 0 : i32
        %dma_wait3A_152 = tpu.memref_slice %arg11[%dma_wait3A_151] : memref<1048576xf32, #tpu.memory_space<vmem_shared>> -> memref<1048576xf32, #tpu.memory_space<vmem_shared>>
        tpu.wait_indirect_dma semaphore(%arg12 : memref<!tpu.dma_semaphore, #tpu.memory_space<semaphore_mem>>) src(%arg7 : memref<2048xf32, #tpu.memory_space<vmem>>) dst(%dma_wait3A_152 : memref<1048576xf32, #tpu.memory_space<vmem_shared>>)
      }
      %barrier3A_128 = arith.constant 0 : index
      tpu.barrier barrier_id(%barrier3A_128)
      %lt3A = arith.constant 36 : i32
      %lt3A_129 = arith.cmpi slt, %add3A, %lt3A : i32
      %convert_element_type3A = arith.extui %lt3A_129 : i1 to i32
      %cond3A = arith.constant 0 : i32
      %cond3A_130 = arith.cmpi ne, %convert_element_type3A, %cond3A : i32
      scf.if %cond3A_130 {
        %mul3A_136 = arith.constant 65536 : i32
        %mul3A_137 = arith.muli %arg1, %mul3A_136 : i32
        %mul3A_138 = arith.constant 1048576 : i32
        %mul3A_139 = arith.muli %add3A, %mul3A_138 : i32
        %mul3A_140 = arith.constant 65536 : i32
        %mul3A_141 = arith.muli %arg1, %mul3A_140 : i32
        %add3A_142 = arith.addi %mul3A_139, %mul3A_141 : i32
        "tpu.region"() ({
          %run_scoped3A = tpu.sem_alloc : memref<!tpu.dma_semaphore, #tpu.memory_space<semaphore_mem>>
          %dma_start3A_143 = tpu.memref_slice %arg5[%add3A_142] : memref<38535168xf32, #tpu.memory_space<hbm>> -> memref<65536xf32, #tpu.memory_space<hbm>>
          %dma_start3A_144 = tpu.memref_slice %arg11[%mul3A_137] : memref<1048576xf32, #tpu.memory_space<vmem_shared>> -> memref<65536xf32, #tpu.memory_space<vmem_shared>>
          tpu.enqueue_dma source(%dma_start3A_144 : memref<65536xf32, #tpu.memory_space<vmem_shared>>) target(%dma_start3A_143 : memref<65536xf32, #tpu.memory_space<hbm>>) target_semaphore(%run_scoped3A : memref<!tpu.dma_semaphore, #tpu.memory_space<semaphore_mem>>)
          %dma_wait3A_145 = tpu.memref_slice %arg5[%add3A_142] : memref<38535168xf32, #tpu.memory_space<hbm>> -> memref<65536xf32, #tpu.memory_space<hbm>>
          %dma_wait3A_146 = tpu.memref_slice %arg11[%mul3A_137] : memref<1048576xf32, #tpu.memory_space<vmem_shared>> -> memref<65536xf32, #tpu.memory_space<vmem_shared>>
          tpu.wait_dma2 semaphore(%run_scoped3A : memref<!tpu.dma_semaphore, #tpu.memory_space<semaphore_mem>>) src(%dma_wait3A_146 : memref<65536xf32, #tpu.memory_space<vmem_shared>>) dst(%dma_wait3A_145 : memref<65536xf32, #tpu.memory_space<hbm>>)
          tpu.yield
        }) : () -> ()
      } else {
      }
      %eq3A_131 = arith.constant 36 : i32
      %eq3A_132 = arith.cmpi eq, %add3A, %eq3A_131 : i32
      %convert_element_type3A_133 = arith.extui %eq3A_132 : i1 to i32
      %cond3A_134 = arith.constant 0 : i32
      %cond3A_135 = arith.cmpi ne, %convert_element_type3A_133, %cond3A_134 : i32
      scf.if %cond3A_135 {
        %mul3A_136 = arith.constant 49152 : i32
        %mul3A_137 = arith.muli %arg1, %mul3A_136 : i32
        %mul3A_138 = arith.constant 1048576 : i32
        %mul3A_139 = arith.muli %add3A, %mul3A_138 : i32
        %mul3A_140 = arith.constant 49152 : i32
        %mul3A_141 = arith.muli %arg1, %mul3A_140 : i32
        %add3A_142 = arith.addi %mul3A_139, %mul3A_141 : i32
        "tpu.region"() ({
          %run_scoped3A = tpu.sem_alloc : memref<!tpu.dma_semaphore, #tpu.memory_space<semaphore_mem>>
          %dma_start3A_143 = tpu.memref_slice %arg5[%add3A_142] : memref<38535168xf32, #tpu.memory_space<hbm>> -> memref<49152xf32, #tpu.memory_space<hbm>>
          %dma_start3A_144 = tpu.memref_slice %arg11[%mul3A_137] : memref<1048576xf32, #tpu.memory_space<vmem_shared>> -> memref<49152xf32, #tpu.memory_space<vmem_shared>>
          tpu.enqueue_dma source(%dma_start3A_144 : memref<49152xf32, #tpu.memory_space<vmem_shared>>) target(%dma_start3A_143 : memref<49152xf32, #tpu.memory_space<hbm>>) target_semaphore(%run_scoped3A : memref<!tpu.dma_semaphore, #tpu.memory_space<semaphore_mem>>)
          %dma_wait3A_145 = tpu.memref_slice %arg5[%add3A_142] : memref<38535168xf32, #tpu.memory_space<hbm>> -> memref<49152xf32, #tpu.memory_space<hbm>>
          %dma_wait3A_146 = tpu.memref_slice %arg11[%mul3A_137] : memref<1048576xf32, #tpu.memory_space<vmem_shared>> -> memref<49152xf32, #tpu.memory_space<vmem_shared>>
          tpu.wait_dma2 semaphore(%run_scoped3A : memref<!tpu.dma_semaphore, #tpu.memory_space<semaphore_mem>>) src(%dma_wait3A_146 : memref<49152xf32, #tpu.memory_space<vmem_shared>>) dst(%dma_wait3A_145 : memref<49152xf32, #tpu.memory_space<hbm>>)
          tpu.yield
        }) : () -> ()
      } else {
      }
    }
    return
  }
}

</mosaic_0001>

<sc_bundles>
// kernel: kernel.4.cloned.1.call-start
scs
__scs_entry_jumppad:
0x0: {  	(pc) =	sbr.rel $0x88, $3  }
0x1: {  	(tag) =	ssettag $0x0;
	lr =	simm.s32 $0x1  }
0x2: {  	[smem:$0x3F9F] =	sst lr;
	_ =	strace $0xD0000000  }
0x3: {  	_ = 	snop  }
0x4: {  	_ = 	snop  }
0x5: {  	_ = 	snop  }
0x6: {  	_ = 	snop  }
0x7: {  	_ = 	snop  }
__scs_overlays_trampoline_lowered:
0x8: {  	[smem:$0x3FAE] =	sst s0  }
0x9: {  	[smem:$0x3FAF] =	sst s1  }
0xa: {  	[smem:$0x3FB0] =	sst s2  }
0xb: {  	[smem:$0x3FB1] =	sst s3  }
0xc: {  	[smem:$0x3FB2] =	sst s4  }
0xd: {  	[smem:$0x3FB3] =	sst s5  }
0xe: {  	[smem:$0x3FB4] =	sst s6  }
0xf: {  	[smem:$0x3FB5] =	sst s7  }
0x10: {  	[smem:$0x3FB6] =	sst s8  }
0x11: {  	[smem:$0x3FB7] =	sst s9;
	s0 =	simm.s32 @!p0 $0x0  }
0x12: {  	s1 =	sld [smem:$0x3F9D];
	s0 =	simm.s32 @p0 $0x1  }
0x13: {  	[smem:$0x3FB8] =	sst s0;
	s0 =	simm.s32 @!p1 $0x0  }
0x14: {  	s2 =	sld [smem:$0x3F9C];
	s0 =	simm.s32 @p1 $0x1  }
0x15: {  	[smem:$0x3FB9] =	sst s0;
	s0 =	simm.s32 @!p2 $0x0  }
0x16: {  	s3 =	sld [smem:$0x3FDB];
	s0 =	simm.s32 @p2 $0x1  }
0x17: {  	s4 =	simm.s32 $0x1BF5;
	[smem:$0x3FBB] =	sst s0  }
0x18: {  	s0 =	sld [smem:$0x3F9E];
	_ =	swait.ge [sflag:s4], $0x0  }
0x19: {  	s7 =	sld [smem:$0x3F9F]  }
0x1a: {  	s8 =	sadd.s32 $0xFFFFE003, lr  }
0x1b: {  	s9 =	sadd.s32 $0xFFFFFEF7, lr;
	s5 =	simm.s32 $0xFFFFFFFF;
	p2 =	slt.u32 s8, $0xFFFFF086  }
0x1c: {  	p1 =	slt.u32 s9, $0xF7A;
	s5 =	simm.s32 @!p2 $0x0  }
0x1d: {  	s5 =	simm.s32 @p1 $0x1;
	p0 =	seq.s32 s7, s2  }
0x1e: {  	s7 =	smul.u32 @!p0 $0xF7A, s2;
	p2 =	seq.s32 @!p0 s5, $0x0  }
0x1f: {  	s9 =	smul.u32 $0xF7A, s1;
	s8 =	simm.s32 @!p0 $0x1BF5;
	p2 =	por !p2, p0  }
0x20: {  	[sflag:s8] =	ssyncset.s32 @!p0 $0xFFFFF086;
	s6 =	sadd.s32 @!p0 s3, s7;
	s7 =	simm.s32 @!p0 $0x108  }
0x21: {  	s3 =	sadd.s32 s3, s9;
	s6 =	sadd.s32 @!p0 $0x88, s6;
	s7 =	simm.s32 @p2 $0x1082  }
0x22: {  	[simem:s7], [sflag:s8] =	dma.local @!p0 [hbm:s6], $0xF7A  }
0x23: {  	s9 =	sor.u32 $0xD0000000, s2;
	s6 =	simm.s32 $0x108;
	_ =	swait.ge @!p0 [sflag:s8], $0x0  }
0x24: {  	s3 =	sadd.s32 $0x88, s3;
	s6 =	simm.s32 @!p1 $0x1082;
	[sflag:s4] =	ssyncset.s32 $0xFFFFF086  }
0x25: {  	[simem:s6], [sflag:s4] =	dma.local [hbm:s3], $0xF7A  }
0x26: {  	[smem:$0x3F9F] =	sst s1;
	(tag) =	ssettag s2;
	_ =	strace s9  }
0x27: {  	s1 =	sld [smem:$0x3FAF]  }
0x28: {  	s2 =	sld [smem:$0x3FB0]  }
0x29: {  	s4 =	sld [smem:$0x3FB2]  }
0x2a: {  	p0 =	seq.s32 s5, $0x0;
	s5 =	sld [smem:$0x3FB3]  }
0x2b: {  	s6 =	sld [smem:$0x3FB4]  }
0x2c: {  	s7 =	sld [smem:$0x3FB5]  }
0x2d: {  	s3 =	simm.s32 $0x108;
	s8 =	sld [smem:$0x3FB6]  }
0x2e: {  	s3 =	simm.s32 @!p0 $0x1082;
	s9 =	sld [smem:$0x3FB7]  }
0x2f: {  	lr =	sadd.s32 s0, s3;
	s0 =	sld [smem:$0x3FAE]  }
0x30: {  	s3 =	sld [smem:$0x3FB1]  }
0x31: {  	[smem:$0x3FBA] =	sst s10  }
0x32: {  	s10 =	sld [smem:$0x3FB8];
	_ =	sdelay $0x3  }
0x33: {  	p0 =	seq.s32 s10, $0x1;
	s10 =	sld [smem:$0x3FBA];
	_ =	sdelay $0x3  }
0x34: {  	[smem:$0x3FBA] =	sst s10  }
0x35: {  	s10 =	sld [smem:$0x3FB9];
	_ =	sdelay $0x3  }
0x36: {  	p1 =	seq.s32 s10, $0x1;
	s10 =	sld [smem:$0x3FBA];
	_ =	sdelay $0x3  }
0x37: {  	[smem:$0x3FBA] =	sst s10  }
0x38: {  	s10 =	sld [smem:$0x3FBB]  }
0x39: {  	_ = 	snop;
	(pc) =	sbr.ind lr, $3  }
0x3a: {  	_ = 	snop  }
0x3b: {  	_ = 	snop  }
0x3c: {  	p2 =	seq.s32 s10, $0x1;
	s10 =	sld [smem:$0x3FBA]  }
0x3d: {  	_ =	shalt  }
0x3e: {  	_ =	shalt  }
0x3f: {  	_ =	shalt  }
0x40: {  	_ =	shalt  }
0x41: {  	_ =	shalt  }
0x42: {  	_ =	shalt  }
0x43: {  	_ =	shalt  }
0x44: {  	_ =	shalt  }
0x45: {  	_ =	shalt  }
0x46: {  	_ =	shalt  }
0x47: {  	_ =	shalt  }
0x48: {  	_ =	shalt  }
0x49: {  	_ =	shalt  }
0x4a: {  	_ =	shalt  }
0x4b: {  	_ =	shalt  }
0x4c: {  	_ =	shalt  }
0x4d: {  	_ =	shalt  }
0x4e: {  	_ =	shalt  }
0x4f: {  	_ =	shalt  }
0x50: {  	_ =	shalt  }
0x51: {  	_ =	shalt  }
0x52: {  	_ =	shalt  }
0x53: {  	_ =	shalt  }
0x54: {  	_ =	shalt  }
0x55: {  	_ =	shalt  }
0x56: {  	_ =	shalt  }
0x57: {  	_ =	shalt  }
0x58: {  	_ =	shalt  }
0x59: {  	_ =	shalt  }
0x5a: {  	_ =	shalt  }
0x5b: {  	_ =	shalt  }
0x5c: {  	_ =	shalt  }
0x5d: {  	_ =	shalt  }
0x5e: {  	_ =	shalt  }
0x5f: {  	_ =	shalt  }
0x60: {  	_ =	shalt  }
0x61: {  	_ =	shalt  }
0x62: {  	_ =	shalt  }
0x63: {  	_ =	shalt  }
0x64: {  	_ =	shalt  }
0x65: {  	_ =	shalt  }
0x66: {  	_ =	shalt  }
0x67: {  	_ =	shalt  }
0x68: {  	_ =	shalt  }
0x69: {  	_ =	shalt  }
0x6a: {  	_ =	shalt  }
0x6b: {  	_ =	shalt  }
0x6c: {  	_ =	shalt  }
0x6d: {  	_ =	shalt  }
0x6e: {  	_ =	shalt  }
0x6f: {  	_ =	shalt  }
0x70: {  	_ =	shalt  }
0x71: {  	_ =	shalt  }
0x72: {  	_ =	shalt  }
0x73: {  	_ =	shalt  }
0x74: {  	_ =	shalt  }
0x75: {  	_ =	shalt  }
0x76: {  	_ =	shalt  }
0x77: {  	_ =	shalt  }
0x78: {  	_ =	shalt  }
0x79: {  	_ =	shalt  }
0x7a: {  	_ =	shalt  }
0x7b: {  	_ =	shalt  }
0x7c: {  	_ =	shalt  }
0x7d: {  	_ =	shalt  }
0x7e: {  	_ =	shalt  }
0x7f: {  	_ =	shalt  }
0x80: {  	_ =	shalt  }
0x81: {  	_ =	shalt  }
0x82: {  	_ =	shalt  }
0x83: {  	_ =	shalt  }
0x84: {  	_ =	shalt  }
0x85: {  	_ =	shalt  }
0x86: {  	_ =	shalt  }
0x87: {  	_ =	shalt  }
.Lfunc_end0:
.L_simem_size_0:
called_computation.1_lowered:
.L_overlay_start_0:
0x88: {  	s2 =	sld [smem:$0x3FD9]  }
0x89: {  	s3 =	sld [smem:$0x3FFE];
	_ =	sdelay $0x1  }
0x8a: {  	s1 =	srdreg.scid  }
0x8b: {  	s0 =	sand.u32 $0x1, s1  }
0x8c: {  	s16 =	sshll.u32 s0, $0xA;
	s2 =	sadd.s32 s3, s2  }
0x8d: {  	s2 =	sadd.s32 s2, s16  }
0x8e: {  	[smem:$0x3FC6] =	sst s2  }
0x8f: {  	_ = 	snop  }
0x90: {  	(tm) =	ssettm $0x1  }
0x91: {  	s17 =	sld [smem:$0x3FFB];
	_ =	sdelay $0x3  }
0x92: {  	_ =	strace s17  }
0x93: {  	s2 =	sld [smem:$0x3FFC];
	_ =	sdelay $0x3  }
0x94: {  	_ =	strace s2  }
0x95: {  	s2 =	sld [smem:$0x3FFD];
	_ =	sdelay $0x3  }
0x96: {  	_ =	strace s2  }
0x97: {  	_ =	strace $0x8FFFFFFF  }
0x98: {  	s18 =	sld [smem:$0x3FDB];
	_ =	sdelay $0x1  }
0x99: {  	s19 =	simm.s32 $_scs_section_size  }
0x9a: {  	s4 =	simm.s32 $_size__tile_overlayer_lowered;
	s5 =	simm.s32 $_tile_overlayer_lowered  }
0x9b: {  	s22 =	simm.s32 $0x1BFF;
	s21 =	sshll.u32 s5, $0x1;
	s2 =	sadd.s32 s19, s18  }
0x9c: {  	s6 =	simm.s32 $0x0;
	s20 =	sshll.u32 s4, $0x1;
	s4 =	sadd.s32 s21, s2  }
0x9d: {  	[timem:s6], [sflag:s22] =	dma.local [hbm:s4], s20  }
0x9e: {  	_ =	swait.ge [sflag:s22], s20  }
0x9f: {  	s3 =	ssub.s32 $0x0, s20;
	[sflag:s22] =	ssyncset.done $0x0  }
0xa0: {  	[sflag:s22] =	ssyncadd.s32 s3;
	_ =	sdelay $0x1  }
0xa1: {  	s23 =	simm.s32 $0x1B8B  }
0xa2: {  	_ =	swait.ge [sflag:s23], $0x1  }
0xa3: {  	[sflag:s23] =	ssyncset.done $0x0  }
0xa4: {  	s25 =	simm.s32 $0x1B8E;
	s24 =	sld [smem:$0x3FFE];
	[sflag:s23] =	ssyncadd.s32 $0xFFFFFFFF  }
0xa5: {  	s26 =	simm.s32 $execute0_lowered;
	[smem:$0x3FD2] =	sst s25  }
0xa6: {  	s4 =	sshll.u32 s26, $0x1;
	_ =	strace $0x80000046;
	[dreg:$0x1] =	wrdreg $0xFFFFFFFF  }
0xa7: {  	s28 =	simm.s32 $_size_execute0_lowered;
	s2 =	sadd.s32 s2, s4;
	[dreg:$0x0] =	wrdreg $0x0  }
0xa8: {  	s4 =	sshll.u32 s28, $0x1;
	[dreg:$0x2] =	wrdreg s2  }
0xa9: {  	[dreg:$0x3] =	wrdreg s4  }
0xaa: {  	[dreg:$0x4] =	wrdreg $0xC0  }
0xab: {  	_ =	task [dreg:s6], $0x5FFFF  }
0xac: {  	[dreg:$0x1] =	wrdreg $0xFFFFFFFF  }
0xad: {  	[dreg:$0x0] =	wrdreg $0x60  }
0xae: {  	[dreg:$0x2] =	wrdreg s24  }
0xaf: {  	[dreg:$0x3] =	wrdreg $0x9  }
0xb0: {  	_ =	task.clear_ibuf [dreg:s6], $0x4FFFF;
	_ =	strace $0x90000046  }
0xb1: {  	s29 =	simm.s32 $0x9;
	_ =	strace $0x80000048  }
0xb2: {  	_ =	swait.ge [sflag:s29], $0x1  }
0xb3: {  	[sflag:s29] =	ssyncadd.s32 $0xFFFFFFFF  }
0xb4: {  	_ =	strace $0x90000048  }
0xb5: {  	_ =	sfence  }
0xb6: {  	s30 =	sld [smem:$0x0];
	_ =	sdelay $0x2  }
0xb7: {  	s31 =	sshll.u32 s1, $0xD;
	s1 =	sshrl.u32 s1, $0x2  }
0xb8: {  	s3 =	sand.u32 $0x4000, s31;
	s1 =	sadd.s32 s1, s30  }
0xb9: {  	s0 =	sor.u32 s3, s0;
	s1 =	sshll.u32 s1, $0x11  }
0xba: {  	s0 =	sor.u32 s1, s0  }
0xbb: {  	s0 =	sadd.s32 $0x8F2B, s0  }
0xbc: {  	[sflag:s0] =	ssyncadd.remote.s32 $0x1  }
0xbd: {  	_ =	sfence.sel $0xFFFF  }
0xbe: {  	[dreg:$0x0] =	wrdreg $0xFFFFFFFF;
	(pc) =	sbr.abs _section_cstart, $3  }
0xbf: {  	[dreg:$0x1] =	wrdreg $0xFFFFFFFF  }
0xc0: {  	_ =	task.clear_ibuf [dreg:s6], $0x2FFFF;
	_ =	strace $0x9FFFFFFF  }
0xc1: {  	(tm) =	ssettm $0x7FFFFFFF  }
tec
execute0_lowered:
.L_overlay_start_1:
0x0: {  	(tag) =	ssettag $0x1  }
0x1: {  	s7 =	rddreg [dreg:$0x0];
	s1 =	simm.s32 $0x0;
	s6 =	srdreg.scid  }
0x2: {  	s0 =	stileid.u32;
	s14 =	simm.s32 $0x17500;
	s15 =	simm.s32 $0x17580  }
0x3: {  	s16 =	simm.s32 $0x7000;
	s17 =	simm.s32 $0xBA80;
	s18 =	simm.s32 $0x17680  }
0x4: {  	s19 =	simm.s32 $0x4;
	s20 =	simm.s32 $0x3;
	s21 =	simm.s32 $0x0  }
0x5: {  	[smem:$0x7FF] =	sst s1;
	s3 =	sadd.s32 $0x127000, s7;
	s4 =	sadd.s32 $0x1000, s7  }
0x6: {  	s5 =	sadd.s32 $0x24D000, s7;
	s8 =	sand.u32 $0x1, s6;
	s9 =	sshll.u32 s0, $0x1  }
0x7: {  	s6 =	sadd.s32 $0x3AF5000, s7;
	s13 =	smul.u32 $0xC4000, s0;
	_ =	strace $0x80000047  }
.Ltmp0:
0x8: {  	s9 =	sor.u32 s8, s9;
	s10 =	ssub.s32 $0x2, s8;
	(pc) =	sbr.rel .LBB2_1-.Ltmp0, $4  }
0x9: {  	s31 =	smul.u32 $0x62000, s8;
	s11 =	sshll.u32 s9, $0x3;
	s12 =	sshrl.u32 s10, $0x1  }
0xa: {  	s11 =	sadd.s32 s11, s7;
	s10 =	ssub.s32 s10, s12;
	s7 =	smul.u32 $0x49800, s9  }
0xb: {  	s12 =	simm.s32 $0x1;
	s8 =	sadd.s32 $0x739D000, s11;
	s9 =	smax.u32 s10, $0x1  }
0xc: {  	v0 =	vimm.s32 $0x0;
	v1 =	vimm.f32 $0.0e+00;
	v2 =	vlaneseq.u32;
	s10 =	sadd.s32 s31, s13;
	s11 =	simm.s32 $0x3800;
	s13 =	simm.s32 $0x2  }
.LBB2_19:
0xd: {  	s21 =	sadd.s32 $0x1, s21  }
0xe: {  	p0 =	sne.s32 s21, s9  }
.Ltmp1:
0xf: {  	_ = 	snop;
	(pc) =	sbr.rel @!p0 .LBB2_20-.Ltmp1, $4  }
0x10: {  	[hbm4b:s8+s1] =	stream.linear.scatter [tilespmem:s18], [sflag:$0x4], $0x40, $0x38;
	[tilespmem:$0x17700] =	vst v63  }
0x11: {  	_ =	swait.ge [sflag:s19], $0x40  }
0x12: {  	[sflag:s19] =	ssyncset.done $0x0  }
0x13: {  	[sflag:s19] =	ssyncadd.s32 $0xFFFFFFC0  }
.LBB2_1:
0x14: {  	[tilespmem:$0x17680] =	vst v0  }
0x15: {  	[tilespmem:$0x17500] =	vst v0  }
0x16: {  	[tilespmem:$0x17690] =	vst v0  }
.Ltmp2:
0x17: {  	[tilespmem:$0x17510] =	vst v0;
	(pc) =	sbr.rel .LBB2_2-.Ltmp2, $4  }
0x18: {  	[tilespmem:$0x176A0] =	vst v0  }
0x19: {  	[tilespmem:$0x17520] =	vst v0  }
0x1a: {  	[tilespmem:$0x176B0] =	vst v0  }
0x1b: {  	[tilespmem:$0x17530] =	vst v0;
	s22 =	simm.s32 $0x0  }
.LBB2_17:
0x1c: {  	[sflag:s20] =	ssyncadd.s32 $0xFFFFFF80  }
.LBB2_18:
0x1d: {  	s22 =	sadd.s32 $0x1, s22  }
0x1e: {  	p0 =	sne.s32 s22, $0x15  }
.Ltmp3:
0x1f: {  	_ = 	snop;
	(pc) =	sbr.rel @!p0 .LBB2_19-.Ltmp3, $1  }
0x20: {  	_ =	sdelay $0x3  }
.LBB2_2:
0x21: {  	s23 =	smul.u32 $0x3800, s22;
	_ =	sdelay $0x1  }
0x22: {  	s23 =	sadd.s32 s7, s23  }
0x23: {  	s23 =	sshrl.u32 s23, $0x3  }
0x24: {  	s24 =	sadd.s32 s3, s23  }
0x25: {  	[tilespmem:s1], [sflag:$0x1] =	stream.linear.gather [hbm4b:s24+s1], $0x3800, $0x38;
	[tilespmem:$0x17700] =	vst v63  }
0x26: {  	s23 =	sadd.s32 s4, s23  }
0x27: {  	[tilespmem:s11], [sflag:$0x2] =	stream.linear.gather [hbm4b:s23+s1], $0x3800, $0x38;
	[tilespmem:$0x17700] =	vst v63  }
0x28: {  	s23 =	simm.s32 $0xBAA0  }
0x29: {  	[tilespmem:s23+$0xFFFFFFE0] =	vst v1  }
0x2a: {  	[tilespmem:s23+$0x10] =	vst v1  }
0x2b: {  	s24 =	simm.s32 $0x0;
	[tilespmem:s23+$0x0] =	vst v1  }
.LBB2_3:
0x2c: {  	s24 =	sadd.s32 $0x4, s24  }
0x2d: {  	[tilespmem:s23+$0xFFFFFFF0] =	vst v1;
	s23 =	sadd.s32 $0x40, s23;
	p0 =	slt.u32 s24, $0x4A4  }
.Ltmp4:
0x2e: {  	[tilespmem:s23+$0xFFFFFFE0] =	vst v1;
	(pc) =	sbr.rel @p0 .LBB2_3-.Ltmp4, $3  }
0x2f: {  	_ =	sdelay $0x1  }
0x30: {  	[tilespmem:s23+$0x10] =	vst v1  }
0x31: {  	[tilespmem:s23+$0x0] =	vst v1  }
0x32: {  	[tilespmem:s23+$0xFFFFFFF0] =	vst v1  }
0x33: {  	_ =	swait.ge [sflag:s12], $0x3800  }
0x34: {  	[sflag:s12] =	ssyncset.done $0x0  }
0x35: {  	[sflag:s12] =	ssyncadd.s32 $0xFFFFC800  }
0x36: {  	_ =	swait.ge [sflag:s13], $0x3800  }
0x37: {  	[sflag:s13] =	ssyncset.done $0x0  }
0x38: {  	s25 =	simm.s32 $0x10;
	[sflag:s13] =	ssyncadd.s32 $0xFFFFC800  }
0x39: {  	v3 =	vld [tilespmem:s25+$0xFFFFFFF0];
	_ =	sdelay $0x4  }
0x3a: {  	v3 =	vshrl.u32 v3, $0x14  }
0x3b: {  	(xrf1) =	vunique.msk.u32 $0xffff, v3;
	_ =	sdelay $0xb  }
0x3c: {  	v4 =	vld.idx.msk [tilespmem:v3+s14+$0x0], $0xffff;
	_ =	sdelay $0x1  }
0x3d: {  	_, v5, vm0 =	vpop (xrf1);
	_ =	sdelay $0x2  }
0x3e: {  	s23 =	simm.s32 $0x10510;
	v4 =	vadd.s32 v4, v5  }
0x3f: {  	s24 =	simm.s32 $0x13D10;
	[tilespmem:s23+$0xFFFFFFF0] =	vst v3;
	v5 =	vadd.s32 $0xFFFFFFFF, v4  }
0x40: {  	[tilespmem:s24+$0xFFFFFFF0] =	vst v5  }
0x41: {  	[tilespmem:v3+s14+$0x0] =	vst.idx.msk vm0, v4  }
0x42: {  	v3 =	vld [tilespmem:s25+$0x0];
	_ =	sdelay $0x4  }
0x43: {  	v3 =	vshrl.u32 v3, $0x14  }
0x44: {  	(xrf1) =	vunique.msk.u32 $0xffff, v3;
	_ =	sdelay $0xb  }
0x45: {  	v4 =	vld.idx.msk [tilespmem:v3+s14+$0x0], $0xffff;
	_ =	sdelay $0x1  }
0x46: {  	_, v5, vm0 =	vpop (xrf1);
	_ =	sdelay $0x2  }
0x47: {  	v4 =	vadd.s32 v4, v5  }
0x48: {  	[tilespmem:s23+$0x0] =	vst v3;
	v5 =	vadd.s32 $0xFFFFFFFF, v4  }
0x49: {  	s26 =	simm.s32 $0x30;
	s25 =	simm.s32 $0x0;
	[tilespmem:s24+$0x0] =	vst v5  }
.LBB2_5:
0x4a: {  	s25 =	sadd.s32 $0x2, s25;
	[tilespmem:v3+s14+$0x0] =	vst.idx.msk vm0, v4;
	s24 =	sadd.s32 $0x20, s24;
	s23 =	sadd.s32 $0x20, s23  }
0x4b: {  	v3 =	vld [tilespmem:s26+$0xFFFFFFF0];
	p0 =	slt.u32 s25, $0x37E;
	_ =	sdelay $0x4  }
0x4c: {  	v3 =	vshrl.u32 v3, $0x14  }
0x4d: {  	(xrf1) =	vunique.msk.u32 $0xffff, v3;
	_ =	sdelay $0xa  }
0x4e: {  	v4 =	vld.idx.msk [tilespmem:v3+s14+$0x0], $0xffff;
	_ =	sdelay $0x2  }
0x4f: {  	_, v5, vm0 =	vpop (xrf1);
	_ =	sdelay $0x2  }
0x50: {  	v4 =	vadd.s32 v4, v5  }
0x51: {  	v5 =	vadd.s32 $0xFFFFFFFF, v4;
	[tilespmem:s23+$0xFFFFFFF0] =	vst v3  }
0x52: {  	[tilespmem:s24+$0xFFFFFFF0] =	vst v5  }
0x53: {  	[tilespmem:v3+s14+$0x0] =	vst.idx.msk vm0, v4  }
0x54: {  	v3 =	vld [tilespmem:s26+$0x0];
	_ =	sdelay $0x4  }
0x55: {  	v3 =	vshrl.u32 v3, $0x14  }
0x56: {  	(xrf1) =	vunique.msk.u32 $0xffff, v3;
	_ =	sdelay $0xa  }
0x57: {  	v4 =	vld.idx.msk [tilespmem:v3+s14+$0x0], $0xffff  }
0x58: {  	[tilespmem:s23+$0x0] =	vst v3;
	_ =	sdelay $0x1  }
0x59: {  	_, v5, vm0 =	vpop (xrf1)  }
.Ltmp5:
0x5a: {  	(pc) =	sbr.rel @p0 .LBB2_5-.Ltmp5, $4  }
0x5b: {  	_ = 	snop  }
0x5c: {  	v4 =	vadd.s32 v4, v5  }
0x5d: {  	v5 =	vadd.s32 $0xFFFFFFFF, v4  }
0x5e: {  	s26 =	sadd.s32 $0x20, s26;
	[tilespmem:s24+$0x0] =	vst v5  }
0x5f: {  	_ =	sdelay $0x4  }
0x60: {  	[tilespmem:v3+s14+$0x0] =	vst.idx.msk vm0, v4  }
0x61: {  	v3 =	vld [tilespmem:$0x17500]  }
0x62: {  	v4 =	vld [tilespmem:$0x17510];
	_ =	sdelay $0x3  }
0x63: {  	v5 =	vld [tilespmem:$0x17520];
	v3 =	vadd.s32 $0x7F, v3  }
0x64: {  	v4 =	vadd.s32 $0x7F, v4;
	v3 =	vand.u32 $0xFFFFFF80, v3  }
0x65: {  	v4 =	vand.u32 $0xFFFFFF80, v4;
	(xrf0) =	vadd.scan.msk.s32 $0xffff, v3  }
0x66: {  	(xrf0) =	vadd.scan.msk.s32 $0xffff, v4;
	_ =	sdelay $0x1  }
0x67: {  	v5 =	vadd.s32 $0x7F, v5  }
0x68: {  	v5 =	vand.u32 $0xFFFFFF80, v5  }
0x69: {  	(xrf0) =	vadd.scan.msk.s32 $0xffff, v5  }
0x6a: {  	v6, _, _ =	vpop (xrf0)  }
0x6b: {  	v7, _, _ =	vpop (xrf0);
	(v2sf) =	vpush v6, $0xF  }
0x6c: {  	(v2sf) =	vpush v7, $0xF;
	_ =	sdelay $0x2  }
0x6d: {  	v8, _, _ =	vpop (xrf0)  }
0x6e: {  	(v2sf) =	vpush v8, $0xF;
	_ =	sdelay $0x3  }
0x6f: {  	v9 =	vld [tilespmem:$0x17530];
	_ =	sdelay $0x1  }
0x70: {  	v10 =	vld [tilespmem:$0x17680];
	_ =	sdelay $0x1  }
0x71: {  	v12 =	vld [tilespmem:$0x17690]  }
0x72: {  	[tilespmem:$0x17500] =	vst v0;
	v9 =	vadd.s32 $0x7F, v9;
	v11 =	vsub.s32 v6, v3;
	v6 =	vbroadcast v6, $0xF  }
0x73: {  	v9 =	vand.u32 $0xFFFFFF80, v9;
	[tilespmem:$0x17600] =	vst v3;
	s23 =	spop (v2sf)  }
0x74: {  	[tilespmem:$0x17610] =	vst v4;
	(xrf0) =	vadd.scan.msk.s32 $0xffff, v9;
	v3 =	vadd.s32 v3, v10;
	v6 =	vsub.s32 v6, v4;
	s24 =	spop (v2sf)  }
0x75: {  	v63 =	vld [tilespmem:$0x176A0];
	[tilespmem:$0x17680] =	vst v3;
	v3 =	vadd.s32 v7, v6;
	s23 =	sadd.s32 s23, s24  }
0x76: {  	[tilespmem:$0x17590] =	vst v3;
	v3 =	vadd.s32 v4, v12;
	v4 =	vsub.s32 s23, v5  }
0x77: {  	[tilespmem:$0x17690] =	vst v3;
	v3 =	vadd.s32 v8, v4  }
0x78: {  	[tilespmem:$0x17510] =	vst v0;
	s31 =	spop (v2sf)  }
0x79: {  	[tilespmem:$0x17620] =	vst v5;
	s23 =	sadd.s32 s23, s31  }
0x7a: {  	v4 =	vadd.s32 v5, v63;
	v5 =	vsub.s32 s23, v9;
	[tilespmem:$0x175A0] =	vst v3;
	v3, _, _ =	vpop (xrf0)  }
0x7b: {  	[tilespmem:$0x176A0] =	vst v4;
	v4 =	vadd.s32 v3, v5;
	v5 =	vld [tilespmem:$0x176B0]  }
0x7c: {  	[tilespmem:$0x17520] =	vst v0  }
0x7d: {  	[tilespmem:$0x17530] =	vst v0  }
0x7e: {  	[tilespmem:$0x17630] =	vst v9  }
0x7f: {  	[tilespmem:$0x17580] =	vst v11  }
0x80: {  	s25 =	simm.s32 $0xFFFFFFFE;
	s26 =	simm.s32 $0x3810;
	[tilespmem:$0x175B0] =	vst v4;
	v4 =	vadd.s32 v9, v5  }
0x81: {  	s28 =	simm.s32 $0x10;
	s29 =	simm.s32 $0x13D10;
	s30 =	simm.s32 $0x10510;
	[tilespmem:$0x176B0] =	vst v4  }
.LBB2_7:
0x82: {  	v4 =	vld [tilespmem:s30+$0xFFFFFFF0];
	_ =	sdelay $0x6  }
0x83: {  	v5 =	vld [tilespmem:s29+$0xFFFFFFF0]  }
0x84: {  	v4 =	vld.idx.msk [tilespmem:v4+s15+$0x0], $0xffff;
	_ =	sdelay $0x4  }
0x85: {  	v4 =	vadd.s32 v5, v4;
	v5 =	vld [tilespmem:s28+$0xFFFFFFF0];
	_ =	sdelay $0x4  }
0x86: {  	[tilespmem:v4+s16+$0x0] =	vst.idx.msk $0xffff, v5  }
0x87: {  	v5 =	vld [tilespmem:s26+$0xFFFFFFF0];
	_ =	sdelay $0x4  }
0x88: {  	[tilespmem:v4+s17+$0x0] =	vst.idx.msk $0xffff, v5  }
0x89: {  	v4 =	vld [tilespmem:s30+$0x0];
	_ =	sdelay $0x6  }
0x8a: {  	v5 =	vld [tilespmem:s29+$0x0]  }
0x8b: {  	v4 =	vld.idx.msk [tilespmem:v4+s15+$0x0], $0xffff;
	_ =	sdelay $0x4  }
0x8c: {  	v4 =	vadd.s32 v5, v4;
	v5 =	vld [tilespmem:s28+$0x0];
	_ =	sdelay $0x4  }
0x8d: {  	s25 =	sadd.s32 $0x2, s25;
	[tilespmem:v4+s16+$0x0] =	vst.idx.msk $0xffff, v5  }
0x8e: {  	p0 =	slt.u32 s25, $0x37E;
	v5 =	vld [tilespmem:s26+$0x0]  }
.Ltmp6:
0x8f: {  	_ = 	snop;
	(pc) =	sbr.rel @p0 .LBB2_7-.Ltmp6, $3  }
0x90: {  	_ =	sdelay $0x1  }
0x91: {  	s24 =	simm.s32 $0x0;
	s29 =	sadd.s32 $0x20, s29  }
0x92: {  	s30 =	sadd.s32 $0x20, s30;
	s28 =	sadd.s32 $0x20, s28;
	s26 =	sadd.s32 $0x20, s26;
	[tilespmem:v4+s17+$0x0] =	vst.idx.msk $0xffff, v5  }
.Ltmp7:
0x93: {  	(pc) =	sbr.rel .LBB2_9-.Ltmp7, $2  }
0x94: {  	_ =	sdelay $0x2  }
0x95: {  	s25 =	smov.u32 s10  }
.LBB2_12:
0x96: {  	[hbm4b:s30+s1] =	stream.linear.scatter [tilespmem:s31], [sflag:$0x3], $0x80, $0x38;
	[tilespmem:$0x17700] =	vst v63  }
.LBB2_13:
0x97: {  	s24 =	sadd.s32 $0x1, s24  }
0x98: {  	p0 =	sne.s32 s24, $0x25  }
.Ltmp8:
0x99: {  	_ = 	snop;
	(pc) =	sbr.rel @!p0 .LBB2_14-.Ltmp8, $2  }
0x9a: {  	_ =	sdelay $0x2  }
0x9b: {  	s25 =	sadd.s32 $0xC40000, s25  }
.LBB2_9:
0x9c: {  	s26 =	sand.u32 $0x30, s24  }
0x9d: {  	v4 =	vld [tilespmem:s26+$0x17580]  }
0x9e: {  	v5 =	vld [tilespmem:s26+$0x17600]  }
0x9f: {  	s28 =	sand.u32 $0xF, s24  }
0xa0: {  	v6 =	vmov s28  }
0xa1: {  	vm0 =	veq.s32 v6, v2  }
0xa2: {  	v4 =	vnsel vm0, $0x0, v4  }
0xa3: {  	(xrf0) =	vadd.scan.msk.s32 $0xffff, v4;
	v4 =	vnsel vm0, $0x0, v5  }
0xa4: {  	(xrf0) =	vadd.scan.msk.s32 $0xffff, v4;
	_ =	sdelay $0x4  }
0xa5: {  	v4, _, _ =	vpop (xrf0)  }
0xa6: {  	(v2sf) =	vpush v4, $0xF;
	v4, _, _ =	vpop (xrf0)  }
0xa7: {  	(v2sf) =	vpush v4, $0xF;
	_ =	sdelay $0xd  }
0xa8: {  	s29 =	spop (v2sf)  }
0xa9: {  	s30 =	spop (v2sf)  }
0xaa: {  	s28 =	sshrl.u32 s30, $0x7  }
0xab: {  	p0 =	seq.s32 s28, $0x0  }
.Ltmp9:
0xac: {  	_ = 	snop;
	(pc) =	sbr.rel @p0 .LBB2_13-.Ltmp9, $1  }
0xad: {  	_ =	sdelay $0x3  }
0xae: {  	v4 =	vld [tilespmem:s26+$0x17680];
	_ =	sdelay $0x4  }
0xaf: {  	v4 =	vnsel vm0, $0x0, v4  }
0xb0: {  	(xrf0) =	vadd.scan.msk.s32 $0xffff, v4;
	_ =	sdelay $0x5  }
0xb1: {  	v4, _, _ =	vpop (xrf0)  }
0xb2: {  	(v2sf) =	vpush v4, $0xF;
	_ =	sdelay $0xe  }
0xb3: {  	s2 =	spop (v2sf)  }
0xb4: {  	s26 =	sadd.s32 s25, s2  }
0xb5: {  	s30 =	ssub.s32 s26, s30  }
0xb6: {  	p0 =	sne.s32 s28, $0x1;
	s26 =	sshrl.u32 s30, $0x3  }
.Ltmp10:
0xb7: {  	s0 =	sand.u32 $0xFFFFFF80, s29;
	s31 =	sand.u32 $0x1FFFFFF0, s26;
	(pc) =	sbr.rel @!p0 .LBB2_12-.Ltmp10, $4  }
0xb8: {  	s2 =	sadd.s32 $0xBA80, s0;
	s26 =	sadd.s32 s6, s31  }
0xb9: {  	[hbm4b:s26+s1] =	stream.linear.scatter [tilespmem:s2], [sflag:$0x3], $0x80, $0x38;
	[tilespmem:$0x17700] =	vst v63  }
0xba: {  	s29 =	sadd.s32 $0x80, s29;
	s26 =	sadd.s32 $0xFFFFFFFF, s28  }
0xbb: {  	s28 =	sadd.s32 $0x80, s30;
	s30 =	sadd.s32 s5, s31;
	s31 =	sadd.s32 $0x7000, s0  }
.LBB2_11:
0xbc: {  	[hbm4b:s30+s1] =	stream.linear.scatter [tilespmem:s31], [sflag:$0x3], $0x80, $0x38;
	[tilespmem:$0x17700] =	vst v63  }
0xbd: {  	p0 =	sne.s32 s26, $0x1  }
.Ltmp11:
0xbe: {  	s0 =	sshrl.u32 s28, $0x3;
	(pc) =	sbr.rel @p0 .LBB2_11-.Ltmp11, $4  }
0xbf: {  	s2 =	sand.u32 $0xFFFFFF80, s29;
	s26 =	sadd.s32 $0xFFFFFFFF, s26;
	s0 =	sand.u32 $0x1FFFFFF0, s0  }
0xc0: {  	s28 =	sadd.s32 $0x80, s28;
	s31 =	sadd.s32 $0xBA80, s2;
	s30 =	sadd.s32 s6, s0  }
0xc1: {  	[hbm4b:s30+s1] =	stream.linear.scatter [tilespmem:s31], [sflag:$0x3], $0x80, $0x38;
	[tilespmem:$0x17700] =	vst v63  }
0xc2: {  	s29 =	sadd.s32 $0x80, s29;
	s30 =	sadd.s32 s5, s0;
	s31 =	sadd.s32 $0x7000, s2  }
.Ltmp12:
0xc3: {  	_ = 	snop;
	(pc) =	sbr.rel .LBB2_12-.Ltmp12, $1  }
0xc4: {  	_ =	sdelay $0x3  }
.LBB2_14:
0xc5: {  	(v2sf) =	vpush v3, $0xF;
	_ =	sdelay $0xe  }
0xc6: {  	s0 =	spop (v2sf)  }
0xc7: {  	s0 =	sadd.s32 s23, s0  }
0xc8: {  	s23 =	sshrl.u32 s0, $0x7  }
0xc9: {  	p0 =	seq.s32 s23, $0x0  }
.Ltmp13:
0xca: {  	_ = 	snop;
	(pc) =	sbr.rel @p0 .LBB2_18-.Ltmp13, $1  }
0xcb: {  	_ =	sdelay $0x3  }
0xcc: {  	p0 =	sne.s32 s23, $0x1  }
.Ltmp14:
0xcd: {  	_ =	swait.ge [sflag:s20], $0x80;
	(pc) =	sbr.rel @!p0 .LBB2_17-.Ltmp14, $4  }
0xce: {  	[sflag:s20] =	ssyncset.done $0x0  }
0xcf: {  	[sflag:s20] =	ssyncadd.s32 $0xFFFFFF80  }
0xd0: {  	_ =	swait.ge [sflag:s20], $0x80  }
0xd1: {  	s23 =	sadd.s32 $0xFFFFFFFF, s23;
	[sflag:s20] =	ssyncset.done $0x0  }
.LBB2_16:
0xd2: {  	p0 =	sne.s32 s23, $0x1;
	s23 =	sadd.s32 $0xFFFFFFFF, s23;
	[sflag:s20] =	ssyncadd.s32 $0xFFFFFF80  }
.Ltmp15:
0xd3: {  	_ =	swait.ge [sflag:s20], $0x80;
	(pc) =	sbr.rel @p0 .LBB2_16-.Ltmp15, $4  }
0xd4: {  	[sflag:s20] =	ssyncset.done $0x0  }
0xd5: {  	[sflag:s20] =	ssyncadd.s32 $0xFFFFFF80  }
0xd6: {  	_ =	swait.ge [sflag:s20], $0x80  }
0xd7: {  	[sflag:s20] =	ssyncset.done $0x0  }
.Ltmp16:
0xd8: {  	_ = 	snop;
	(pc) =	sbr.rel .LBB2_17-.Ltmp16, $1  }
0xd9: {  	_ =	sdelay $0x3  }
.LBB2_20:
0xda: {  	_ =	sfence.sel $0x180000  }
0xdb: {  	[bflag:$0x0] =	sbarrier.arrive $0xFFFF  }
0xdc: {  	_ =	strace $0x90000047  }
0xdd: {  	s0 =	stileid.u32;
	[bflag:$0x2] =	sbarrier.arrive $0xFFFF  }
0xde: {  	p0 =	sne.s32 s0, $0x0;
	s0 =	rddreg [dreg:$0x1]  }
0xdf: {  	s0 =	sadd.s32 @!p0 $0x100000, s0  }
0xe0: {  	[sflag:s0] =	ssyncadd.tile.s32 @!p0 $0x1;
	_ =	shalt  }
.Lfunc_end2:
_tile_overlayer_lowered:
.L_overlay_start_2:
0xe1: {  	(tag) =	ssettag $0x2  }
0xe2: {  	s0 =	rddreg [dreg:$0x0];
	s2 =	stileid.u32  }
0xe3: {  	s1 =	rddreg [dreg:$0x1];
	p0 =	sne.s32 s2, $0x0  }
0xe4: {  	s3 =	rddreg [dreg:$0x2];
	[bflag:$0x3] =	sbarrier.arrive $0xFFFF;
	s2 =	simm.s32 @!p0 $0x1C04  }
0xe5: {  	[timem:s3], [sflag:s2] =	dma.local @!p0 [hbm:s0], s1  }
0xe6: {  	s0 =	simm.s32 @!p0 $0x4  }
0xe7: {  	_ =	swait.ge @!p0 [sflag:s0], s1  }
0xe8: {  	s1 =	ssub.s32 @!p0 $0x0, s1;
	[sflag:s0] =	ssyncset.done @!p0 $0x0  }
0xe9: {  	[sflag:s0] =	ssyncadd.s32 @!p0 s1  }
0xea: {  	[bflag:$0x3] =	sbarrier.arrive $0xFFFF  }
0xeb: {  	_ =	shalt  }

// kernel: kernel.7.cloned.1.call-start
scs
__scs_entry_jumppad:
0x0: {  	(pc) =	sbr.rel $0x88, $3  }
0x1: {  	(tag) =	ssettag $0x0;
	lr =	simm.s32 $0x1  }
0x2: {  	[smem:$0x3F9F] =	sst lr;
	_ =	strace $0xD0000000  }
0x3: {  	_ = 	snop  }
0x4: {  	_ = 	snop  }
0x5: {  	_ = 	snop  }
0x6: {  	_ = 	snop  }
0x7: {  	_ = 	snop  }
__scs_overlays_trampoline_lowered:
0x8: {  	[smem:$0x3FAE] =	sst s0  }
0x9: {  	[smem:$0x3FAF] =	sst s1  }
0xa: {  	[smem:$0x3FB0] =	sst s2  }
0xb: {  	[smem:$0x3FB1] =	sst s3  }
0xc: {  	[smem:$0x3FB2] =	sst s4  }
0xd: {  	[smem:$0x3FB3] =	sst s5  }
0xe: {  	[smem:$0x3FB4] =	sst s6  }
0xf: {  	[smem:$0x3FB5] =	sst s7  }
0x10: {  	[smem:$0x3FB6] =	sst s8  }
0x11: {  	[smem:$0x3FB7] =	sst s9;
	s0 =	simm.s32 @!p0 $0x0  }
0x12: {  	s1 =	sld [smem:$0x3F9D];
	s0 =	simm.s32 @p0 $0x1  }
0x13: {  	[smem:$0x3FB8] =	sst s0;
	s0 =	simm.s32 @!p1 $0x0  }
0x14: {  	s2 =	sld [smem:$0x3F9C];
	s0 =	simm.s32 @p1 $0x1  }
0x15: {  	[smem:$0x3FB9] =	sst s0;
	s0 =	simm.s32 @!p2 $0x0  }
0x16: {  	s3 =	sld [smem:$0x3FDB];
	s0 =	simm.s32 @p2 $0x1  }
0x17: {  	s4 =	simm.s32 $0x1BF5;
	[smem:$0x3FBB] =	sst s0  }
0x18: {  	s0 =	sld [smem:$0x3F9E];
	_ =	swait.ge [sflag:s4], $0x0  }
0x19: {  	s7 =	sld [smem:$0x3F9F]  }
0x1a: {  	s8 =	sadd.s32 $0xFFFFE003, lr  }
0x1b: {  	s9 =	sadd.s32 $0xFFFFFEF7, lr;
	s5 =	simm.s32 $0xFFFFFFFF;
	p2 =	slt.u32 s8, $0xFFFFF086  }
0x1c: {  	p1 =	slt.u32 s9, $0xF7A;
	s5 =	simm.s32 @!p2 $0x0  }
0x1d: {  	s5 =	simm.s32 @p1 $0x1;
	p0 =	seq.s32 s7, s2  }
0x1e: {  	s7 =	smul.u32 @!p0 $0xF7A, s2;
	p2 =	seq.s32 @!p0 s5, $0x0  }
0x1f: {  	s9 =	smul.u32 $0xF7A, s1;
	s8 =	simm.s32 @!p0 $0x1BF5;
	p2 =	por !p2, p0  }
0x20: {  	[sflag:s8] =	ssyncset.s32 @!p0 $0xFFFFF086;
	s6 =	sadd.s32 @!p0 s3, s7;
	s7 =	simm.s32 @!p0 $0x108  }
0x21: {  	s3 =	sadd.s32 s3, s9;
	s6 =	sadd.s32 @!p0 $0x88, s6;
	s7 =	simm.s32 @p2 $0x1082  }
0x22: {  	[simem:s7], [sflag:s8] =	dma.local @!p0 [hbm:s6], $0xF7A  }
0x23: {  	s9 =	sor.u32 $0xD0000000, s2;
	s6 =	simm.s32 $0x108;
	_ =	swait.ge @!p0 [sflag:s8], $0x0  }
0x24: {  	s3 =	sadd.s32 $0x88, s3;
	s6 =	simm.s32 @!p1 $0x1082;
	[sflag:s4] =	ssyncset.s32 $0xFFFFF086  }
0x25: {  	[simem:s6], [sflag:s4] =	dma.local [hbm:s3], $0xF7A  }
0x26: {  	[smem:$0x3F9F] =	sst s1;
	(tag) =	ssettag s2;
	_ =	strace s9  }
0x27: {  	s1 =	sld [smem:$0x3FAF]  }
0x28: {  	s2 =	sld [smem:$0x3FB0]  }
0x29: {  	s4 =	sld [smem:$0x3FB2]  }
0x2a: {  	p0 =	seq.s32 s5, $0x0;
	s5 =	sld [smem:$0x3FB3]  }
0x2b: {  	s6 =	sld [smem:$0x3FB4]  }
0x2c: {  	s7 =	sld [smem:$0x3FB5]  }
0x2d: {  	s3 =	simm.s32 $0x108;
	s8 =	sld [smem:$0x3FB6]  }
0x2e: {  	s3 =	simm.s32 @!p0 $0x1082;
	s9 =	sld [smem:$0x3FB7]  }
0x2f: {  	lr =	sadd.s32 s0, s3;
	s0 =	sld [smem:$0x3FAE]  }
0x30: {  	s3 =	sld [smem:$0x3FB1]  }
0x31: {  	[smem:$0x3FBA] =	sst s10  }
0x32: {  	s10 =	sld [smem:$0x3FB8];
	_ =	sdelay $0x3  }
0x33: {  	p0 =	seq.s32 s10, $0x1;
	s10 =	sld [smem:$0x3FBA];
	_ =	sdelay $0x3  }
0x34: {  	[smem:$0x3FBA] =	sst s10  }
0x35: {  	s10 =	sld [smem:$0x3FB9];
	_ =	sdelay $0x3  }
0x36: {  	p1 =	seq.s32 s10, $0x1;
	s10 =	sld [smem:$0x3FBA];
	_ =	sdelay $0x3  }
0x37: {  	[smem:$0x3FBA] =	sst s10  }
0x38: {  	s10 =	sld [smem:$0x3FBB]  }
0x39: {  	_ = 	snop;
	(pc) =	sbr.ind lr, $3  }
0x3a: {  	_ = 	snop  }
0x3b: {  	_ = 	snop  }
0x3c: {  	p2 =	seq.s32 s10, $0x1;
	s10 =	sld [smem:$0x3FBA]  }
0x3d: {  	_ =	shalt  }
0x3e: {  	_ =	shalt  }
0x3f: {  	_ =	shalt  }
0x40: {  	_ =	shalt  }
0x41: {  	_ =	shalt  }
0x42: {  	_ =	shalt  }
0x43: {  	_ =	shalt  }
0x44: {  	_ =	shalt  }
0x45: {  	_ =	shalt  }
0x46: {  	_ =	shalt  }
0x47: {  	_ =	shalt  }
0x48: {  	_ =	shalt  }
0x49: {  	_ =	shalt  }
0x4a: {  	_ =	shalt  }
0x4b: {  	_ =	shalt  }
0x4c: {  	_ =	shalt  }
0x4d: {  	_ =	shalt  }
0x4e: {  	_ =	shalt  }
0x4f: {  	_ =	shalt  }
0x50: {  	_ =	shalt  }
0x51: {  	_ =	shalt  }
0x52: {  	_ =	shalt  }
0x53: {  	_ =	shalt  }
0x54: {  	_ =	shalt  }
0x55: {  	_ =	shalt  }
0x56: {  	_ =	shalt  }
0x57: {  	_ =	shalt  }
0x58: {  	_ =	shalt  }
0x59: {  	_ =	shalt  }
0x5a: {  	_ =	shalt  }
0x5b: {  	_ =	shalt  }
0x5c: {  	_ =	shalt  }
0x5d: {  	_ =	shalt  }
0x5e: {  	_ =	shalt  }
0x5f: {  	_ =	shalt  }
0x60: {  	_ =	shalt  }
0x61: {  	_ =	shalt  }
0x62: {  	_ =	shalt  }
0x63: {  	_ =	shalt  }
0x64: {  	_ =	shalt  }
0x65: {  	_ =	shalt  }
0x66: {  	_ =	shalt  }
0x67: {  	_ =	shalt  }
0x68: {  	_ =	shalt  }
0x69: {  	_ =	shalt  }
0x6a: {  	_ =	shalt  }
0x6b: {  	_ =	shalt  }
0x6c: {  	_ =	shalt  }
0x6d: {  	_ =	shalt  }
0x6e: {  	_ =	shalt  }
0x6f: {  	_ =	shalt  }
0x70: {  	_ =	shalt  }
0x71: {  	_ =	shalt  }
0x72: {  	_ =	shalt  }
0x73: {  	_ =	shalt  }
0x74: {  	_ =	shalt  }
0x75: {  	_ =	shalt  }
0x76: {  	_ =	shalt  }
0x77: {  	_ =	shalt  }
0x78: {  	_ =	shalt  }
0x79: {  	_ =	shalt  }
0x7a: {  	_ =	shalt  }
0x7b: {  	_ =	shalt  }
0x7c: {  	_ =	shalt  }
0x7d: {  	_ =	shalt  }
0x7e: {  	_ =	shalt  }
0x7f: {  	_ =	shalt  }
0x80: {  	_ =	shalt  }
0x81: {  	_ =	shalt  }
0x82: {  	_ =	shalt  }
0x83: {  	_ =	shalt  }
0x84: {  	_ =	shalt  }
0x85: {  	_ =	shalt  }
0x86: {  	_ =	shalt  }
0x87: {  	_ =	shalt  }
.Lfunc_end0:
.L_simem_size_0:
called_computation.2_lowered:
.L_overlay_start_0:
0x88: {  	s2 =	sld [smem:$0x3FD9]  }
0x89: {  	s3 =	sld [smem:$0x3FFE];
	_ =	sdelay $0x1  }
0x8a: {  	s1 =	srdreg.scid  }
0x8b: {  	s0 =	sand.u32 $0x1, s1  }
0x8c: {  	s17 =	sshll.u32 s0, $0xA;
	s2 =	sadd.s32 s3, s2  }
0x8d: {  	s2 =	sadd.s32 s2, s17  }
0x8e: {  	[smem:$0x3FC6] =	sst s2  }
0x8f: {  	_ = 	snop  }
0x90: {  	s2 =	sld [smem:$0x3FD0];
	(tm) =	ssettm $0x1  }
0x91: {  	s18 =	sld [smem:$0x3FFB];
	_ =	sdelay $0x3  }
0x92: {  	_ =	strace s18  }
0x93: {  	s3 =	sld [smem:$0x3FFC];
	_ =	sdelay $0x3  }
0x94: {  	_ =	strace s3  }
0x95: {  	s3 =	sld [smem:$0x3FFD];
	_ =	sdelay $0x3  }
0x96: {  	_ =	strace s3  }
0x97: {  	_ =	strace $0x8FFFFFFF  }
0x98: {  	s19 =	sld [smem:$0x3FDB];
	_ =	sdelay $0x1  }
0x99: {  	s4 =	simm.s32 $_scs_section_size  }
0x9a: {  	s5 =	simm.s32 $_size__tile_overlayer_lowered;
	s6 =	simm.s32 $_tile_overlayer_lowered  }
0x9b: {  	s22 =	simm.s32 $0x1BFF;
	s21 =	sshll.u32 s6, $0x1;
	s3 =	sadd.s32 s4, s19  }
0x9c: {  	s7 =	simm.s32 $0x0;
	s20 =	sshll.u32 s5, $0x1;
	s5 =	sadd.s32 s21, s3  }
0x9d: {  	[timem:s7], [sflag:s22] =	dma.local [hbm:s5], s20  }
0x9e: {  	_ =	swait.ge [sflag:s22], s20  }
0x9f: {  	s4 =	ssub.s32 $0x0, s20;
	[sflag:s22] =	ssyncset.done $0x0  }
0xa0: {  	[sflag:s22] =	ssyncadd.s32 s4;
	_ =	sdelay $0x1  }
0xa1: {  	s23 =	simm.s32 $0x1B8B  }
0xa2: {  	_ =	swait.ge [sflag:s23], $0x1  }
0xa3: {  	[sflag:s23] =	ssyncset.done $0x0  }
0xa4: {  	s25 =	simm.s32 $0x1B8E;
	s24 =	sld [smem:$0x3FFE];
	[sflag:s23] =	ssyncadd.s32 $0xFFFFFFFF  }
0xa5: {  	s26 =	simm.s32 $execute0_lowered;
	[smem:$0x3FD2] =	sst s25  }
0xa6: {  	s5 =	sshll.u32 s26, $0x1;
	_ =	strace $0x80000049;
	[dreg:$0x1] =	wrdreg $0xFFFFFFFF  }
0xa7: {  	s28 =	simm.s32 $_size_execute0_lowered;
	s3 =	sadd.s32 s3, s5;
	[dreg:$0x0] =	wrdreg $0x0  }
0xa8: {  	s5 =	sshll.u32 s28, $0x1;
	[dreg:$0x2] =	wrdreg s3  }
0xa9: {  	[dreg:$0x3] =	wrdreg s5  }
0xaa: {  	[dreg:$0x4] =	wrdreg $0xC0  }
0xab: {  	_ =	task [dreg:s7], $0x5FFFF  }
0xac: {  	[dreg:$0x1] =	wrdreg $0xFFFFFFFF  }
0xad: {  	[dreg:$0x0] =	wrdreg $0x60  }
0xae: {  	[dreg:$0x2] =	wrdreg s24  }
0xaf: {  	[dreg:$0x3] =	wrdreg s2  }
0xb0: {  	[dreg:$0x4] =	wrdreg $0x58800  }
0xb1: {  	[dreg:$0x5] =	wrdreg $0x9  }
0xb2: {  	_ =	task.clear_ibuf [dreg:s7], $0x6FFFF;
	_ =	strace $0x90000049  }
0xb3: {  	s29 =	simm.s32 $0x9;
	_ =	strace $0x8000004B  }
0xb4: {  	_ =	swait.ge [sflag:s29], $0x1  }
0xb5: {  	[sflag:s29] =	ssyncadd.s32 $0xFFFFFFFF  }
0xb6: {  	_ =	strace $0x9000004B  }
0xb7: {  	_ =	sfence  }
0xb8: {  	s30 =	sld [smem:$0x0];
	_ =	sdelay $0x2  }
0xb9: {  	s31 =	sshll.u32 s1, $0xD;
	s1 =	sshrl.u32 s1, $0x2  }
0xba: {  	s3 =	sand.u32 $0x4000, s31;
	s1 =	sadd.s32 s1, s30  }
0xbb: {  	s0 =	sor.u32 s3, s0;
	s1 =	sshll.u32 s1, $0x11  }
0xbc: {  	s0 =	sor.u32 s1, s0  }
0xbd: {  	s0 =	sadd.s32 $0x8F2B, s0  }
0xbe: {  	[sflag:s0] =	ssyncadd.remote.s32 $0x1  }
0xbf: {  	_ =	sfence.sel $0xFFFF  }
0xc0: {  	[dreg:$0x0] =	wrdreg $0xFFFFFFFF;
	(pc) =	sbr.abs _section_cstart, $3  }
0xc1: {  	[dreg:$0x1] =	wrdreg $0xFFFFFFFF  }
0xc2: {  	_ =	task.clear_ibuf [dreg:s7], $0x2FFFF;
	_ =	strace $0x9FFFFFFF  }
0xc3: {  	(tm) =	ssettm $0x7FFFFFFF  }
tec
execute0_lowered:
.L_overlay_start_1:
0x0: {  	(tag) =	ssettag $0x1  }
0x1: {  	s0 =	rddreg [dreg:$0x0]  }
0x2: {  	s6 =	rddreg [dreg:$0x1]  }
0x3: {  	s2 =	rddreg [dreg:$0x2];
	s3 =	simm.s32 $0x0  }
0x4: {  	s1 =	srdreg.scid;
	s8 =	stileid.u32;
	s28 =	simm.s32 $0x1  }
0x5: {  	s29 =	simm.s32 $0x10;
	[smem:$0x7FF] =	sst s3;
	s5 =	sadd.s32 $0x24D000, s0  }
0x6: {  	s10 =	sand.u32 $0x1, s1;
	s7 =	sadd.s32 $0x3AF5000, s0;
	s20 =	sshll.u32 s8, $0x4  }
0x7: {  	s9 =	sshll.u32 s8, $0x10;
	s22 =	smul.u32 $0xC000, s8;
	s30 =	sshll.u32 s8, $0x1  }
0x8: {  	s8 =	sshllo.u32 s8, $0x1;
	_ =	strace $0x8000004A;
	s4 =	ssub.s32 $0x2, s10  }
0x9: {  	s0 =	sadd.s32 s20, s0;
	[dreg:$0x4] =	wrdreg s9;
	s9 =	sadd.s32 s9, s2  }
0xa: {  	s13 =	smov.u32 s10;
	s23 =	sxor.u32 $0x13, s10;
	[dreg:$0x9] =	wrdreg s30  }
0xb: {  	[dreg:$0xa] =	wrdreg s8;
	s21 =	sshrl.u32 s4, $0x1;
	s0 =	sadd.s32 $0x739D000, s0  }
0xc: {  	[dreg:$0x6] =	wrdreg s23;
	s24 =	sadd.s32 $0x4000, s9;
	s25 =	sadd.s32 $0x8000, s9  }
0xd: {  	s14 =	sadd.s32 $0xC000, s9;
	s26 =	sshrl.u32 s22, $0x3;
	s18 =	sadd.s32 s22, s2  }
.Ltmp0:
0xe: {  	s22 =	simm.s32 $0x1880;
	[dreg:$0x5] =	wrdreg s0;
	(pc) =	sbr.rel .LBB2_1-.Ltmp0, $4  }
0xf: {  	s23 =	simm.s32 $0x2;
	s1 =	ssub.s32 s4, s21;
	[dreg:$0x7] =	wrdreg s24  }
0x10: {  	[dreg:$0x8] =	wrdreg s25;
	s0 =	sadd.s32 s26, s6;
	s24 =	simm.s32 $0x4  }
0x11: {  	s25 =	simm.s32 $0x800;
	s26 =	simm.s32 $0x1000;
	s31 =	smax.u32 s1, $0x1  }
0x12: {  	v0 =	vimm.f32 $0.0e+00;
	v1 =	vlaneseq.u32;
	s17 =	sadd.s32 $0x480000, s0;
	s1 =	simm.s32 $0x0;
	[dreg:$0xb] =	wrdreg s31  }
.LBB2_15:
0x13: {  	s1 =	rddreg [dreg:$0xc]  }
0x14: {  	s0 =	rddreg [dreg:$0xb];
	s1 =	sadd.s32 $0x1, s1  }
0x15: {  	p0 =	sne.s32 s1, s0  }
.Ltmp1:
0x16: {  	_ = 	snop;
	(pc) =	sbr.rel @!p0 .LBB2_16-.Ltmp1, $1  }
0x17: {  	_ =	sdelay $0x3  }
.LBB2_1:
0x18: {  	[dreg:$0xc] =	wrdreg s1  }
0x19: {  	s0 =	rddreg [dreg:$0x5];
	s30 =	simm.s32 $0x1800;
	s31 =	simm.s32 $0x3  }
0x1a: {  	[tilespmem:s30], [sflag:$0x3] =	stream.linear.gather [hbm4b:s0+s3], $0x80, $0x38;
	[tilespmem:$0x15880] =	vst v63  }
0x1b: {  	_ =	swait.ge [sflag:s31], $0x80  }
0x1c: {  	[sflag:s31] =	ssyncset.done $0x0  }
0x1d: {  	s0 =	simm.s32 $0x0;
	[sflag:s31] =	ssyncadd.s32 $0xFFFFFF80  }
.LBB2_2:
0x1e: {  	p0 =	sne.s32 s0, $0xFFC0  }
.Ltmp2:
0x1f: {  	_ = 	snop;
	(pc) =	sbr.rel @p0 .LBB2_2-.Ltmp2, $3  }
0x20: {  	_ =	sdelay $0x1  }
0x21: {  	s1 =	sshra.s32 s0, $0x2  }
0x22: {  	s0 =	sadd.s32 $0x40, s0;
	[tilespmem:s1+$0x1880] =	vst v0  }
.Ltmp3:
0x23: {  	(pc) =	sbr.rel .LBB2_4-.Ltmp3, $2  }
0x24: {  	_ =	sdelay $0x2  }
0x25: {  	s30 =	simm.s32 $0x0  }
.LBB2_14:
0x26: {  	p0 =	sgt.u32 s30, $0x11  }
0x27: {  	p1 =	sne.s32 @p0 s31, $0x24  }
0x28: {  	s4 =	stileid.u32;
	p1 =	por p1, !p0  }
0x29: {  	s0 =	sshll.u32 @!p1 s4, $0x6  }
0x2a: {  	[bflag:$0x0] =	sbarrier.arrive $0xFFFF;
	s1 =	sshrl.u32 @!p1 s18, $0x3;
	s0 =	sor.u32 @!p1 $0x1C03, s0  }
0x2b: {  	[hbm:s17], [sflag:s0] =	dma.local @!p1 [spmem:s1], $0x1800  }
0x2c: {  	s0 =	simm.s32 @!p1 $0x3  }
0x2d: {  	_ =	swait.ge @!p1 [sflag:s0], $0x1800  }
0x2e: {  	s1 =	sshll.u32 @!p0 s31, $0x14;
	[sflag:s0] =	ssyncset.done @!p1 $0x0;
	s6 =	rddreg [dreg:$0x4]  }
0x2f: {  	s1 =	sor.u32 @!p0 s6, s1;
	[sflag:s0] =	ssyncadd.s32 @!p1 $0xFFFFE800  }
0x30: {  	s0 =	sshrl.u32 @!p0 s1, $0x3;
	s1 =	sshll.u32 @!p0 s4, $0x6;
	s4 =	rddreg [dreg:$0x1]  }
0x31: {  	s0 =	sadd.s32 @!p0 s4, s0;
	s1 =	sor.u32 @!p0 $0x1C04, s1;
	s4 =	sshrl.u32 @!p0 s9, $0x3  }
0x32: {  	[hbm:s0], [sflag:s1] =	dma.local @!p0 [spmem:s4], $0x2000  }
0x33: {  	s0 =	simm.s32 @!p0 $0x4  }
0x34: {  	_ =	swait.ge @!p0 [sflag:s0], $0x2000  }
0x35: {  	s30 =	sadd.s32 $0x1, s30;
	s31 =	rddreg [dreg:$0x6]  }
0x36: {  	p1 =	sne.s32 s30, s31  }
.Ltmp4:
0x37: {  	_ = 	snop;
	(pc) =	sbr.rel @!p1 .LBB2_15-.Ltmp4, $3  }
0x38: {  	_ =	sdelay $0x1  }
0x39: {  	[sflag:s0] =	ssyncset.done @!p0 $0x0  }
0x3a: {  	s6 =	stileid.u32;
	[sflag:s0] =	ssyncadd.s32 @!p0 $0xFFFFE000  }
.LBB2_4:
0x3b: {  	[spmem:s9] =	stream.linear.scatter [tilespmem:s22], [sflag:$0x2], $0x4000, $0x38;
	[tilespmem:$0x15880] =	vst v63  }
0x3c: {  	s0 =	rddreg [dreg:$0x7]  }
0x3d: {  	[spmem:s0] =	stream.linear.scatter [tilespmem:s22], [sflag:$0x2], $0x4000, $0x38;
	[tilespmem:$0x15880] =	vst v63  }
0x3e: {  	s20 =	rddreg [dreg:$0x8]  }
0x3f: {  	[spmem:s20] =	stream.linear.scatter [tilespmem:s22], [sflag:$0x2], $0x4000, $0x38;
	[tilespmem:$0x15880] =	vst v63  }
0x40: {  	_ = 	snop  }
0x41: {  	[spmem:s14] =	stream.linear.scatter [tilespmem:s22], [sflag:$0x2], $0x4000, $0x38;
	[tilespmem:$0x15880] =	vst v63  }
0x42: {  	_ =	swait.ge [sflag:s23], $0x4000  }
0x43: {  	[sflag:s23] =	ssyncset.done $0x0  }
0x44: {  	[sflag:s23] =	ssyncadd.s32 $0xFFFFC000  }
0x45: {  	_ =	swait.ge [sflag:s23], $0x4000  }
0x46: {  	[sflag:s23] =	ssyncset.done $0x0  }
0x47: {  	[sflag:s23] =	ssyncadd.s32 $0xFFFFC000  }
0x48: {  	_ =	swait.ge [sflag:s23], $0x4000  }
0x49: {  	[sflag:s23] =	ssyncset.done $0x0  }
0x4a: {  	[sflag:s23] =	ssyncadd.s32 $0xFFFFC000  }
0x4b: {  	_ =	swait.ge [sflag:s23], $0x4000  }
0x4c: {  	[sflag:s23] =	ssyncset.done $0x0  }
0x4d: {  	s1 =	sshll.u32 s30, $0x1;
	[sflag:s23] =	ssyncadd.s32 $0xFFFFC000  }
0x4e: {  	s0 =	sand.u32 $0xFFFFFFF0, s1;
	[bflag:$0x0] =	sbarrier.arrive $0xFFFF  }
0x4f: {  	v2 =	vld [tilespmem:s0+$0x1800]  }
0x50: {  	s31 =	sor.u32 s13, s1  }
0x51: {  	s1 =	sand.u32 $0xF, s31  }
0x52: {  	v3 =	vmov s1  }
0x53: {  	vm0 =	veq.s32 v3, v1  }
0x54: {  	v2 =	vnsel vm0, $0x0, v2  }
0x55: {  	(xrf0) =	vadd.scan.msk.s32 $0xffff, v2;
	_ =	sdelay $0x5  }
0x56: {  	v2, _, _ =	vpop (xrf0)  }
0x57: {  	(v2sf) =	vpush v2, $0xF;
	_ =	sdelay $0xe  }
0x58: {  	s21 =	spop (v2sf)  }
0x59: {  	s1 =	sadd.s32 $0x7FF, s21  }
0x5a: {  	s10 =	sshrl.u32 s1, $0xB  }
0x5b: {  	p0 =	seq.s32 s10, $0x0  }
.Ltmp5:
0x5c: {  	_ = 	snop;
	(pc) =	sbr.rel @p0 .LBB2_9-.Ltmp5, $2  }
0x5d: {  	_ =	sdelay $0x2  }
0x5e: {  	s20 =	sshll.u32 s31, $0x5  }
0x5f: {  	s1 =	rddreg [dreg:$0x9]  }
0x60: {  	s1 =	sor.u32 s1, s20  }
0x61: {  	v2 =	vbroadcast v2, $0xF;
	s21 =	simm.s32 $0x0;
	s8 =	simm.s32 $0x10;
	s19 =	smul.u32 $0x62000, s1  }
.LBB2_6:
0x62: {  	s1 =	sshll.u32 s21, $0xB  }
0x63: {  	s1 =	sadd.s32 s19, s1  }
0x64: {  	s1 =	sshrl.u32 s1, $0x3  }
0x65: {  	s4 =	sadd.s32 s5, s1  }
0x66: {  	[tilespmem:s3], [sflag:$0x4] =	stream.linear.gather [hbm4b:s4+s3], $0x800, $0x38;
	[tilespmem:$0x15880] =	vst v63  }
0x67: {  	_ =	swait.ge [sflag:s24], $0x800  }
0x68: {  	[sflag:s24] =	ssyncset.done $0x0  }
0x69: {  	s1 =	sadd.s32 s7, s1;
	[sflag:s24] =	ssyncadd.s32 $0xFFFFF800  }
0x6a: {  	[tilespmem:s25], [sflag:$0x4] =	stream.linear.gather [hbm4b:s1+s3], $0x800, $0x38;
	[tilespmem:$0x15880] =	vst v63  }
0x6b: {  	_ =	swait.ge [sflag:s24], $0x800  }
0x6c: {  	[sflag:s24] =	ssyncset.done $0x0  }
0x6d: {  	[sflag:s24] =	ssyncadd.s32 $0xFFFFF800  }
0x6e: {  	s15 =	simm.s32 $0x810;
	v3 =	vld [tilespmem:s29+$0xFFFFFFF0]  }
0x6f: {  	v4 =	vld [tilespmem:s15+$0xFFFFFFF0];
	_ =	sdelay $0x1  }
0x70: {  	s11 =	sadd.s32 $0xFFFFFFF0, s8  }
0x71: {  	v5 =	vor.u32 s11, v1  }
0x72: {  	s12 =	simm.s32 $0x1010;
	vm1 =	vlt.s32 v5, v2;
	v3 =	vand.u32 $0xFFFFF, v3  }
0x73: {  	[tilespmem:s12+$0xFFFFFFF0] =	vst v3;
	v3 =	vnsel vm1, $0x0, v4  }
0x74: {  	[tilespmem:s15+$0xFFFFFFF0] =	vst v3  }
0x75: {  	v3 =	vld [tilespmem:s29+$0x0]  }
0x76: {  	v4 =	vld [tilespmem:s15+$0x0];
	_ =	sdelay $0x2  }
0x77: {  	v5 =	vor.u32 s8, v1  }
0x78: {  	s16 =	simm.s32 $0x0;
	s6 =	simm.s32 $0x1030;
	vm1 =	vlt.s32 v5, v2;
	v3 =	vand.u32 $0xFFFFF, v3  }
0x79: {  	s11 =	simm.s32 $0x10;
	s4 =	simm.s32 $0x830;
	s1 =	smov.u32 s8;
	[tilespmem:s12+$0x0] =	vst v3;
	v3 =	vnsel vm1, $0x0, v4  }
.LBB2_7:
0x7a: {  	s16 =	sadd.s32 $0x2, s16;
	[tilespmem:s15+$0x0] =	vst v3;
	s1 =	sadd.s32 $0x20, s1;
	s11 =	sadd.s32 $0x20, s11  }
0x7b: {  	s15 =	smov.u32 s4;
	v3 =	vld [tilespmem:s11+$0xFFFFFFF0];
	p0 =	slt.u32 s16, $0x7E  }
0x7c: {  	v4 =	vld [tilespmem:s4+$0xFFFFFFF0];
	_ =	sdelay $0x1  }
0x7d: {  	s12 =	sadd.s32 $0xFFFFFFF0, s1  }
0x7e: {  	v5 =	vor.u32 s12, v1  }
0x7f: {  	vm1 =	vlt.s32 v5, v2;
	v3 =	vand.u32 $0xFFFFF, v3  }
0x80: {  	[tilespmem:s6+$0xFFFFFFF0] =	vst v3;
	v3 =	vnsel vm1, $0x0, v4  }
0x81: {  	[tilespmem:s4+$0xFFFFFFF0] =	vst v3  }
0x82: {  	v3 =	vld [tilespmem:s11+$0x0]  }
0x83: {  	v4 =	vld [tilespmem:s4+$0x0]  }
.Ltmp6:
0x84: {  	(pc) =	sbr.rel @p0 .LBB2_7-.Ltmp6, $4  }
0x85: {  	_ = 	snop  }
0x86: {  	v5 =	vor.u32 s1, v1  }
0x87: {  	vm1 =	vlt.s32 v5, v2;
	v3 =	vand.u32 $0xFFFFF, v3  }
0x88: {  	s4 =	sadd.s32 $0x20, s4;
	[tilespmem:s6+$0x0] =	vst v3;
	v3 =	vnsel vm1, $0x0, v4;
	s6 =	sadd.s32 $0x20, s6  }
0x89: {  	s21 =	sadd.s32 $0x1, s21  }
0x8a: {  	p0 =	sne.s32 s21, s10  }
.Ltmp7:
0x8b: {  	[tilespmem:s15+$0x0] =	vst v3;
	(pc) =	sbr.rel @p0 .LBB2_6-.Ltmp7, $4  }
0x8c: {  	[spmem:s2] =	stream.indirect.scatter.add.f32 [tilespmem:s25], [sflag:$0x1], $0x1, s26, s25, $0xb8;
	[tilespmem:$0x15880] =	vst v63  }
0x8d: {  	_ =	swait.ge [sflag:s28], $0x800  }
0x8e: {  	[sflag:s28] =	ssyncset.done $0x0  }
0x8f: {  	s8 =	sadd.s32 $0x800, s8;
	[sflag:s28] =	ssyncadd.s32 $0xFFFFF800  }
.LBB2_9:
0x90: {  	v2 =	vld [tilespmem:s0+$0x1840];
	_ =	sdelay $0x4  }
0x91: {  	v2 =	vnsel vm0, $0x0, v2  }
0x92: {  	(xrf0) =	vadd.scan.msk.s32 $0xffff, v2;
	_ =	sdelay $0x5  }
0x93: {  	v2, _, _ =	vpop (xrf0)  }
0x94: {  	(v2sf) =	vpush v2, $0xF;
	_ =	sdelay $0xe  }
0x95: {  	s21 =	spop (v2sf)  }
0x96: {  	s0 =	sadd.s32 $0x7FF, s21  }
0x97: {  	s0 =	sshrl.u32 s0, $0xB  }
0x98: {  	p0 =	seq.s32 s0, $0x0  }
.Ltmp8:
0x99: {  	_ = 	snop;
	(pc) =	sbr.rel @p0 .LBB2_14-.Ltmp8, $1  }
0x9a: {  	_ =	sdelay $0x3  }
0x9b: {  	s1 =	rddreg [dreg:$0xa]  }
0x9c: {  	s19 =	simm.s32 $0x0;
	s1 =	sor.u32 s1, s20  }
0x9d: {  	v2 =	vbroadcast v2, $0xF;
	s20 =	simm.s32 $0x10;
	s10 =	smul.u32 $0x62000, s1;
	s1 =	simm.s32 $0x10  }
.LBB2_11:
0x9e: {  	s4 =	sshll.u32 s19, $0xB  }
0x9f: {  	s4 =	sadd.s32 s10, s4  }
0xa0: {  	s4 =	sshrl.u32 s4, $0x3  }
0xa1: {  	s6 =	sadd.s32 s5, s4  }
0xa2: {  	[tilespmem:s3], [sflag:$0x4] =	stream.linear.gather [hbm4b:s6+s3], $0x800, $0x38;
	[tilespmem:$0x15880] =	vst v63  }
0xa3: {  	_ =	swait.ge [sflag:s24], $0x800  }
0xa4: {  	[sflag:s24] =	ssyncset.done $0x0  }
0xa5: {  	s4 =	sadd.s32 s7, s4;
	[sflag:s24] =	ssyncadd.s32 $0xFFFFF800  }
0xa6: {  	[tilespmem:s25], [sflag:$0x4] =	stream.linear.gather [hbm4b:s4+s3], $0x800, $0x38;
	[tilespmem:$0x15880] =	vst v63  }
0xa7: {  	_ =	swait.ge [sflag:s24], $0x800  }
0xa8: {  	[sflag:s24] =	ssyncset.done $0x0  }
0xa9: {  	[sflag:s24] =	ssyncadd.s32 $0xFFFFF800  }
0xaa: {  	s15 =	simm.s32 $0x810;
	v3 =	vld [tilespmem:s20+$0xFFFFFFF0]  }
0xab: {  	v4 =	vld [tilespmem:s15+$0xFFFFFFF0];
	_ =	sdelay $0x1  }
0xac: {  	s16 =	sadd.s32 $0xFFFFFFF0, s1  }
0xad: {  	v5 =	vor.u32 s16, v1  }
0xae: {  	s21 =	simm.s32 $0x1010;
	vm0 =	vlt.s32 v5, v2;
	v3 =	vand.u32 $0xFFFFF, v3  }
0xaf: {  	[tilespmem:s21+$0xFFFFFFF0] =	vst v3;
	v3 =	vnsel vm0, $0x0, v4  }
0xb0: {  	[tilespmem:s15+$0xFFFFFFF0] =	vst v3  }
0xb1: {  	v3 =	vld [tilespmem:s20+$0x0]  }
0xb2: {  	v4 =	vld [tilespmem:s15+$0x0];
	_ =	sdelay $0x2  }
0xb3: {  	v5 =	vor.u32 s1, v1  }
0xb4: {  	s8 =	smov.u32 s1;
	s11 =	simm.s32 $0x10;
	vm15 =	vlt.s32 v5, v2;
	v3 =	vand.u32 $0xFFFFF, v3  }
0xb5: {  	s16 =	simm.s32 $0x0;
	s6 =	simm.s32 $0x1030;
	s4 =	simm.s32 $0x830;
	[tilespmem:s21+$0x0] =	vst v3;
	v3 =	vnsel vm15, $0x0, v4  }
.LBB2_12:
0xb6: {  	s16 =	sadd.s32 $0x2, s16;
	[tilespmem:s15+$0x0] =	vst v3;
	s8 =	sadd.s32 $0x20, s8;
	s11 =	sadd.s32 $0x20, s11  }
0xb7: {  	s15 =	smov.u32 s4;
	v3 =	vld [tilespmem:s11+$0xFFFFFFF0];
	p0 =	slt.u32 s16, $0x7E  }
0xb8: {  	v4 =	vld [tilespmem:s4+$0xFFFFFFF0];
	_ =	sdelay $0x1  }
0xb9: {  	s12 =	sadd.s32 $0xFFFFFFF0, s8  }
0xba: {  	v5 =	vor.u32 s12, v1  }
0xbb: {  	vm0 =	vlt.s32 v5, v2;
	v3 =	vand.u32 $0xFFFFF, v3  }
0xbc: {  	[tilespmem:s6+$0xFFFFFFF0] =	vst v3;
	v3 =	vnsel vm0, $0x0, v4  }
0xbd: {  	[tilespmem:s4+$0xFFFFFFF0] =	vst v3  }
0xbe: {  	v3 =	vld [tilespmem:s11+$0x0]  }
0xbf: {  	v4 =	vld [tilespmem:s4+$0x0]  }
.Ltmp9:
0xc0: {  	(pc) =	sbr.rel @p0 .LBB2_12-.Ltmp9, $4  }
0xc1: {  	_ = 	snop  }
0xc2: {  	v5 =	vor.u32 s8, v1  }
0xc3: {  	vm0 =	vlt.s32 v5, v2;
	v3 =	vand.u32 $0xFFFFF, v3  }
0xc4: {  	s4 =	sadd.s32 $0x20, s4;
	[tilespmem:s6+$0x0] =	vst v3;
	v3 =	vnsel vm0, $0x0, v4;
	s6 =	sadd.s32 $0x20, s6  }
0xc5: {  	[tilespmem:s15+$0x0] =	vst v3;
	s19 =	sadd.s32 $0x1, s19  }
0xc6: {  	[spmem:s2] =	stream.indirect.scatter.add.f32 [tilespmem:s25], [sflag:$0x1], $0x1, s26, s25, $0xb8;
	[tilespmem:$0x15880] =	vst v63  }
0xc7: {  	p0 =	sne.s32 s19, s0  }
.Ltmp10:
0xc8: {  	_ = 	snop;
	(pc) =	sbr.rel @p0 .LBB2_11-.Ltmp10, $4  }
.Ltmp11:
0xc9: {  	_ = 	snop;
	(pc) =	sbr.rel @!p0 .LBB2_14-.Ltmp11, $4  }
0xca: {  	_ =	swait.ge [sflag:s28], $0x800  }
0xcb: {  	[sflag:s28] =	ssyncset.done $0x0  }
0xcc: {  	s1 =	sadd.s32 $0x800, s1;
	[sflag:s28] =	ssyncadd.s32 $0xFFFFF800  }
0xcd: {  	_ = 	snop  }
.LBB2_16:
0xce: {  	_ =	sfence.sel $0x180000  }
0xcf: {  	[bflag:$0x0] =	sbarrier.arrive $0xFFFF  }
0xd0: {  	_ =	strace $0x9000004A  }
0xd1: {  	[bflag:$0x2] =	sbarrier.arrive $0xFFFF  }
0xd2: {  	p0 =	sne.s32 s6, $0x0;
	s0 =	rddreg [dreg:$0x3]  }
0xd3: {  	s0 =	sadd.s32 @!p0 $0x100000, s0  }
0xd4: {  	[sflag:s0] =	ssyncadd.tile.s32 @!p0 $0x1;
	_ =	shalt  }
.Lfunc_end2:
_tile_overlayer_lowered:
.L_overlay_start_2:
0xd5: {  	(tag) =	ssettag $0x2  }
0xd6: {  	s0 =	rddreg [dreg:$0x0];
	s2 =	stileid.u32  }
0xd7: {  	s1 =	rddreg [dreg:$0x1];
	p0 =	sne.s32 s2, $0x0  }
0xd8: {  	s3 =	rddreg [dreg:$0x2];
	[bflag:$0x3] =	sbarrier.arrive $0xFFFF;
	s2 =	simm.s32 @!p0 $0x1C03  }
0xd9: {  	[timem:s3], [sflag:s2] =	dma.local @!p0 [hbm:s0], s1  }
0xda: {  	s0 =	simm.s32 @!p0 $0x3  }
0xdb: {  	_ =	swait.ge @!p0 [sflag:s0], s1  }
0xdc: {  	s1 =	ssub.s32 @!p0 $0x0, s1;
	[sflag:s0] =	ssyncset.done @!p0 $0x0  }
0xdd: {  	[sflag:s0] =	ssyncadd.s32 @!p0 s1  }
0xde: {  	[bflag:$0x3] =	sbarrier.arrive $0xFFFF  }
0xdf: {  	_ =	shalt  }

// kernel: sparse-core-data-format-call.cloned.1.call-start
scs
called_computation_lowered:
.L_overlay_start_0:
0x0: {  	s2 =	sld [smem:$0x3FD9]  }
0x1: {  	s3 =	sld [smem:$0x3FFE];
	_ =	sdelay $0x1  }
0x2: {  	s1 =	srdreg.scid  }
0x3: {  	s0 =	sand.u32 $0x1, s1  }
0x4: {  	s18 =	sshll.u32 s0, $0xA;
	s2 =	sadd.s32 s3, s2  }
0x5: {  	s2 =	sadd.s32 s2, s18  }
0x6: {  	[smem:$0x3FC6] =	sst s2  }
0x7: {  	_ = 	snop  }
0x8: {  	s2 =	sld [smem:$0x3FD0];
	(tm) =	ssettm $0x1  }
0x9: {  	s19 =	sld [smem:$0x3FFB];
	_ =	sdelay $0x3  }
0xa: {  	_ =	strace s19  }
0xb: {  	s3 =	sld [smem:$0x3FFC];
	_ =	sdelay $0x3  }
0xc: {  	_ =	strace s3  }
0xd: {  	s3 =	sld [smem:$0x3FFD];
	_ =	sdelay $0x3  }
0xe: {  	_ =	strace s3  }
0xf: {  	_ =	strace $0x8FFFFFFF  }
0x10: {  	s20 =	sld [smem:$0x3FDB];
	_ =	sdelay $0x1  }
0x11: {  	s4 =	simm.s32 $_scs_section_size  }
0x12: {  	s5 =	simm.s32 $_size__tile_overlayer_lowered;
	s6 =	simm.s32 $_tile_overlayer_lowered  }
0x13: {  	s23 =	simm.s32 $0x1BFF;
	s22 =	sshll.u32 s6, $0x1;
	s3 =	sadd.s32 s4, s20  }
0x14: {  	s7 =	simm.s32 $0x0;
	s21 =	sshll.u32 s5, $0x1;
	s5 =	sadd.s32 s22, s3  }
0x15: {  	[timem:s7], [sflag:s23] =	dma.local [hbm:s5], s21  }
0x16: {  	_ =	swait.ge [sflag:s23], s21  }
0x17: {  	s4 =	ssub.s32 $0x0, s21;
	[sflag:s23] =	ssyncset.done $0x0  }
0x18: {  	[sflag:s23] =	ssyncadd.s32 s4;
	_ =	sdelay $0x1  }
0x19: {  	s24 =	simm.s32 $0x1B8B  }
0x1a: {  	_ =	swait.ge [sflag:s24], $0x1  }
0x1b: {  	[sflag:s24] =	ssyncset.done $0x0  }
0x1c: {  	s26 =	simm.s32 $0x1B8E;
	s25 =	sld [smem:$0x3FFE];
	[sflag:s24] =	ssyncadd.s32 $0xFFFFFFFF  }
0x1d: {  	s27 =	simm.s32 $execute0_lowered;
	[smem:$0x3FD2] =	sst s26  }
0x1e: {  	s5 =	sshll.u32 s27, $0x1;
	_ =	strace $0x8000004C;
	[dreg:$0x1] =	wrdreg $0xFFFFFFFF  }
0x1f: {  	s28 =	simm.s32 $_size_execute0_lowered;
	s3 =	sadd.s32 s3, s5;
	[dreg:$0x0] =	wrdreg $0x0  }
0x20: {  	s5 =	sshll.u32 s28, $0x1;
	[dreg:$0x2] =	wrdreg s3  }
0x21: {  	[dreg:$0x3] =	wrdreg s5  }
0x22: {  	[dreg:$0x4] =	wrdreg $0xC0  }
0x23: {  	_ =	task [dreg:s7], $0x5FFFF  }
0x24: {  	[dreg:$0x1] =	wrdreg $0xFFFFFFFF  }
0x25: {  	[dreg:$0x0] =	wrdreg $0x60  }
0x26: {  	[dreg:$0x2] =	wrdreg s25  }
0x27: {  	[dreg:$0x3] =	wrdreg s2  }
0x28: {  	[dreg:$0x4] =	wrdreg $0x9  }
0x29: {  	_ =	task.clear_ibuf [dreg:s7], $0x5FFFF;
	_ =	strace $0x9000004C  }
0x2a: {  	s29 =	simm.s32 $0x9;
	_ =	strace $0x8000004E  }
0x2b: {  	_ =	swait.ge [sflag:s29], $0x1  }
0x2c: {  	[sflag:s29] =	ssyncadd.s32 $0xFFFFFFFF  }
0x2d: {  	_ =	strace $0x9000004E  }
0x2e: {  	_ =	sfence  }
0x2f: {  	s30 =	sld [smem:$0x0];
	_ =	sdelay $0x2  }
0x30: {  	s31 =	sshll.u32 s1, $0xD;
	s1 =	sshrl.u32 s1, $0x2  }
0x31: {  	s3 =	sand.u32 $0x4000, s31;
	s1 =	sadd.s32 s1, s30  }
0x32: {  	s0 =	sor.u32 s3, s0;
	s1 =	sshll.u32 s1, $0x11  }
0x33: {  	s0 =	sor.u32 s1, s0  }
0x34: {  	s0 =	sadd.s32 $0x8F2B, s0  }
0x35: {  	[sflag:s0] =	ssyncadd.remote.s32 $0x1  }
0x36: {  	_ =	sfence.sel $0xFFFF  }
0x37: {  	[dreg:$0x0] =	wrdreg $0xFFFFFFFF;
	(pc) =	sbr.abs _section_cstart, $3  }
0x38: {  	[dreg:$0x1] =	wrdreg $0xFFFFFFFF  }
0x39: {  	_ =	task.clear_ibuf [dreg:s7], $0x2FFFF;
	_ =	strace $0x9FFFFFFF  }
0x3a: {  	(tm) =	ssettm $0x7FFFFFFF  }
0x3b: {  	_ =	shalt  }
tec
execute0_lowered:
.L_overlay_start_1:
0x0: {  	(tag) =	ssettag $0x1  }
0x1: {  	s0 =	rddreg [dreg:$0x0]  }
0x2: {  	s1 =	srdreg.scid;
	_ =	strace $0x8000004D;
	s2 =	stileid.u32  }
0x3: {  	s30 =	simm.s32 $0x1;
	s31 =	simm.s32 $0x2;
	s15 =	simm.s32 $0x0  }
0x4: {  	s16 =	simm.s32 $0x0;
	s17 =	simm.s32 $0x0;
	s8 =	simm.s32 $0x0  }
0x5: {  	s10 =	simm.s32 $0x0;
	s12 =	simm.s32 $0x0;
	s11 =	simm.s32 $0x0  }
.Ltmp0:
0x6: {  	s9 =	simm.s32 $0x0;
	s29 =	sshll.u32 s1, $0x4;
	(pc) =	sbr.rel .LBB1_1-.Ltmp0, $4  }
0x7: {  	s6 =	sadd.s32 $0x1000, s0;
	[sflag:s30] =	ssyncpa.u1 $0x0;
	s0 =	sand.u32 $0x10, s29  }
0x8: {  	s7 =	sand.u32 $0x7, s2;
	[dreg:$0x3] =	wrdreg s6;
	s0 =	sor.u32 s2, s0  }
0x9: {  	[sflag:s31] =	ssyncpa.u1 $0x0;
	[dreg:$0x4] =	wrdreg s7;
	s22 =	sshrl.u32 s0, $0x3  }
0xa: {  	s14 =	smov.u32 s7;
	s13 =	smov.u32 s22;
	[dreg:$0x5] =	wrdreg s22  }
.LBB1_9:
0xb: {  	p0 =	sgt.s32 s8, $0x80;
	s3 =	smul.u32 $0xA8000, s12  }
0xc: {  	s0 =	smov.u32 s8;
	s1 =	sshrl.u32 s8, $0x5;
	s27 =	smul.u32 $0xC00, s10  }
0xd: {  	s4 =	sshrl.u32 s8, $0x3;
	s5 =	rddreg [dreg:$0x1];
	s0 =	simm.s32 @!p0 $0x80  }
0xe: {  	s28 =	sand.u32 $0x7, s8;
	s1 =	sand.u32 $0xFFFFFC, s1;
	s0 =	sadd.s32 s19, s0  }
0xf: {  	s29 =	rddreg [dreg:$0x6];
	s26 =	smulhi.u32 $0x2AAAAAB, s1;
	s2 =	sadd.s32 $0xFFFFFF80, s0  }
0x10: {  	s6 =	rddreg [dreg:$0x3];
	s0 =	ssub.s32 $0x100, s0;
	p0 =	sgt.s32 s2, $0x7F  }
0x11: {  	s7 =	rddreg [dreg:$0x4];
	s2 =	smul.u32 $0x60, s26;
	s0 =	simm.s32 @p0 $0x0  }
0x12: {  	s31 =	simm.s32 $0x800;
	s22 =	rddreg [dreg:$0x5];
	s0 =	smul.u32 s0, s18  }
0x13: {  	s4 =	sand.u32 $0xF, s4;
	s3 =	sadd.s32 s5, s3;
	s1 =	ssub.s32 s1, s2  }
0x14: {  	s2 =	sadd.s32 s27, s3;
	s3 =	sshll.u32 s28, $0x12;
	s0 =	smul.u32 $0x60, s0  }
0x15: {  	s1 =	sshll.u32 s1, $0x5;
	s2 =	sadd.s32 s4, s2;
	s4 =	sor.u32 $0x8000, s29  }
0x16: {  	s30 =	sor.u32 $0x400, s3;
	s1 =	sadd.s32 s1, s2;
	s0 =	sand.u32 $0x3FFFFFE0, s0  }
0x17: {  	[hbm4b:s1+s30] =	stream.strided.scatter [tilespmem:s4], [sflag:$0x2], s0, s31, s30, $0x20;
	[tilespmem:$0x10100] =	vst v63  }
.LBB1_10:
0x18: {  	p0 =	slt.u32 s9, $0x2  }
0x19: {  	p1 =	sgt.s32 @!p0 s17, $0x7  }
0x1a: {  	s0 =	smov.u32 s17;
	s1 =	sshra.s32 @!p0 s17, $0x1F;
	p1 =	por !p1, p0  }
0x1b: {  	s2 =	smov.u32 s16;
	s1 =	sand.u32 @!p0 s1, s17;
	s0 =	simm.s32 @p1 $0x7  }
0x1c: {  	s3 =	sshra.s32 @!p0 s16, $0x1F;
	p1 =	sgt.s32 @!p0 s16, $0xDF;
	s0 =	ssub.s32 @!p0 s0, s1  }
0x1d: {  	s4 =	sshra.s32 @!p0 s15, $0x1F;
	p2 =	por !p1, p0;
	s1 =	sadd.s32 @!p0 $0xFFFFFFF9, s0  }
0x1e: {  	s2 =	simm.s32 @p2 $0xDF;
	p1 =	sgt.s32 @!p0 s1, $0x0;
	s1 =	sand.u32 @!p0 s3, s16  }
0x1f: {  	s0 =	ssub.s32 @!p0 $0x8, s0;
	p2 =	sgt.s32 @!p0 s15, $0x80;
	s1 =	ssub.s32 @!p0 s2, s1  }
0x20: {  	p2 =	por !p2, p0;
	s3 =	smov.u32 s15;
	s2 =	sadd.s32 @!p0 $0xFFFFFF21, s1  }
0x21: {  	s3 =	simm.s32 @p2 $0x80;
	p2 =	sgt.s32 @!p0 s2, $0x0;
	s2 =	sand.u32 @!p0 s4, s15  }
0x22: {  	s0 =	smul.u32 @!p0 $0x60, s0;
	p1 =	por !p1, p0;
	s2 =	ssub.s32 @!p0 s3, s2  }
0x23: {  	s1 =	ssub.s32 @!p0 $0xE0, s1;
	p2 =	por !p2, p0;
	s3 =	sadd.s32 @!p0 $0xFFFFFF80, s2  }
0x24: {  	s0 =	simm.s32 @!p1 $0x0;
	s1 =	simm.s32 @!p2 $0x0;
	p2 =	sgt.s32 @!p0 s3, $0x7F  }
0x25: {  	s2 =	ssub.s32 @!p0 $0x100, s2;
	s0 =	smul.u32 @!p0 s1, s0;
	p1 =	por !p2, p0  }
0x26: {  	s1 =	sadd.s32 $0x80, s11;
	s3 =	smov.u32 s13;
	s2 =	simm.s32 @!p1 $0x0  }
0x27: {  	p1 =	sgt.s32 s1, $0xDF;
	s0 =	smul.u32 @!p0 s2, s0;
	s2 =	sadd.s32 $0x4, s13  }
0x28: {  	s3 =	smov.u32 @p1 s2  }
0x29: {  	s5 =	smov.u32 s14;
	s2 =	sadd.s32 $0x8, s14;
	p2 =	sgt.s32 s3, $0xDF  }
0x2a: {  	s9 =	sadd.s32 $0x1, s9;
	s5 =	smov.u32 @p2 s2  }
0x2b: {  	s17 =	smov.u32 s12;
	s1 =	simm.s32 @p1 $0x0;
	p1 =	sgt.s32 s5, $0x7  }
0x2c: {  	s12 =	smov.u32 s14;
	s5 =	smov.u32 @p1 s7;
	p1 =	sne.s32 s9, $0x72  }
.Ltmp1:
0x2d: {  	s16 =	smov.u32 s10;
	s10 =	smov.u32 s13;
	(pc) =	sbr.rel @!p1 .LBB1_11-.Ltmp1, $4  }
0x2e: {  	s4 =	simm.s32 @!p0 $0x2;
	s15 =	smov.u32 s8;
	s0 =	sand.u32 @!p0 $0x3FFFFFE0, s0  }
0x2f: {  	s8 =	smov.u32 s11;
	s11 =	smov.u32 s1;
	_ =	swait.ge @!p0 [sflag:s4], s0  }
0x30: {  	s0 =	ssub.s32 @!p0 $0x0, s0;
	s3 =	smov.u32 @p2 s22;
	[sflag:s4] =	ssyncset.done @!p0 $0x0  }
0x31: {  	s13 =	smov.u32 s3;
	[sflag:s4] =	ssyncadd.s32 @!p0 s0;
	s14 =	smov.u32 s5  }
.LBB1_1:
0x32: {  	p0 =	sgt.u32 s9, $0x6F;
	s18 =	smov.u32 s14  }
0x33: {  	s0 =	sand.u32 @!p0 $0x1FFFFFF, s11;
	p1 =	sgt.s32 @!p0 s14, $0x7;
	s19 =	sshra.s32 @!p0 s14, $0x1F  }
0x34: {  	s20 =	sshra.s32 @!p0 s13, $0x1F;
	s1 =	smulhi.u32 @!p0 $0x2492493, s0;
	p1 =	por !p1, p0  }
0x35: {  	s19 =	sand.u32 @!p0 s19, s14;
	s20 =	sand.u32 @!p0 s20, s13;
	s18 =	simm.s32 @p1 $0x7  }
0x36: {  	p1 =	sgt.s32 @!p0 s13, $0xDF;
	s1 =	sshrl.u32 @!p0 s1, $0x1;
	s18 =	ssub.s32 @!p0 s18, s19  }
0x37: {  	p1 =	por !p1, p0;
	s19 =	smov.u32 s13;
	s1 =	smul.u32 @!p0 $0xE0, s1  }
0x38: {  	s19 =	simm.s32 @p1 $0xDF;
	p1 =	sgt.s32 @!p0 s11, $0x60;
	s18 =	sadd.s32 @!p0 $0xFFFFFFF9, s18  }
0x39: {  	s19 =	ssub.s32 @!p0 s19, s20;
	p1 =	por !p1, p0;
	s20 =	smov.u32 s11  }
0x3a: {  	p2 =	sgt.s32 @!p0 s18, $0x0;
	s18 =	sshll.u32 @!p0 s18, $0x7;
	s21 =	sadd.s32 @!p0 $0xFFFFFF21, s19  }
0x3b: {  	s20 =	simm.s32 @p1 $0x60;
	p1 =	sgt.s32 @!p0 s21, $0x0;
	s21 =	sshra.s32 @!p0 s11, $0x1F  }
0x3c: {  	s19 =	ssub.s32 @!p0 $0xE0, s19;
	s18 =	ssub.s32 @!p0 $0x80, s18;
	s21 =	sand.u32 @!p0 s21, s11  }
0x3d: {  	p2 =	por !p2, p0;
	p1 =	por !p1, p0;
	s20 =	ssub.s32 @!p0 s20, s21  }
0x3e: {  	s18 =	simm.s32 @!p2 $0x0;
	s19 =	simm.s32 @!p1 $0x0;
	s21 =	sadd.s32 @!p0 $0xFFFFFFA0, s20  }
0x3f: {  	s0 =	ssub.s32 @!p0 s0, s1;
	s18 =	smul.u32 @!p0 s19, s18;
	p1 =	sgt.s32 @!p0 s21, $0x7F  }
0x40: {  	s19 =	ssub.s32 @!p0 $0xE0, s20;
	s20 =	smul.u32 @!p0 $0xC4000, s14;
	p1 =	por !p1, p0  }
0x41: {  	s1 =	smul.u32 @!p0 $0xE00, s13;
	s21 =	sxor.u32 @!p0 $0xFFFFFFFF, s9;
	s19 =	simm.s32 @!p1 $0x0  }
0x42: {  	s21 =	sshll.u32 @!p0 s21, $0xE;
	s18 =	smul.u32 @!p0 s19, s18;
	s19 =	sadd.s32 @!p0 s6, s20  }
0x43: {  	s0 =	sshll.u32 @!p0 s0, $0x4;
	s20 =	sand.u32 @!p0 $0x4000, s21;
	s1 =	sadd.s32 @!p0 s1, s19  }
0x44: {  	s18 =	sand.u32 @!p0 $0x3FFFFF80, s18;
	s0 =	sadd.s32 @!p0 s0, s1;
	s1 =	simm.s32 @!p0 $0x0  }
0x45: {  	[tilespmem:s20], [sflag:$0x1] =	stream.linear.gather @!p0 [hbm4b:s0+s1], s18, $0x38;
	[tilespmem:$0x10100] =	vst v63  }
0x46: {  	p0 =	seq.s32 s9, $0x0  }
0x47: {  	p1 =	seq.s32 @!p0 s9, $0x71  }
0x48: {  	p0 =	por p0, p1  }
.Ltmp2:
0x49: {  	_ = 	snop;
	(pc) =	sbr.rel @p0 .LBB1_10-.Ltmp2, $1  }
0x4a: {  	_ =	sdelay $0x3  }
0x4b: {  	p0 =	sgt.s32 s12, $0x7;
	s0 =	smov.u32 s12;
	s1 =	sshra.s32 s12, $0x1F  }
0x4c: {  	s18 =	sshra.s32 s10, $0x1F;
	s26 =	ssub.s32 $0x0, s8;
	s27 =	sshra.s32 s8, $0x1F  }
0x4d: {  	p1 =	sgt.s32 s8, $0x60;
	s20 =	smov.u32 s8;
	s0 =	simm.s32 @!p0 $0x7  }
0x4e: {  	s1 =	sand.u32 s1, s12;
	p0 =	sgt.s32 s10, $0xDF;
	s18 =	sand.u32 s18, s10  }
0x4f: {  	s20 =	simm.s32 @!p1 $0x60;
	s0 =	ssub.s32 s0, s1;
	s1 =	smov.u32 s10  }
0x50: {  	s19 =	sadd.s32 $0xFFFFFFF9, s0;
	s1 =	simm.s32 @!p0 $0xDF;
	s0 =	ssub.s32 $0x8, s0  }
0x51: {  	p0 =	sgt.s32 s19, $0x0;
	s1 =	ssub.s32 s1, s18;
	s19 =	sand.u32 s26, s27  }
0x52: {  	s21 =	sadd.s32 $0xFFFFFF21, s1;
	s1 =	ssub.s32 $0xE0, s1;
	s18 =	sadd.s32 s19, s20  }
0x53: {  	s0 =	simm.s32 @p0 $0x0;
	p1 =	sgt.s32 s21, $0x0;
	s20 =	sadd.s32 $0xFFFFFFA0, s18  }
0x54: {  	s1 =	simm.s32 @p1 $0x0;
	s28 =	sshll.u32 s20, $0x7;
	p0 =	sgt.s32 s20, $0x7F  }
0x55: {  	s18 =	smul.u32 s0, s1;
	s0 =	ssub.s32 $0x4000, s28;
	s1 =	sadd.s32 $0x1, s12  }
0x56: {  	s20 =	sadd.s32 $0x1, s10;
	s0 =	simm.s32 @p0 $0x0;
	p0 =	slt.s32 s1, $0x8  }
0x57: {  	s1 =	simm.s32 @!p0 $0x8;
	p0 =	slt.s32 s20, $0xE0  }
0x58: {  	s21 =	ssub.s32 s1, s12;
	s20 =	simm.s32 @!p0 $0xE0;
	s1 =	sadd.s32 $0x80, s8  }
0x59: {  	s22 =	ssub.s32 s20, s10;
	p1 =	slt.s32 s1, $0xE0;
	p0 =	slt.s32 s21, $0x1  }
0x5a: {  	s1 =	simm.s32 @!p1 $0xE0;
	p1 =	slt.s32 @!p0 s22, $0x1  }
0x5b: {  	s23 =	ssub.s32 s1, s8;
	p1 =	por p0, p1  }
0x5c: {  	p2 =	slt.s32 @!p1 s23, $0x1  }
0x5d: {  	s0 =	smul.u32 s18, s0;
	p1 =	por p1, p2  }
.Ltmp3:
0x5e: {  	_ = 	snop;
	(pc) =	sbr.rel @p1 .LBB1_9-.Ltmp3, $4  }
0x5f: {  	s2 =	simm.s32 $0x1;
	s29 =	sand.u32 $0x3FFFFF80, s0;
	s0 =	sand.u32 $0x1, s9  }
0x60: {  	_ =	swait.ge [sflag:s2], s29;
	s31 =	smul.u32 $0x4080, s0  }
0x61: {  	s30 =	ssub.s32 $0x0, s29;
	[sflag:s2] =	ssyncset.done $0x0  }
0x62: {  	[sflag:s2] =	ssyncadd.s32 s30;
	[dreg:$0x6] =	wrdreg s31  }
0x63: {  	s24 =	sshll.u32 @!p0 s0, $0xE;
	s0 =	rddreg [dreg:$0x6]  }
0x64: {  	s26 =	simm.s32 $0x0;
	s25 =	sor.u32 @!p0 $0x8000, s0  }
.LBB1_4:
0x65: {  	s27 =	simm.s32 $0x0  }
.LBB1_5:
0x66: {  	s0 =	sadd.s32 s26, s27  }
0x67: {  	s1 =	sshll.u32 s0, $0x10  }
0x68: {  	s1 =	sshra.s32 s1, $0x2  }
0x69: {  	s1 =	sadd.s32 s1, s24  }
0x6a: {  	s29 =	simm.s32 $0x0;
	s7 =	simm.s32 $0x0;
	s0 =	smul.u32 $0x10200, s0;
	v0 =	vmov s1  }
0x6b: {  	s31 =	simm.s32 $0x10;
	s4 =	simm.s32 $0x30;
	s3 =	simm.s32 $0x50  }
0x6c: {  	s31 =	sand.u32 $0x78, s31;
	s4 =	sand.u32 $0x78, s4;
	s0 =	sshra.s32 s0, $0x2  }
0x6d: {  	s31 =	smul.u32 $0x204, s31;
	s28 =	sadd.s32 s0, s25;
	s0 =	sand.u32 $0x78, s7  }
0x6e: {  	s4 =	smul.u32 $0x204, s4;
	s1 =	sand.u32 $0x3F80, s29;
	s2 =	sxor.u32 $0x40, s0  }
0x6f: {  	s30 =	simm.s32 $0x1;
	s3 =	sand.u32 $0x78, s3;
	s2 =	smul.u32 $0x204, s2;
	v1 =	vld.idx.msk [tilespmem:v0+s1+$0x40 ss:$0x1], $0xffff  }
0x70: {  	p0 =	sne.s32 s23, $0x1;
	s5 =	sand.u32 $0x7F, s29;
	s3 =	smul.u32 $0x204, s3  }
0x71: {  	s7 =	simm.s32 $0x20;
	s0 =	smul.u32 $0x204, s0;
	s2 =	sshrl.u32 s2, $0x2;
	v2 =	vld.idx.msk [tilespmem:v0+s1+$0x0 ss:$0x1], $0xffff  }
0x72: {  	s31 =	sshrl.u32 s31, $0x2;
	s7 =	sand.u32 $0x78, s7;
	v3 =	vld.idx.msk [tilespmem:v0+s1+$0x10 ss:$0x1], $0xffff;
	s2 =	sadd.s32 s2, s28  }
0x73: {  	s7 =	smul.u32 $0x204, s7;
	s0 =	sshrl.u32 s0, $0x2;
	v4 =	vld.idx.msk [tilespmem:v0+s1+$0x20 ss:$0x1], $0xffff;
	s2 =	sadd.s32 s5, s2  }
.Ltmp4:
0x74: {  	s4 =	sshrl.u32 s4, $0x2;
	s0 =	sadd.s32 s0, s28;
	[tilespmem:s2+$0x0 ss:$0x81] =	vst.msk $0xffff, v1;
	v1 =	vld.idx.msk [tilespmem:v0+s1+$0x30 ss:$0x1], $0xffff;
	(pc) =	sbr.rel @!p0 .LBB1_7-.Ltmp4, $4  }
0x75: {  	s20 =	sadd.s32 s31, s28;
	s7 =	sshrl.u32 s7, $0x2;
	s0 =	sadd.s32 s5, s0  }
0x76: {  	s3 =	sshrl.u32 s3, $0x2;
	s7 =	sadd.s32 s7, s28;
	[tilespmem:s0+$0x0 ss:$0x81] =	vst.msk $0xffff, v2;
	s2 =	sadd.s32 s5, s20;
	v2 =	vld.idx.msk [tilespmem:v0+s1+$0x50 ss:$0x1], $0xffff  }
0x77: {  	s6 =	sadd.s32 s4, s28;
	s20 =	sadd.s32 s5, s7;
	[tilespmem:s2+$0x0 ss:$0x81] =	vst.msk $0xffff, v3;
	s2 =	sadd.s32 s3, s28  }
0x78: {  	s31 =	simm.s32 $0x2808;
	s1 =	sadd.s32 s5, s6;
	[tilespmem:s20+$0x0 ss:$0x81] =	vst.msk $0xffff, v4;
	s0 =	sadd.s32 s5, s2  }
.LBB1_6:
0x79: {  	s2 =	sadd.s32 $0xFFFFD800, s31;
	s3 =	sadd.s32 $0xFFFFE000, s31;
	[tilespmem:s1+$0x0 ss:$0x81] =	vst.msk $0xffff, v1;
	s1 =	smov.u32 s30  }
0x7a: {  	s30 =	sadd.s32 $0x1, s30;
	s29 =	sadd.s32 $0x80, s29;
	s4 =	sadd.s32 $0xFFFFE800, s31  }
0x7b: {  	s5 =	sadd.s32 $0xFFFFF000, s31;
	s2 =	sshrl.u32 s2, $0x7;
	p0 =	sne.s32 s23, s30;
	[tilespmem:s0+$0x0 ss:$0x81] =	vst.msk $0xffff, v2  }
0x7c: {  	s6 =	sshrl.u32 s31, $0x7;
	s0 =	sand.u32 $0x3F80, s29;
	s2 =	sand.u32 $0x78, s2  }
0x7d: {  	s3 =	sshrl.u32 s3, $0x7;
	s4 =	sshrl.u32 s4, $0x7;
	v3 =	vld.idx.msk [tilespmem:v0+s0+$0x40 ss:$0x1], $0xffff;
	s7 =	sxor.u32 $0x40, s2  }
0x7e: {  	s5 =	sshrl.u32 s5, $0x7;
	s6 =	sand.u32 $0x78, s6;
	v4 =	vld.idx.msk [tilespmem:v0+s0+$0x0 ss:$0x1], $0xffff;
	s7 =	smul.u32 $0x204, s7  }
0x7f: {  	s20 =	sand.u32 $0x7F, s1;
	s3 =	sand.u32 $0x78, s3;
	s4 =	sand.u32 $0x78, s4;
	v5 =	vld.idx.msk [tilespmem:v0+s0+$0x10 ss:$0x1], $0xffff  }
0x80: {  	s5 =	sand.u32 $0x78, s5;
	s1 =	smul.u32 $0x204, s2;
	v6 =	vld.idx.msk [tilespmem:v0+s0+$0x20 ss:$0x1], $0xffff;
	s7 =	sshrl.u32 s7, $0x2  }
0x81: {  	s3 =	smul.u32 $0x204, s3;
	v1 =	vld.idx.msk [tilespmem:v0+s0+$0x30 ss:$0x1], $0xffff;
	s2 =	sadd.s32 s7, s28  }
0x82: {  	s2 =	sadd.s32 s20, s2;
	v2 =	vld.idx.msk [tilespmem:v0+s0+$0x50 ss:$0x1], $0xffff;
	s0 =	sshrl.u32 s1, $0x2;
	s1 =	smul.u32 $0x204, s4  }
0x83: {  	s4 =	smul.u32 $0x204, s6;
	[tilespmem:s2+$0x0 ss:$0x81] =	vst.msk $0xffff, v3  }
0x84: {  	s0 =	sadd.s32 s0, s28;
	s2 =	sshrl.u32 s3, $0x2;
	s3 =	smul.u32 $0x204, s5  }
.Ltmp5:
0x85: {  	s2 =	sadd.s32 s2, s28;
	s1 =	sshrl.u32 s1, $0x2;
	(pc) =	sbr.rel @p0 .LBB1_6-.Ltmp5, $4  }
0x86: {  	s0 =	sadd.s32 s20, s0;
	s1 =	sadd.s32 s1, s28;
	s3 =	sshrl.u32 s3, $0x2  }
0x87: {  	[tilespmem:s0+$0x0 ss:$0x81] =	vst.msk $0xffff, v4;
	s0 =	sadd.s32 s20, s2;
	s2 =	sadd.s32 s3, s28;
	s3 =	sshrl.u32 s4, $0x2  }
0x88: {  	[tilespmem:s0+$0x0 ss:$0x81] =	vst.msk $0xffff, v5;
	s0 =	sadd.s32 s20, s1;
	s1 =	sadd.s32 s20, s2;
	s2 =	sadd.s32 s3, s28  }
0x89: {  	s31 =	sadd.s32 $0x8, s31;
	[tilespmem:s0+$0x0 ss:$0x81] =	vst.msk $0xffff, v6;
	s0 =	sadd.s32 s20, s2  }
.LBB1_7:
0x8a: {  	s27 =	sadd.s32 $0x1, s27  }
0x8b: {  	p0 =	sne.s32 s27, s22  }
.Ltmp6:
0x8c: {  	_ = 	snop;
	(pc) =	sbr.rel @p0 .LBB1_5-.Ltmp6, $3  }
0x8d: {  	_ =	sdelay $0x1  }
0x8e: {  	[tilespmem:s1+$0x0 ss:$0x81] =	vst.msk $0xffff, v1  }
0x8f: {  	[tilespmem:s0+$0x0 ss:$0x81] =	vst.msk $0xffff, v2  }
0x90: {  	s26 =	sadd.s32 $0x1, s26  }
0x91: {  	p0 =	sne.s32 s26, s21  }
.Ltmp7:
0x92: {  	_ = 	snop;
	(pc) =	sbr.rel @p0 .LBB1_4-.Ltmp7, $4  }
.Ltmp8:
0x93: {  	_ = 	snop;
	(pc) =	sbr.rel @!p0 .LBB1_9-.Ltmp8, $4  }
0x94: {  	_ = 	snop  }
0x95: {  	_ = 	snop  }
0x96: {  	_ = 	snop  }
0x97: {  	_ = 	snop  }
.LBB1_11:
0x98: {  	_ =	sfence.sel $0x180000  }
0x99: {  	s0 =	simm.s32 $0x1;
	[bflag:$0x0] =	sbarrier.arrive $0xFFFF  }
0x9a: {  	s30 =	simm.s32 $0x2;
	[sflag:s0] =	ssyncpa.u1 $0x1  }
0x9b: {  	[sflag:s30] =	ssyncpa.u1 $0x1  }
0x9c: {  	_ =	strace $0x9000004D  }
0x9d: {  	s31 =	stileid.u32;
	[bflag:$0x2] =	sbarrier.arrive $0xFFFF  }
0x9e: {  	p0 =	sne.s32 s31, $0x0;
	s0 =	rddreg [dreg:$0x2]  }
0x9f: {  	s0 =	sadd.s32 @!p0 $0x100000, s0  }
0xa0: {  	[sflag:s0] =	ssyncadd.tile.s32 @!p0 $0x1;
	_ =	shalt  }
.Lfunc_end1:
_tile_overlayer_lowered:
.L_overlay_start_2:
0xa1: {  	(tag) =	ssettag $0x2  }
0xa2: {  	s0 =	rddreg [dreg:$0x0];
	s2 =	stileid.u32  }
0xa3: {  	s1 =	rddreg [dreg:$0x1];
	p0 =	sne.s32 s2, $0x0  }
0xa4: {  	s3 =	rddreg [dreg:$0x2];
	[bflag:$0x3] =	sbarrier.arrive $0xFFFF;
	s2 =	simm.s32 @!p0 $0x1C01  }
0xa5: {  	[timem:s3], [sflag:s2] =	dma.local @!p0 [hbm:s0], s1  }
0xa6: {  	s0 =	simm.s32 @!p0 $0x1  }
0xa7: {  	_ =	swait.ge @!p0 [sflag:s0], s1  }
0xa8: {  	s1 =	ssub.s32 @!p0 $0x0, s1;
	[sflag:s0] =	ssyncset.done @!p0 $0x0  }
0xa9: {  	[sflag:s0] =	ssyncadd.s32 @!p0 s1  }
0xaa: {  	[bflag:$0x3] =	sbarrier.arrive $0xFFFF  }
0xab: {  	_ =	shalt  }

</sc_bundles>
